<compile_context>
chip_gen: v7x
topology: tpu7x:2x2x1
jax: 0.10.2.dev20260603
libtpu: 0.0.44.dev20260713+nightly
codegen_flags: <defaults>
</compile_context>

<pallas_src>
import functools

import jax
import jax.numpy as jnp
from jax import lax
from jax.experimental import pallas as pl
from jax.experimental.pallas import tpu as pltpu
from jax.experimental.pallas import tpu_sc as plsc

T = 2048
D = 768
E = 16
FM = 256
G = 8
KG = 4
SCALE = 2.5
TT = 512

NW = 32
TPW = T // NW
L = 16

_DOT_PREC = jax.lax.Precision.DEFAULT


def _dot(a, b):
    return jax.lax.dot_general(a, b, (((1,), (1,)), ((), ())),
                               precision=_DOT_PREC,
                               preferred_element_type=jnp.float32)



def _score_kernel(x_ref, gate_w_ref, gate_b_ref, st_ref, gt_ref):
    st = jax.nn.sigmoid(_dot(gate_w_ref[...], x_ref[...]))
    st_ref[...] = st
    sbt = st + gate_b_ref[...]
    gt_ref[...] = sbt.reshape(G, 2, TT).sum(axis=1)


def _scores(x, gate_w, gate_b):
    return pl.pallas_call(
        _score_kernel,
        grid=(T // TT,),
        in_specs=[
            pl.BlockSpec((TT, D), lambda t: (t, 0)),
            pl.BlockSpec((E, D), lambda t: (0, 0)),
            pl.BlockSpec((E, 1), lambda t: (0, 0)),
        ],
        out_specs=[
            pl.BlockSpec((E, TT), lambda t: (0, t)),
            pl.BlockSpec((G, TT), lambda t: (0, t)),
        ],
        out_shape=[jax.ShapeDtypeStruct((E, T), jnp.float32),
                   jax.ShapeDtypeStruct((G, T), jnp.float32)],
    )(x, gate_w, gate_b.reshape(E, 1))



def _route_kernel(st_hbm, gt_hbm, cw_hbm, s_v, g_v, o_v):
    wid = lax.axis_index("s") * 2 + lax.axis_index("c")
    base = wid * TPW
    pltpu.sync_copy(st_hbm, s_v)
    pltpu.sync_copy(gt_hbm, g_v)
    for c in range(TPW // L):
        sl = pl.ds(base + c * L, L)
        gs = [g_v[g, sl] for g in range(G)]
        zero = jnp.zeros((L,), jnp.float32)
        one = jnp.full((L,), 1.0, jnp.float32)
        sel = []
        for g in range(G):
            rank = zero
            for gp in range(G):
                if gp == g:
                    continue
                beat = (gs[gp] >= gs[g]) if gp < g else (gs[gp] > gs[g])
                rank = rank + jnp.where(beat, one, zero)
            sel.append(rank < float(KG))
        w = [jnp.where(sel[e // 2], s_v[e, sl], zero) for e in range(E)]
        denom = w[0]
        for e in range(1, E):
            denom = denom + w[e]
        inv = SCALE / denom
        for e in range(E):
            o_v[e, pl.ds(c * L, L)] = w[e] * inv
    pltpu.sync_copy(o_v, cw_hbm.at[wid])


@functools.partial(
    pl.kernel,
    out_type=jax.ShapeDtypeStruct((NW, E, TPW), jnp.float32),
    mesh=plsc.VectorSubcoreMesh(core_axis_name="c", subcore_axis_name="s"),
    scratch_types=[
        pltpu.VMEM((E, T), jnp.float32),
        pltpu.VMEM((G, T), jnp.float32),
        pltpu.VMEM((E, TPW), jnp.float32),
    ],
)
def _route(st_hbm, gt_hbm, cw_hbm, s_v, g_v, o_v):
    _route_kernel(st_hbm, gt_hbm, cw_hbm, s_v, g_v, o_v)



def _moe_kernel(x_ref, cw_ref, w1_ref, w2_ref, w3_ref,
                sw1_ref, sw2_ref, sw3_ref, out_ref):
    x = x_ref[...]
    cw = cw_ref[...]

    hs = jax.nn.silu(_dot(x, sw1_ref[...])) * _dot(x, sw3_ref[...])
    acc = _dot(hs, sw2_ref[...])

    for e in range(E):
        h1 = _dot(x, w1_ref[e])
        h3 = _dot(x, w3_ref[e])
        h = jax.nn.silu(h1) * h3 * cw[:, e:e + 1]
        acc += _dot(h, w2_ref[e])

    out_ref[...] = acc


def _experts(x, cw, W1, W2, W3, sw1, sw2, sw3):
    return pl.pallas_call(
        _moe_kernel,
        grid=(T // TT,),
        in_specs=[
            pl.BlockSpec((TT, D), lambda t: (t, 0)),
            pl.BlockSpec((TT, E), lambda t: (t, 0)),
            pl.BlockSpec((E, FM, D), lambda t: (0, 0, 0)),
            pl.BlockSpec((E, D, FM), lambda t: (0, 0, 0)),
            pl.BlockSpec((E, FM, D), lambda t: (0, 0, 0)),
            pl.BlockSpec((FM, D), lambda t: (0, 0)),
            pl.BlockSpec((D, FM), lambda t: (0, 0)),
            pl.BlockSpec((FM, D), lambda t: (0, 0)),
        ],
        out_specs=pl.BlockSpec((TT, D), lambda t: (t, 0)),
        out_shape=jax.ShapeDtypeStruct((T, D), x.dtype),
        compiler_params=pltpu.CompilerParams(
            dimension_semantics=("parallel",)),
    )(x, cw, W1, W2, W3, sw1, sw2, sw3)


@jax.jit
def kernel(x, gate_w, gate_b, W1, W2, W3, sw1, sw2, sw3):
    st, gt = _scores(x, gate_w, gate_b)
    cw = _route(st, gt).transpose(0, 2, 1).reshape(T, E)
    return _experts(x, cw, W1, W2, W3, sw1, sw2, sw3)

# --- scband reference (transcript-rebuilt; emitter-appended) ---
"""Pipeline reference for scband-mo-e-41609643163845 (READ-ONLY COPY).

The authoritative reference and input builder live on the scoring server;
editing this copy changes nothing except your own understanding.
"""

import jax, jax.numpy as jnp
import numpy as np

T = 2048
D = 768
E = 16
FM = 256
G = 8
KG = 4
K = 8
SCALE = 2.5


def setup_inputs(seed: int = 0) -> dict:
    key = jax.random.key(seed)
    ks = jax.random.split(key, 9)
    x = jax.random.normal(ks[0], (T, D), dtype=jnp.float32)
    gate_w = jax.random.normal(ks[1], (E, D), dtype=jnp.float32) * 0.02
    gate_b = jax.random.normal(ks[2], (E,), dtype=jnp.float32) * 0.01
    W1 = jax.random.normal(ks[3], (E, FM, D), dtype=jnp.float32) * 0.02
    W2 = jax.random.normal(ks[4], (E, D, FM), dtype=jnp.float32) * 0.02
    W3 = jax.random.normal(ks[5], (E, FM, D), dtype=jnp.float32) * 0.02
    sw1 = jax.random.normal(ks[6], (FM, D), dtype=jnp.float32) * 0.02
    sw2 = jax.random.normal(ks[7], (D, FM), dtype=jnp.float32) * 0.02
    sw3 = jax.random.normal(ks[8], (FM, D), dtype=jnp.float32) * 0.02
    return {"x": x, "gate_w": gate_w, "gate_b": gate_b, "W1": W1, "W2": W2, "W3": W3, "sw1": sw1, "sw2": sw2, "sw3": sw3}


def reference(x, gate_w, gate_b, W1, W2, W3, sw1, sw2, sw3):
    t = x.shape[0]
    # ---- Gate (DeepSeek-style grouped sigmoid routing) ----
    scores = jax.nn.sigmoid(x @ gate_w.T)
    original_scores = scores
    s = scores + gate_b
    sg = s.reshape(t, G, E // G)
    group_scores = jax.lax.top_k(sg, 2)[0].sum(axis=-1)
    gidx = jax.lax.top_k(group_scores, KG)[1]
    mask = jnp.ones((t, G), dtype=bool).at[jnp.arange(t)[:, None], gidx].set(False)
    s = jnp.where(mask[:, :, None], -jnp.inf, sg).reshape(t, E)
    idx = jax.lax.top_k(s, K)[1]
    w = jnp.take_along_axis(original_scores, idx, axis=1)
    w = w / w.sum(axis=-1, keepdims=True)
    w = w * SCALE
    # ---- Routed experts: dense dispatch with combine weights ----
    cw = jnp.zeros((t, E), dtype=x.dtype).at[jnp.arange(t)[:, None], idx].add(w)
    h1 = jnp.einsum('td,efd->tef', x, W1)
    h3 = jnp.einsum('td,efd->tef', x, W3)
    h = jax.nn.silu(h1) * h3
    eo = jnp.einsum('tef,edf->ted', h, W2)
    y = jnp.einsum('ted,te->td', eo, cw)
    # ---- Shared expert (MLP with SwiGLU) ----
    z = (jax.nn.silu(x @ sw1.T) * (x @ sw3.T)) @ sw2.T
    return y + z

if __name__ == "__main__":
    import jax
    _d = setup_inputs()
    print(jax.jit(kernel)(*tuple(_d.values())))

</pallas_src>

<mosaic_0001>
#map = affine_map<(d0, d1) -> (0, 0)>
#map1 = affine_map<(d0, d1) -> (0, 0, 0)>
module attributes {stable_mosaic.version = 14 : i64} {
  func.func @_route(%arg0: i32, %arg1: i32, %arg2: memref<16x2048xf32, #tpu.memory_space<hbm>>, %arg3: memref<8x2048xf32, #tpu.memory_space<hbm>>, %arg4: memref<32x16x64xf32, #tpu.memory_space<hbm>>, %arg5: memref<16x2048xf32, #tpu.memory_space<vmem>>, %arg6: memref<8x2048xf32, #tpu.memory_space<vmem>>, %arg7: memref<16x64xf32, #tpu.memory_space<vmem>>) attributes {dimension_semantics = [#tpu.dimension_semantics<core_parallel>, #tpu.dimension_semantics<subcore_parallel>], iteration_bounds = array<i64: 2, 16>, scalar_prefetch = 0 : i64, scratch_operands = 3 : i64, tpu.core_type = #tpu.core_type<sc_vector_subcore>, window_params = [{transform_indices = #map}, {transform_indices = #map}, {transform_indices = #map1}]} {
    %mul3A = arith.constant 2 : i32
    %mul3A_0 = arith.muli %arg1, %mul3A : i32
    %add3A = arith.addi %mul3A_0, %arg0 : i32
    %mul3A_1 = arith.constant 64 : i32
    %mul3A_2 = arith.muli %add3A, %mul3A_1 : i32
    "tpu.region"() ({
      %run_scoped3A = tpu.sem_alloc : memref<!tpu.dma_semaphore, #tpu.memory_space<semaphore_mem>>
      tpu.enqueue_dma source(%arg2 : memref<16x2048xf32, #tpu.memory_space<hbm>>) target(%arg5 : memref<16x2048xf32, #tpu.memory_space<vmem>>) target_semaphore(%run_scoped3A : memref<!tpu.dma_semaphore, #tpu.memory_space<semaphore_mem>>)
      tpu.wait_dma2 semaphore(%run_scoped3A : memref<!tpu.dma_semaphore, #tpu.memory_space<semaphore_mem>>) src(%arg2 : memref<16x2048xf32, #tpu.memory_space<hbm>>) dst(%arg5 : memref<16x2048xf32, #tpu.memory_space<vmem>>)
      tpu.yield
    }) : () -> ()
    "tpu.region"() ({
      %run_scoped3A = tpu.sem_alloc : memref<!tpu.dma_semaphore, #tpu.memory_space<semaphore_mem>>
      tpu.enqueue_dma source(%arg3 : memref<8x2048xf32, #tpu.memory_space<hbm>>) target(%arg6 : memref<8x2048xf32, #tpu.memory_space<vmem>>) target_semaphore(%run_scoped3A : memref<!tpu.dma_semaphore, #tpu.memory_space<semaphore_mem>>)
      tpu.wait_dma2 semaphore(%run_scoped3A : memref<!tpu.dma_semaphore, #tpu.memory_space<semaphore_mem>>) src(%arg3 : memref<8x2048xf32, #tpu.memory_space<hbm>>) dst(%arg6 : memref<8x2048xf32, #tpu.memory_space<vmem>>)
      tpu.yield
    }) : () -> ()
    %add3A_3 = arith.constant 0 : i32
    %add3A_4 = arith.addi %mul3A_2, %add3A_3 : i32
    %get3A = arith.constant 0 : i32
    %get3A_5 = arith.index_cast %get3A : i32 to index
    %get3A_6 = arith.index_cast %add3A_4 : i32 to index
    %get3A_7 = tpu.vector_load %arg6[%get3A_5, %get3A_6] {strides = array<i32>} : memref<8x2048xf32, #tpu.memory_space<vmem>>, vector<1x16xf32>,
    %get3A_8 = vector.shape_cast %get3A_7 : vector<1x16xf32> to vector<16xf32>
    %get3A_9 = arith.constant 1 : i32
    %get3A_10 = arith.index_cast %get3A_9 : i32 to index
    %get3A_11 = arith.index_cast %add3A_4 : i32 to index
    %get3A_12 = tpu.vector_load %arg6[%get3A_10, %get3A_11] {strides = array<i32>} : memref<8x2048xf32, #tpu.memory_space<vmem>>, vector<1x16xf32>,
    %get3A_13 = vector.shape_cast %get3A_12 : vector<1x16xf32> to vector<16xf32>
    %get3A_14 = arith.constant 2 : i32
    %get3A_15 = arith.index_cast %get3A_14 : i32 to index
    %get3A_16 = arith.index_cast %add3A_4 : i32 to index
    %get3A_17 = tpu.vector_load %arg6[%get3A_15, %get3A_16] {strides = array<i32>} : memref<8x2048xf32, #tpu.memory_space<vmem>>, vector<1x16xf32>,
    %get3A_18 = vector.shape_cast %get3A_17 : vector<1x16xf32> to vector<16xf32>
    %get3A_19 = arith.constant 3 : i32
    %get3A_20 = arith.index_cast %get3A_19 : i32 to index
    %get3A_21 = arith.index_cast %add3A_4 : i32 to index
    %get3A_22 = tpu.vector_load %arg6[%get3A_20, %get3A_21] {strides = array<i32>} : memref<8x2048xf32, #tpu.memory_space<vmem>>, vector<1x16xf32>,
    %get3A_23 = vector.shape_cast %get3A_22 : vector<1x16xf32> to vector<16xf32>
    %get3A_24 = arith.constant 4 : i32
    %get3A_25 = arith.index_cast %get3A_24 : i32 to index
    %get3A_26 = arith.index_cast %add3A_4 : i32 to index
    %get3A_27 = tpu.vector_load %arg6[%get3A_25, %get3A_26] {strides = array<i32>} : memref<8x2048xf32, #tpu.memory_space<vmem>>, vector<1x16xf32>,
    %get3A_28 = vector.shape_cast %get3A_27 : vector<1x16xf32> to vector<16xf32>
    %get3A_29 = arith.constant 5 : i32
    %get3A_30 = arith.index_cast %get3A_29 : i32 to index
    %get3A_31 = arith.index_cast %add3A_4 : i32 to index
    %get3A_32 = tpu.vector_load %arg6[%get3A_30, %get3A_31] {strides = array<i32>} : memref<8x2048xf32, #tpu.memory_space<vmem>>, vector<1x16xf32>,
    %get3A_33 = vector.shape_cast %get3A_32 : vector<1x16xf32> to vector<16xf32>
    %get3A_34 = arith.constant 6 : i32
    %get3A_35 = arith.index_cast %get3A_34 : i32 to index
    %get3A_36 = arith.index_cast %add3A_4 : i32 to index
    %get3A_37 = tpu.vector_load %arg6[%get3A_35, %get3A_36] {strides = array<i32>} : memref<8x2048xf32, #tpu.memory_space<vmem>>, vector<1x16xf32>,
    %get3A_38 = vector.shape_cast %get3A_37 : vector<1x16xf32> to vector<16xf32>
    %get3A_39 = arith.constant 7 : i32
    %get3A_40 = arith.index_cast %get3A_39 : i32 to index
    %get3A_41 = arith.index_cast %add3A_4 : i32 to index
    %get3A_42 = tpu.vector_load %arg6[%get3A_40, %get3A_41] {strides = array<i32>} : memref<8x2048xf32, #tpu.memory_space<vmem>>, vector<1x16xf32>,
    %get3A_43 = vector.shape_cast %get3A_42 : vector<1x16xf32> to vector<16xf32>
    %broadcast_in_dim3A = arith.constant 0.000000e+00 : f32
    %broadcast_in_dim3A_44 = vector.broadcast %broadcast_in_dim3A : f32 to vector<16xf32>
    %broadcast_in_dim3A_45 = arith.constant 1.000000e+00 : f32
    %broadcast_in_dim3A_46 = vector.broadcast %broadcast_in_dim3A_45 : f32 to vector<16xf32>
    %gt3A = arith.cmpf ogt, %get3A_13, %get3A_8 : vector<16xf32>
    %select_n3A = arith.select %gt3A, %broadcast_in_dim3A_46, %broadcast_in_dim3A_44 : vector<16xi1>, vector<16xf32>
    %add3A_47 = arith.addf %broadcast_in_dim3A_44, %select_n3A : vector<16xf32>
    %gt3A_48 = arith.cmpf ogt, %get3A_18, %get3A_8 : vector<16xf32>
    %select_n3A_49 = arith.select %gt3A_48, %broadcast_in_dim3A_46, %broadcast_in_dim3A_44 : vector<16xi1>, vector<16xf32>
    %add3A_50 = arith.addf %add3A_47, %select_n3A_49 : vector<16xf32>
    %gt3A_51 = arith.cmpf ogt, %get3A_23, %get3A_8 : vector<16xf32>
    %select_n3A_52 = arith.select %gt3A_51, %broadcast_in_dim3A_46, %broadcast_in_dim3A_44 : vector<16xi1>, vector<16xf32>
    %add3A_53 = arith.addf %add3A_50, %select_n3A_52 : vector<16xf32>
    %gt3A_54 = arith.cmpf ogt, %get3A_28, %get3A_8 : vector<16xf32>
    %select_n3A_55 = arith.select %gt3A_54, %broadcast_in_dim3A_46, %broadcast_in_dim3A_44 : vector<16xi1>, vector<16xf32>
    %add3A_56 = arith.addf %add3A_53, %select_n3A_55 : vector<16xf32>
    %gt3A_57 = arith.cmpf ogt, %get3A_33, %get3A_8 : vector<16xf32>
    %select_n3A_58 = arith.select %gt3A_57, %broadcast_in_dim3A_46, %broadcast_in_dim3A_44 : vector<16xi1>, vector<16xf32>
    %add3A_59 = arith.addf %add3A_56, %select_n3A_58 : vector<16xf32>
    %gt3A_60 = arith.cmpf ogt, %get3A_38, %get3A_8 : vector<16xf32>
    %select_n3A_61 = arith.select %gt3A_60, %broadcast_in_dim3A_46, %broadcast_in_dim3A_44 : vector<16xi1>, vector<16xf32>
    %add3A_62 = arith.addf %add3A_59, %select_n3A_61 : vector<16xf32>
    %gt3A_63 = arith.cmpf ogt, %get3A_43, %get3A_8 : vector<16xf32>
    %select_n3A_64 = arith.select %gt3A_63, %broadcast_in_dim3A_46, %broadcast_in_dim3A_44 : vector<16xi1>, vector<16xf32>
    %add3A_65 = arith.addf %add3A_62, %select_n3A_64 : vector<16xf32>
    %lt3A = arith.constant 4.000000e+00 : f32
    %lt3A_66 = vector.broadcast %lt3A : f32 to vector<16xf32>
    %lt3A_67 = arith.cmpf olt, %add3A_65, %lt3A_66 : vector<16xf32>
    %ge3A = arith.cmpf oge, %get3A_8, %get3A_13 : vector<16xf32>
    %select_n3A_68 = arith.select %ge3A, %broadcast_in_dim3A_46, %broadcast_in_dim3A_44 : vector<16xi1>, vector<16xf32>
    %add3A_69 = arith.addf %broadcast_in_dim3A_44, %select_n3A_68 : vector<16xf32>
    %gt3A_70 = arith.cmpf ogt, %get3A_18, %get3A_13 : vector<16xf32>
    %select_n3A_71 = arith.select %gt3A_70, %broadcast_in_dim3A_46, %broadcast_in_dim3A_44 : vector<16xi1>, vector<16xf32>
    %add3A_72 = arith.addf %add3A_69, %select_n3A_71 : vector<16xf32>
    %gt3A_73 = arith.cmpf ogt, %get3A_23, %get3A_13 : vector<16xf32>
    %select_n3A_74 = arith.select %gt3A_73, %broadcast_in_dim3A_46, %broadcast_in_dim3A_44 : vector<16xi1>, vector<16xf32>
    %add3A_75 = arith.addf %add3A_72, %select_n3A_74 : vector<16xf32>
    %gt3A_76 = arith.cmpf ogt, %get3A_28, %get3A_13 : vector<16xf32>
    %select_n3A_77 = arith.select %gt3A_76, %broadcast_in_dim3A_46, %broadcast_in_dim3A_44 : vector<16xi1>, vector<16xf32>
    %add3A_78 = arith.addf %add3A_75, %select_n3A_77 : vector<16xf32>
    %gt3A_79 = arith.cmpf ogt, %get3A_33, %get3A_13 : vector<16xf32>
    %select_n3A_80 = arith.select %gt3A_79, %broadcast_in_dim3A_46, %broadcast_in_dim3A_44 : vector<16xi1>, vector<16xf32>
    %add3A_81 = arith.addf %add3A_78, %select_n3A_80 : vector<16xf32>
    %gt3A_82 = arith.cmpf ogt, %get3A_38, %get3A_13 : vector<16xf32>
    %select_n3A_83 = arith.select %gt3A_82, %broadcast_in_dim3A_46, %broadcast_in_dim3A_44 : vector<16xi1>, vector<16xf32>
    %add3A_84 = arith.addf %add3A_81, %select_n3A_83 : vector<16xf32>
    %gt3A_85 = arith.cmpf ogt, %get3A_43, %get3A_13 : vector<16xf32>
    %select_n3A_86 = arith.select %gt3A_85, %broadcast_in_dim3A_46, %broadcast_in_dim3A_44 : vector<16xi1>, vector<16xf32>
    %add3A_87 = arith.addf %add3A_84, %select_n3A_86 : vector<16xf32>
    %lt3A_88 = arith.constant 4.000000e+00 : f32
    %lt3A_89 = vector.broadcast %lt3A_88 : f32 to vector<16xf32>
    %lt3A_90 = arith.cmpf olt, %add3A_87, %lt3A_89 : vector<16xf32>
    %ge3A_91 = arith.cmpf oge, %get3A_8, %get3A_18 : vector<16xf32>
    %select_n3A_92 = arith.select %ge3A_91, %broadcast_in_dim3A_46, %broadcast_in_dim3A_44 : vector<16xi1>, vector<16xf32>
    %add3A_93 = arith.addf %broadcast_in_dim3A_44, %select_n3A_92 : vector<16xf32>
    %ge3A_94 = arith.cmpf oge, %get3A_13, %get3A_18 : vector<16xf32>
    %select_n3A_95 = arith.select %ge3A_94, %broadcast_in_dim3A_46, %broadcast_in_dim3A_44 : vector<16xi1>, vector<16xf32>
    %add3A_96 = arith.addf %add3A_93, %select_n3A_95 : vector<16xf32>
    %gt3A_97 = arith.cmpf ogt, %get3A_23, %get3A_18 : vector<16xf32>
    %select_n3A_98 = arith.select %gt3A_97, %broadcast_in_dim3A_46, %broadcast_in_dim3A_44 : vector<16xi1>, vector<16xf32>
    %add3A_99 = arith.addf %add3A_96, %select_n3A_98 : vector<16xf32>
    %gt3A_100 = arith.cmpf ogt, %get3A_28, %get3A_18 : vector<16xf32>
    %select_n3A_101 = arith.select %gt3A_100, %broadcast_in_dim3A_46, %broadcast_in_dim3A_44 : vector<16xi1>, vector<16xf32>
    %add3A_102 = arith.addf %add3A_99, %select_n3A_101 : vector<16xf32>
    %gt3A_103 = arith.cmpf ogt, %get3A_33, %get3A_18 : vector<16xf32>
    %select_n3A_104 = arith.select %gt3A_103, %broadcast_in_dim3A_46, %broadcast_in_dim3A_44 : vector<16xi1>, vector<16xf32>
    %add3A_105 = arith.addf %add3A_102, %select_n3A_104 : vector<16xf32>
    %gt3A_106 = arith.cmpf ogt, %get3A_38, %get3A_18 : vector<16xf32>
    %select_n3A_107 = arith.select %gt3A_106, %broadcast_in_dim3A_46, %broadcast_in_dim3A_44 : vector<16xi1>, vector<16xf32>
    %add3A_108 = arith.addf %add3A_105, %select_n3A_107 : vector<16xf32>
    %gt3A_109 = arith.cmpf ogt, %get3A_43, %get3A_18 : vector<16xf32>
    %select_n3A_110 = arith.select %gt3A_109, %broadcast_in_dim3A_46, %broadcast_in_dim3A_44 : vector<16xi1>, vector<16xf32>
    %add3A_111 = arith.addf %add3A_108, %select_n3A_110 : vector<16xf32>
    %lt3A_112 = arith.constant 4.000000e+00 : f32
    %lt3A_113 = vector.broadcast %lt3A_112 : f32 to vector<16xf32>
    %lt3A_114 = arith.cmpf olt, %add3A_111, %lt3A_113 : vector<16xf32>
    %ge3A_115 = arith.cmpf oge, %get3A_8, %get3A_23 : vector<16xf32>
    %select_n3A_116 = arith.select %ge3A_115, %broadcast_in_dim3A_46, %broadcast_in_dim3A_44 : vector<16xi1>, vector<16xf32>
    %add3A_117 = arith.addf %broadcast_in_dim3A_44, %select_n3A_116 : vector<16xf32>
    %ge3A_118 = arith.cmpf oge, %get3A_13, %get3A_23 : vector<16xf32>
    %select_n3A_119 = arith.select %ge3A_118, %broadcast_in_dim3A_46, %broadcast_in_dim3A_44 : vector<16xi1>, vector<16xf32>
    %add3A_120 = arith.addf %add3A_117, %select_n3A_119 : vector<16xf32>
    %ge3A_121 = arith.cmpf oge, %get3A_18, %get3A_23 : vector<16xf32>
    %select_n3A_122 = arith.select %ge3A_121, %broadcast_in_dim3A_46, %broadcast_in_dim3A_44 : vector<16xi1>, vector<16xf32>
    %add3A_123 = arith.addf %add3A_120, %select_n3A_122 : vector<16xf32>
    %gt3A_124 = arith.cmpf ogt, %get3A_28, %get3A_23 : vector<16xf32>
    %select_n3A_125 = arith.select %gt3A_124, %broadcast_in_dim3A_46, %broadcast_in_dim3A_44 : vector<16xi1>, vector<16xf32>
    %add3A_126 = arith.addf %add3A_123, %select_n3A_125 : vector<16xf32>
    %gt3A_127 = arith.cmpf ogt, %get3A_33, %get3A_23 : vector<16xf32>
    %select_n3A_128 = arith.select %gt3A_127, %broadcast_in_dim3A_46, %broadcast_in_dim3A_44 : vector<16xi1>, vector<16xf32>
    %add3A_129 = arith.addf %add3A_126, %select_n3A_128 : vector<16xf32>
    %gt3A_130 = arith.cmpf ogt, %get3A_38, %get3A_23 : vector<16xf32>
    %select_n3A_131 = arith.select %gt3A_130, %broadcast_in_dim3A_46, %broadcast_in_dim3A_44 : vector<16xi1>, vector<16xf32>
    %add3A_132 = arith.addf %add3A_129, %select_n3A_131 : vector<16xf32>
    %gt3A_133 = arith.cmpf ogt, %get3A_43, %get3A_23 : vector<16xf32>
    %select_n3A_134 = arith.select %gt3A_133, %broadcast_in_dim3A_46, %broadcast_in_dim3A_44 : vector<16xi1>, vector<16xf32>
    %add3A_135 = arith.addf %add3A_132, %select_n3A_134 : vector<16xf32>
    %lt3A_136 = arith.constant 4.000000e+00 : f32
    %lt3A_137 = vector.broadcast %lt3A_136 : f32 to vector<16xf32>
    %lt3A_138 = arith.cmpf olt, %add3A_135, %lt3A_137 : vector<16xf32>
    %ge3A_139 = arith.cmpf oge, %get3A_8, %get3A_28 : vector<16xf32>
    %select_n3A_140 = arith.select %ge3A_139, %broadcast_in_dim3A_46, %broadcast_in_dim3A_44 : vector<16xi1>, vector<16xf32>
    %add3A_141 = arith.addf %broadcast_in_dim3A_44, %select_n3A_140 : vector<16xf32>
    %ge3A_142 = arith.cmpf oge, %get3A_13, %get3A_28 : vector<16xf32>
    %select_n3A_143 = arith.select %ge3A_142, %broadcast_in_dim3A_46, %broadcast_in_dim3A_44 : vector<16xi1>, vector<16xf32>
    %add3A_144 = arith.addf %add3A_141, %select_n3A_143 : vector<16xf32>
    %ge3A_145 = arith.cmpf oge, %get3A_18, %get3A_28 : vector<16xf32>
    %select_n3A_146 = arith.select %ge3A_145, %broadcast_in_dim3A_46, %broadcast_in_dim3A_44 : vector<16xi1>, vector<16xf32>
    %add3A_147 = arith.addf %add3A_144, %select_n3A_146 : vector<16xf32>
    %ge3A_148 = arith.cmpf oge, %get3A_23, %get3A_28 : vector<16xf32>
    %select_n3A_149 = arith.select %ge3A_148, %broadcast_in_dim3A_46, %broadcast_in_dim3A_44 : vector<16xi1>, vector<16xf32>
    %add3A_150 = arith.addf %add3A_147, %select_n3A_149 : vector<16xf32>
    %gt3A_151 = arith.cmpf ogt, %get3A_33, %get3A_28 : vector<16xf32>
    %select_n3A_152 = arith.select %gt3A_151, %broadcast_in_dim3A_46, %broadcast_in_dim3A_44 : vector<16xi1>, vector<16xf32>
    %add3A_153 = arith.addf %add3A_150, %select_n3A_152 : vector<16xf32>
    %gt3A_154 = arith.cmpf ogt, %get3A_38, %get3A_28 : vector<16xf32>
    %select_n3A_155 = arith.select %gt3A_154, %broadcast_in_dim3A_46, %broadcast_in_dim3A_44 : vector<16xi1>, vector<16xf32>
    %add3A_156 = arith.addf %add3A_153, %select_n3A_155 : vector<16xf32>
    %gt3A_157 = arith.cmpf ogt, %get3A_43, %get3A_28 : vector<16xf32>
    %select_n3A_158 = arith.select %gt3A_157, %broadcast_in_dim3A_46, %broadcast_in_dim3A_44 : vector<16xi1>, vector<16xf32>
    %add3A_159 = arith.addf %add3A_156, %select_n3A_158 : vector<16xf32>
    %lt3A_160 = arith.constant 4.000000e+00 : f32
    %lt3A_161 = vector.broadcast %lt3A_160 : f32 to vector<16xf32>
    %lt3A_162 = arith.cmpf olt, %add3A_159, %lt3A_161 : vector<16xf32>
    %ge3A_163 = arith.cmpf oge, %get3A_8, %get3A_33 : vector<16xf32>
    %select_n3A_164 = arith.select %ge3A_163, %broadcast_in_dim3A_46, %broadcast_in_dim3A_44 : vector<16xi1>, vector<16xf32>
    %add3A_165 = arith.addf %broadcast_in_dim3A_44, %select_n3A_164 : vector<16xf32>
    %ge3A_166 = arith.cmpf oge, %get3A_13, %get3A_33 : vector<16xf32>
    %select_n3A_167 = arith.select %ge3A_166, %broadcast_in_dim3A_46, %broadcast_in_dim3A_44 : vector<16xi1>, vector<16xf32>
    %add3A_168 = arith.addf %add3A_165, %select_n3A_167 : vector<16xf32>
    %ge3A_169 = arith.cmpf oge, %get3A_18, %get3A_33 : vector<16xf32>
    %select_n3A_170 = arith.select %ge3A_169, %broadcast_in_dim3A_46, %broadcast_in_dim3A_44 : vector<16xi1>, vector<16xf32>
    %add3A_171 = arith.addf %add3A_168, %select_n3A_170 : vector<16xf32>
    %ge3A_172 = arith.cmpf oge, %get3A_23, %get3A_33 : vector<16xf32>
    %select_n3A_173 = arith.select %ge3A_172, %broadcast_in_dim3A_46, %broadcast_in_dim3A_44 : vector<16xi1>, vector<16xf32>
    %add3A_174 = arith.addf %add3A_171, %select_n3A_173 : vector<16xf32>
    %ge3A_175 = arith.cmpf oge, %get3A_28, %get3A_33 : vector<16xf32>
    %select_n3A_176 = arith.select %ge3A_175, %broadcast_in_dim3A_46, %broadcast_in_dim3A_44 : vector<16xi1>, vector<16xf32>
    %add3A_177 = arith.addf %add3A_174, %select_n3A_176 : vector<16xf32>
    %gt3A_178 = arith.cmpf ogt, %get3A_38, %get3A_33 : vector<16xf32>
    %select_n3A_179 = arith.select %gt3A_178, %broadcast_in_dim3A_46, %broadcast_in_dim3A_44 : vector<16xi1>, vector<16xf32>
    %add3A_180 = arith.addf %add3A_177, %select_n3A_179 : vector<16xf32>
    %gt3A_181 = arith.cmpf ogt, %get3A_43, %get3A_33 : vector<16xf32>
    %select_n3A_182 = arith.select %gt3A_181, %broadcast_in_dim3A_46, %broadcast_in_dim3A_44 : vector<16xi1>, vector<16xf32>
    %add3A_183 = arith.addf %add3A_180, %select_n3A_182 : vector<16xf32>
    %lt3A_184 = arith.constant 4.000000e+00 : f32
    %lt3A_185 = vector.broadcast %lt3A_184 : f32 to vector<16xf32>
    %lt3A_186 = arith.cmpf olt, %add3A_183, %lt3A_185 : vector<16xf32>
    %ge3A_187 = arith.cmpf oge, %get3A_8, %get3A_38 : vector<16xf32>
    %select_n3A_188 = arith.select %ge3A_187, %broadcast_in_dim3A_46, %broadcast_in_dim3A_44 : vector<16xi1>, vector<16xf32>
    %add3A_189 = arith.addf %broadcast_in_dim3A_44, %select_n3A_188 : vector<16xf32>
    %ge3A_190 = arith.cmpf oge, %get3A_13, %get3A_38 : vector<16xf32>
    %select_n3A_191 = arith.select %ge3A_190, %broadcast_in_dim3A_46, %broadcast_in_dim3A_44 : vector<16xi1>, vector<16xf32>
    %add3A_192 = arith.addf %add3A_189, %select_n3A_191 : vector<16xf32>
    %ge3A_193 = arith.cmpf oge, %get3A_18, %get3A_38 : vector<16xf32>
    %select_n3A_194 = arith.select %ge3A_193, %broadcast_in_dim3A_46, %broadcast_in_dim3A_44 : vector<16xi1>, vector<16xf32>
    %add3A_195 = arith.addf %add3A_192, %select_n3A_194 : vector<16xf32>
    %ge3A_196 = arith.cmpf oge, %get3A_23, %get3A_38 : vector<16xf32>
    %select_n3A_197 = arith.select %ge3A_196, %broadcast_in_dim3A_46, %broadcast_in_dim3A_44 : vector<16xi1>, vector<16xf32>
    %add3A_198 = arith.addf %add3A_195, %select_n3A_197 : vector<16xf32>
    %ge3A_199 = arith.cmpf oge, %get3A_28, %get3A_38 : vector<16xf32>
    %select_n3A_200 = arith.select %ge3A_199, %broadcast_in_dim3A_46, %broadcast_in_dim3A_44 : vector<16xi1>, vector<16xf32>
    %add3A_201 = arith.addf %add3A_198, %select_n3A_200 : vector<16xf32>
    %ge3A_202 = arith.cmpf oge, %get3A_33, %get3A_38 : vector<16xf32>
    %select_n3A_203 = arith.select %ge3A_202, %broadcast_in_dim3A_46, %broadcast_in_dim3A_44 : vector<16xi1>, vector<16xf32>
    %add3A_204 = arith.addf %add3A_201, %select_n3A_203 : vector<16xf32>
    %gt3A_205 = arith.cmpf ogt, %get3A_43, %get3A_38 : vector<16xf32>
    %select_n3A_206 = arith.select %gt3A_205, %broadcast_in_dim3A_46, %broadcast_in_dim3A_44 : vector<16xi1>, vector<16xf32>
    %add3A_207 = arith.addf %add3A_204, %select_n3A_206 : vector<16xf32>
    %lt3A_208 = arith.constant 4.000000e+00 : f32
    %lt3A_209 = vector.broadcast %lt3A_208 : f32 to vector<16xf32>
    %lt3A_210 = arith.cmpf olt, %add3A_207, %lt3A_209 : vector<16xf32>
    %ge3A_211 = arith.cmpf oge, %get3A_8, %get3A_43 : vector<16xf32>
    %select_n3A_212 = arith.select %ge3A_211, %broadcast_in_dim3A_46, %broadcast_in_dim3A_44 : vector<16xi1>, vector<16xf32>
    %add3A_213 = arith.addf %broadcast_in_dim3A_44, %select_n3A_212 : vector<16xf32>
    %ge3A_214 = arith.cmpf oge, %get3A_13, %get3A_43 : vector<16xf32>
    %select_n3A_215 = arith.select %ge3A_214, %broadcast_in_dim3A_46, %broadcast_in_dim3A_44 : vector<16xi1>, vector<16xf32>
    %add3A_216 = arith.addf %add3A_213, %select_n3A_215 : vector<16xf32>
    %ge3A_217 = arith.cmpf oge, %get3A_18, %get3A_43 : vector<16xf32>
    %select_n3A_218 = arith.select %ge3A_217, %broadcast_in_dim3A_46, %broadcast_in_dim3A_44 : vector<16xi1>, vector<16xf32>
    %add3A_219 = arith.addf %add3A_216, %select_n3A_218 : vector<16xf32>
    %ge3A_220 = arith.cmpf oge, %get3A_23, %get3A_43 : vector<16xf32>
    %select_n3A_221 = arith.select %ge3A_220, %broadcast_in_dim3A_46, %broadcast_in_dim3A_44 : vector<16xi1>, vector<16xf32>
    %add3A_222 = arith.addf %add3A_219, %select_n3A_221 : vector<16xf32>
    %ge3A_223 = arith.cmpf oge, %get3A_28, %get3A_43 : vector<16xf32>
    %select_n3A_224 = arith.select %ge3A_223, %broadcast_in_dim3A_46, %broadcast_in_dim3A_44 : vector<16xi1>, vector<16xf32>
    %add3A_225 = arith.addf %add3A_222, %select_n3A_224 : vector<16xf32>
    %ge3A_226 = arith.cmpf oge, %get3A_33, %get3A_43 : vector<16xf32>
    %select_n3A_227 = arith.select %ge3A_226, %broadcast_in_dim3A_46, %broadcast_in_dim3A_44 : vector<16xi1>, vector<16xf32>
    %add3A_228 = arith.addf %add3A_225, %select_n3A_227 : vector<16xf32>
    %ge3A_229 = arith.cmpf oge, %get3A_38, %get3A_43 : vector<16xf32>
    %select_n3A_230 = arith.select %ge3A_229, %broadcast_in_dim3A_46, %broadcast_in_dim3A_44 : vector<16xi1>, vector<16xf32>
    %add3A_231 = arith.addf %add3A_228, %select_n3A_230 : vector<16xf32>
    %lt3A_232 = arith.constant 4.000000e+00 : f32
    %lt3A_233 = vector.broadcast %lt3A_232 : f32 to vector<16xf32>
    %lt3A_234 = arith.cmpf olt, %add3A_231, %lt3A_233 : vector<16xf32>
    %get3A_235 = arith.constant 0 : i32
    %get3A_236 = arith.index_cast %get3A_235 : i32 to index
    %get3A_237 = arith.index_cast %add3A_4 : i32 to index
    %get3A_238 = tpu.vector_load %arg5[%get3A_236, %get3A_237] {strides = array<i32>} : memref<16x2048xf32, #tpu.memory_space<vmem>>, vector<1x16xf32>,
    %get3A_239 = vector.shape_cast %get3A_238 : vector<1x16xf32> to vector<16xf32>
    %select_n3A_240 = arith.select %lt3A_67, %get3A_239, %broadcast_in_dim3A_44 : vector<16xi1>, vector<16xf32>
    %get3A_241 = arith.constant 1 : i32
    %get3A_242 = arith.index_cast %get3A_241 : i32 to index
    %get3A_243 = arith.index_cast %add3A_4 : i32 to index
    %get3A_244 = tpu.vector_load %arg5[%get3A_242, %get3A_243] {strides = array<i32>} : memref<16x2048xf32, #tpu.memory_space<vmem>>, vector<1x16xf32>,
    %get3A_245 = vector.shape_cast %get3A_244 : vector<1x16xf32> to vector<16xf32>
    %select_n3A_246 = arith.select %lt3A_67, %get3A_245, %broadcast_in_dim3A_44 : vector<16xi1>, vector<16xf32>
    %get3A_247 = arith.constant 2 : i32
    %get3A_248 = arith.index_cast %get3A_247 : i32 to index
    %get3A_249 = arith.index_cast %add3A_4 : i32 to index
    %get3A_250 = tpu.vector_load %arg5[%get3A_248, %get3A_249] {strides = array<i32>} : memref<16x2048xf32, #tpu.memory_space<vmem>>, vector<1x16xf32>,
    %get3A_251 = vector.shape_cast %get3A_250 : vector<1x16xf32> to vector<16xf32>
    %select_n3A_252 = arith.select %lt3A_90, %get3A_251, %broadcast_in_dim3A_44 : vector<16xi1>, vector<16xf32>
    %get3A_253 = arith.constant 3 : i32
    %get3A_254 = arith.index_cast %get3A_253 : i32 to index
    %get3A_255 = arith.index_cast %add3A_4 : i32 to index
    %get3A_256 = tpu.vector_load %arg5[%get3A_254, %get3A_255] {strides = array<i32>} : memref<16x2048xf32, #tpu.memory_space<vmem>>, vector<1x16xf32>,
    %get3A_257 = vector.shape_cast %get3A_256 : vector<1x16xf32> to vector<16xf32>
    %select_n3A_258 = arith.select %lt3A_90, %get3A_257, %broadcast_in_dim3A_44 : vector<16xi1>, vector<16xf32>
    %get3A_259 = arith.constant 4 : i32
    %get3A_260 = arith.index_cast %get3A_259 : i32 to index
    %get3A_261 = arith.index_cast %add3A_4 : i32 to index
    %get3A_262 = tpu.vector_load %arg5[%get3A_260, %get3A_261] {strides = array<i32>} : memref<16x2048xf32, #tpu.memory_space<vmem>>, vector<1x16xf32>,
    %get3A_263 = vector.shape_cast %get3A_262 : vector<1x16xf32> to vector<16xf32>
    %select_n3A_264 = arith.select %lt3A_114, %get3A_263, %broadcast_in_dim3A_44 : vector<16xi1>, vector<16xf32>
    %get3A_265 = arith.constant 5 : i32
    %get3A_266 = arith.index_cast %get3A_265 : i32 to index
    %get3A_267 = arith.index_cast %add3A_4 : i32 to index
    %get3A_268 = tpu.vector_load %arg5[%get3A_266, %get3A_267] {strides = array<i32>} : memref<16x2048xf32, #tpu.memory_space<vmem>>, vector<1x16xf32>,
    %get3A_269 = vector.shape_cast %get3A_268 : vector<1x16xf32> to vector<16xf32>
    %select_n3A_270 = arith.select %lt3A_114, %get3A_269, %broadcast_in_dim3A_44 : vector<16xi1>, vector<16xf32>
    %get3A_271 = arith.constant 6 : i32
    %get3A_272 = arith.index_cast %get3A_271 : i32 to index
    %get3A_273 = arith.index_cast %add3A_4 : i32 to index
    %get3A_274 = tpu.vector_load %arg5[%get3A_272, %get3A_273] {strides = array<i32>} : memref<16x2048xf32, #tpu.memory_space<vmem>>, vector<1x16xf32>,
    %get3A_275 = vector.shape_cast %get3A_274 : vector<1x16xf32> to vector<16xf32>
    %select_n3A_276 = arith.select %lt3A_138, %get3A_275, %broadcast_in_dim3A_44 : vector<16xi1>, vector<16xf32>
    %get3A_277 = arith.constant 7 : i32
    %get3A_278 = arith.index_cast %get3A_277 : i32 to index
    %get3A_279 = arith.index_cast %add3A_4 : i32 to index
    %get3A_280 = tpu.vector_load %arg5[%get3A_278, %get3A_279] {strides = array<i32>} : memref<16x2048xf32, #tpu.memory_space<vmem>>, vector<1x16xf32>,
    %get3A_281 = vector.shape_cast %get3A_280 : vector<1x16xf32> to vector<16xf32>
    %select_n3A_282 = arith.select %lt3A_138, %get3A_281, %broadcast_in_dim3A_44 : vector<16xi1>, vector<16xf32>
    %get3A_283 = arith.constant 8 : i32
    %get3A_284 = arith.index_cast %get3A_283 : i32 to index
    %get3A_285 = arith.index_cast %add3A_4 : i32 to index
    %get3A_286 = tpu.vector_load %arg5[%get3A_284, %get3A_285] {strides = array<i32>} : memref<16x2048xf32, #tpu.memory_space<vmem>>, vector<1x16xf32>,
    %get3A_287 = vector.shape_cast %get3A_286 : vector<1x16xf32> to vector<16xf32>
    %select_n3A_288 = arith.select %lt3A_162, %get3A_287, %broadcast_in_dim3A_44 : vector<16xi1>, vector<16xf32>
    %get3A_289 = arith.constant 9 : i32
    %get3A_290 = arith.index_cast %get3A_289 : i32 to index
    %get3A_291 = arith.index_cast %add3A_4 : i32 to index
    %get3A_292 = tpu.vector_load %arg5[%get3A_290, %get3A_291] {strides = array<i32>} : memref<16x2048xf32, #tpu.memory_space<vmem>>, vector<1x16xf32>,
    %get3A_293 = vector.shape_cast %get3A_292 : vector<1x16xf32> to vector<16xf32>
    %select_n3A_294 = arith.select %lt3A_162, %get3A_293, %broadcast_in_dim3A_44 : vector<16xi1>, vector<16xf32>
    %get3A_295 = arith.constant 10 : i32
    %get3A_296 = arith.index_cast %get3A_295 : i32 to index
    %get3A_297 = arith.index_cast %add3A_4 : i32 to index
    %get3A_298 = tpu.vector_load %arg5[%get3A_296, %get3A_297] {strides = array<i32>} : memref<16x2048xf32, #tpu.memory_space<vmem>>, vector<1x16xf32>,
    %get3A_299 = vector.shape_cast %get3A_298 : vector<1x16xf32> to vector<16xf32>
    %select_n3A_300 = arith.select %lt3A_186, %get3A_299, %broadcast_in_dim3A_44 : vector<16xi1>, vector<16xf32>
    %get3A_301 = arith.constant 11 : i32
    %get3A_302 = arith.index_cast %get3A_301 : i32 to index
    %get3A_303 = arith.index_cast %add3A_4 : i32 to index
    %get3A_304 = tpu.vector_load %arg5[%get3A_302, %get3A_303] {strides = array<i32>} : memref<16x2048xf32, #tpu.memory_space<vmem>>, vector<1x16xf32>,
    %get3A_305 = vector.shape_cast %get3A_304 : vector<1x16xf32> to vector<16xf32>
    %select_n3A_306 = arith.select %lt3A_186, %get3A_305, %broadcast_in_dim3A_44 : vector<16xi1>, vector<16xf32>
    %get3A_307 = arith.constant 12 : i32
    %get3A_308 = arith.index_cast %get3A_307 : i32 to index
    %get3A_309 = arith.index_cast %add3A_4 : i32 to index
    %get3A_310 = tpu.vector_load %arg5[%get3A_308, %get3A_309] {strides = array<i32>} : memref<16x2048xf32, #tpu.memory_space<vmem>>, vector<1x16xf32>,
    %get3A_311 = vector.shape_cast %get3A_310 : vector<1x16xf32> to vector<16xf32>
    %select_n3A_312 = arith.select %lt3A_210, %get3A_311, %broadcast_in_dim3A_44 : vector<16xi1>, vector<16xf32>
    %get3A_313 = arith.constant 13 : i32
    %get3A_314 = arith.index_cast %get3A_313 : i32 to index
    %get3A_315 = arith.index_cast %add3A_4 : i32 to index
    %get3A_316 = tpu.vector_load %arg5[%get3A_314, %get3A_315] {strides = array<i32>} : memref<16x2048xf32, #tpu.memory_space<vmem>>, vector<1x16xf32>,
    %get3A_317 = vector.shape_cast %get3A_316 : vector<1x16xf32> to vector<16xf32>
    %select_n3A_318 = arith.select %lt3A_210, %get3A_317, %broadcast_in_dim3A_44 : vector<16xi1>, vector<16xf32>
    %get3A_319 = arith.constant 14 : i32
    %get3A_320 = arith.index_cast %get3A_319 : i32 to index
    %get3A_321 = arith.index_cast %add3A_4 : i32 to index
    %get3A_322 = tpu.vector_load %arg5[%get3A_320, %get3A_321] {strides = array<i32>} : memref<16x2048xf32, #tpu.memory_space<vmem>>, vector<1x16xf32>,
    %get3A_323 = vector.shape_cast %get3A_322 : vector<1x16xf32> to vector<16xf32>
    %select_n3A_324 = arith.select %lt3A_234, %get3A_323, %broadcast_in_dim3A_44 : vector<16xi1>, vector<16xf32>
    %get3A_325 = arith.constant 15 : i32
    %get3A_326 = arith.index_cast %get3A_325 : i32 to index
    %get3A_327 = arith.index_cast %add3A_4 : i32 to index
    %get3A_328 = tpu.vector_load %arg5[%get3A_326, %get3A_327] {strides = array<i32>} : memref<16x2048xf32, #tpu.memory_space<vmem>>, vector<1x16xf32>,
    %get3A_329 = vector.shape_cast %get3A_328 : vector<1x16xf32> to vector<16xf32>
    %select_n3A_330 = arith.select %lt3A_234, %get3A_329, %broadcast_in_dim3A_44 : vector<16xi1>, vector<16xf32>
    %add3A_331 = arith.addf %select_n3A_240, %select_n3A_246 : vector<16xf32>
    %add3A_332 = arith.addf %add3A_331, %select_n3A_252 : vector<16xf32>
    %add3A_333 = arith.addf %add3A_332, %select_n3A_258 : vector<16xf32>
    %add3A_334 = arith.addf %add3A_333, %select_n3A_264 : vector<16xf32>
    %add3A_335 = arith.addf %add3A_334, %select_n3A_270 : vector<16xf32>
    %add3A_336 = arith.addf %add3A_335, %select_n3A_276 : vector<16xf32>
    %add3A_337 = arith.addf %add3A_336, %select_n3A_282 : vector<16xf32>
    %add3A_338 = arith.addf %add3A_337, %select_n3A_288 : vector<16xf32>
    %add3A_339 = arith.addf %add3A_338, %select_n3A_294 : vector<16xf32>
    %add3A_340 = arith.addf %add3A_339, %select_n3A_300 : vector<16xf32>
    %add3A_341 = arith.addf %add3A_340, %select_n3A_306 : vector<16xf32>
    %add3A_342 = arith.addf %add3A_341, %select_n3A_312 : vector<16xf32>
    %add3A_343 = arith.addf %add3A_342, %select_n3A_318 : vector<16xf32>
    %add3A_344 = arith.addf %add3A_343, %select_n3A_324 : vector<16xf32>
    %add3A_345 = arith.addf %add3A_344, %select_n3A_330 : vector<16xf32>
    %div3A = arith.constant 2.500000e+00 : f32
    %div3A_346 = vector.broadcast %div3A : f32 to vector<16xf32>
    %div3A_347 = arith.divf %div3A_346, %add3A_345 : vector<16xf32>
    %mul3A_348 = arith.mulf %select_n3A_240, %div3A_347 : vector<16xf32>
    %swap3A = arith.constant 0 : i32
    %swap3A_349 = arith.index_cast %swap3A : i32 to index
    %swap3A_350 = arith.constant 0 : index
    %swap3A_351 = tpu.vector_load %arg7[%swap3A_349, %swap3A_350] {strides = array<i32>} : memref<16x64xf32, #tpu.memory_space<vmem>>, vector<1x16xf32>,
    %swap3A_352 = vector.shape_cast %swap3A_351 : vector<1x16xf32> to vector<16xf32>
    %swap3A_353 = vector.shape_cast %mul3A_348 : vector<16xf32> to vector<1x16xf32>
    tpu.vector_store %arg7[%swap3A_349, %swap3A_350], %swap3A_353 {strides = array<i32>} : memref<16x64xf32, #tpu.memory_space<vmem>>, vector<1x16xf32>,
    %mul3A_354 = arith.mulf %select_n3A_246, %div3A_347 : vector<16xf32>
    %swap3A_355 = arith.constant 1 : i32
    %swap3A_356 = arith.index_cast %swap3A_355 : i32 to index
    %swap3A_357 = arith.constant 0 : index
    %swap3A_358 = tpu.vector_load %arg7[%swap3A_356, %swap3A_357] {strides = array<i32>} : memref<16x64xf32, #tpu.memory_space<vmem>>, vector<1x16xf32>,
    %swap3A_359 = vector.shape_cast %swap3A_358 : vector<1x16xf32> to vector<16xf32>
    %swap3A_360 = vector.shape_cast %mul3A_354 : vector<16xf32> to vector<1x16xf32>
    tpu.vector_store %arg7[%swap3A_356, %swap3A_357], %swap3A_360 {strides = array<i32>} : memref<16x64xf32, #tpu.memory_space<vmem>>, vector<1x16xf32>,
    %mul3A_361 = arith.mulf %select_n3A_252, %div3A_347 : vector<16xf32>
    %swap3A_362 = arith.constant 2 : i32
    %swap3A_363 = arith.index_cast %swap3A_362 : i32 to index
    %swap3A_364 = arith.constant 0 : index
    %swap3A_365 = tpu.vector_load %arg7[%swap3A_363, %swap3A_364] {strides = array<i32>} : memref<16x64xf32, #tpu.memory_space<vmem>>, vector<1x16xf32>,
    %swap3A_366 = vector.shape_cast %swap3A_365 : vector<1x16xf32> to vector<16xf32>
    %swap3A_367 = vector.shape_cast %mul3A_361 : vector<16xf32> to vector<1x16xf32>
    tpu.vector_store %arg7[%swap3A_363, %swap3A_364], %swap3A_367 {strides = array<i32>} : memref<16x64xf32, #tpu.memory_space<vmem>>, vector<1x16xf32>,
    %mul3A_368 = arith.mulf %select_n3A_258, %div3A_347 : vector<16xf32>
    %swap3A_369 = arith.constant 3 : i32
    %swap3A_370 = arith.index_cast %swap3A_369 : i32 to index
    %swap3A_371 = arith.constant 0 : index
    %swap3A_372 = tpu.vector_load %arg7[%swap3A_370, %swap3A_371] {strides = array<i32>} : memref<16x64xf32, #tpu.memory_space<vmem>>, vector<1x16xf32>,
    %swap3A_373 = vector.shape_cast %swap3A_372 : vector<1x16xf32> to vector<16xf32>
    %swap3A_374 = vector.shape_cast %mul3A_368 : vector<16xf32> to vector<1x16xf32>
    tpu.vector_store %arg7[%swap3A_370, %swap3A_371], %swap3A_374 {strides = array<i32>} : memref<16x64xf32, #tpu.memory_space<vmem>>, vector<1x16xf32>,
    %mul3A_375 = arith.mulf %select_n3A_264, %div3A_347 : vector<16xf32>
    %swap3A_376 = arith.constant 4 : i32
    %swap3A_377 = arith.index_cast %swap3A_376 : i32 to index
    %swap3A_378 = arith.constant 0 : index
    %swap3A_379 = tpu.vector_load %arg7[%swap3A_377, %swap3A_378] {strides = array<i32>} : memref<16x64xf32, #tpu.memory_space<vmem>>, vector<1x16xf32>,
    %swap3A_380 = vector.shape_cast %swap3A_379 : vector<1x16xf32> to vector<16xf32>
    %swap3A_381 = vector.shape_cast %mul3A_375 : vector<16xf32> to vector<1x16xf32>
    tpu.vector_store %arg7[%swap3A_377, %swap3A_378], %swap3A_381 {strides = array<i32>} : memref<16x64xf32, #tpu.memory_space<vmem>>, vector<1x16xf32>,
    %mul3A_382 = arith.mulf %select_n3A_270, %div3A_347 : vector<16xf32>
    %swap3A_383 = arith.constant 5 : i32
    %swap3A_384 = arith.index_cast %swap3A_383 : i32 to index
    %swap3A_385 = arith.constant 0 : index
    %swap3A_386 = tpu.vector_load %arg7[%swap3A_384, %swap3A_385] {strides = array<i32>} : memref<16x64xf32, #tpu.memory_space<vmem>>, vector<1x16xf32>,
    %swap3A_387 = vector.shape_cast %swap3A_386 : vector<1x16xf32> to vector<16xf32>
    %swap3A_388 = vector.shape_cast %mul3A_382 : vector<16xf32> to vector<1x16xf32>
    tpu.vector_store %arg7[%swap3A_384, %swap3A_385], %swap3A_388 {strides = array<i32>} : memref<16x64xf32, #tpu.memory_space<vmem>>, vector<1x16xf32>,
    %mul3A_389 = arith.mulf %select_n3A_276, %div3A_347 : vector<16xf32>
    %swap3A_390 = arith.constant 6 : i32
    %swap3A_391 = arith.index_cast %swap3A_390 : i32 to index
    %swap3A_392 = arith.constant 0 : index
    %swap3A_393 = tpu.vector_load %arg7[%swap3A_391, %swap3A_392] {strides = array<i32>} : memref<16x64xf32, #tpu.memory_space<vmem>>, vector<1x16xf32>,
    %swap3A_394 = vector.shape_cast %swap3A_393 : vector<1x16xf32> to vector<16xf32>
    %swap3A_395 = vector.shape_cast %mul3A_389 : vector<16xf32> to vector<1x16xf32>
    tpu.vector_store %arg7[%swap3A_391, %swap3A_392], %swap3A_395 {strides = array<i32>} : memref<16x64xf32, #tpu.memory_space<vmem>>, vector<1x16xf32>,
    %mul3A_396 = arith.mulf %select_n3A_282, %div3A_347 : vector<16xf32>
    %swap3A_397 = arith.constant 7 : i32
    %swap3A_398 = arith.index_cast %swap3A_397 : i32 to index
    %swap3A_399 = arith.constant 0 : index
    %swap3A_400 = tpu.vector_load %arg7[%swap3A_398, %swap3A_399] {strides = array<i32>} : memref<16x64xf32, #tpu.memory_space<vmem>>, vector<1x16xf32>,
    %swap3A_401 = vector.shape_cast %swap3A_400 : vector<1x16xf32> to vector<16xf32>
    %swap3A_402 = vector.shape_cast %mul3A_396 : vector<16xf32> to vector<1x16xf32>
    tpu.vector_store %arg7[%swap3A_398, %swap3A_399], %swap3A_402 {strides = array<i32>} : memref<16x64xf32, #tpu.memory_space<vmem>>, vector<1x16xf32>,
    %mul3A_403 = arith.mulf %select_n3A_288, %div3A_347 : vector<16xf32>
    %swap3A_404 = arith.constant 8 : i32
    %swap3A_405 = arith.index_cast %swap3A_404 : i32 to index
    %swap3A_406 = arith.constant 0 : index
    %swap3A_407 = tpu.vector_load %arg7[%swap3A_405, %swap3A_406] {strides = array<i32>} : memref<16x64xf32, #tpu.memory_space<vmem>>, vector<1x16xf32>,
    %swap3A_408 = vector.shape_cast %swap3A_407 : vector<1x16xf32> to vector<16xf32>
    %swap3A_409 = vector.shape_cast %mul3A_403 : vector<16xf32> to vector<1x16xf32>
    tpu.vector_store %arg7[%swap3A_405, %swap3A_406], %swap3A_409 {strides = array<i32>} : memref<16x64xf32, #tpu.memory_space<vmem>>, vector<1x16xf32>,
    %mul3A_410 = arith.mulf %select_n3A_294, %div3A_347 : vector<16xf32>
    %swap3A_411 = arith.constant 9 : i32
    %swap3A_412 = arith.index_cast %swap3A_411 : i32 to index
    %swap3A_413 = arith.constant 0 : index
    %swap3A_414 = tpu.vector_load %arg7[%swap3A_412, %swap3A_413] {strides = array<i32>} : memref<16x64xf32, #tpu.memory_space<vmem>>, vector<1x16xf32>,
    %swap3A_415 = vector.shape_cast %swap3A_414 : vector<1x16xf32> to vector<16xf32>
    %swap3A_416 = vector.shape_cast %mul3A_410 : vector<16xf32> to vector<1x16xf32>
    tpu.vector_store %arg7[%swap3A_412, %swap3A_413], %swap3A_416 {strides = array<i32>} : memref<16x64xf32, #tpu.memory_space<vmem>>, vector<1x16xf32>,
    %mul3A_417 = arith.mulf %select_n3A_300, %div3A_347 : vector<16xf32>
    %swap3A_418 = arith.constant 10 : i32
    %swap3A_419 = arith.index_cast %swap3A_418 : i32 to index
    %swap3A_420 = arith.constant 0 : index
    %swap3A_421 = tpu.vector_load %arg7[%swap3A_419, %swap3A_420] {strides = array<i32>} : memref<16x64xf32, #tpu.memory_space<vmem>>, vector<1x16xf32>,
    %swap3A_422 = vector.shape_cast %swap3A_421 : vector<1x16xf32> to vector<16xf32>
    %swap3A_423 = vector.shape_cast %mul3A_417 : vector<16xf32> to vector<1x16xf32>
    tpu.vector_store %arg7[%swap3A_419, %swap3A_420], %swap3A_423 {strides = array<i32>} : memref<16x64xf32, #tpu.memory_space<vmem>>, vector<1x16xf32>,
    %mul3A_424 = arith.mulf %select_n3A_306, %div3A_347 : vector<16xf32>
    %swap3A_425 = arith.constant 11 : i32
    %swap3A_426 = arith.index_cast %swap3A_425 : i32 to index
    %swap3A_427 = arith.constant 0 : index
    %swap3A_428 = tpu.vector_load %arg7[%swap3A_426, %swap3A_427] {strides = array<i32>} : memref<16x64xf32, #tpu.memory_space<vmem>>, vector<1x16xf32>,
    %swap3A_429 = vector.shape_cast %swap3A_428 : vector<1x16xf32> to vector<16xf32>
    %swap3A_430 = vector.shape_cast %mul3A_424 : vector<16xf32> to vector<1x16xf32>
    tpu.vector_store %arg7[%swap3A_426, %swap3A_427], %swap3A_430 {strides = array<i32>} : memref<16x64xf32, #tpu.memory_space<vmem>>, vector<1x16xf32>,
    %mul3A_431 = arith.mulf %select_n3A_312, %div3A_347 : vector<16xf32>
    %swap3A_432 = arith.constant 12 : i32
    %swap3A_433 = arith.index_cast %swap3A_432 : i32 to index
    %swap3A_434 = arith.constant 0 : index
    %swap3A_435 = tpu.vector_load %arg7[%swap3A_433, %swap3A_434] {strides = array<i32>} : memref<16x64xf32, #tpu.memory_space<vmem>>, vector<1x16xf32>,
    %swap3A_436 = vector.shape_cast %swap3A_435 : vector<1x16xf32> to vector<16xf32>
    %swap3A_437 = vector.shape_cast %mul3A_431 : vector<16xf32> to vector<1x16xf32>
    tpu.vector_store %arg7[%swap3A_433, %swap3A_434], %swap3A_437 {strides = array<i32>} : memref<16x64xf32, #tpu.memory_space<vmem>>, vector<1x16xf32>,
    %mul3A_438 = arith.mulf %select_n3A_318, %div3A_347 : vector<16xf32>
    %swap3A_439 = arith.constant 13 : i32
    %swap3A_440 = arith.index_cast %swap3A_439 : i32 to index
    %swap3A_441 = arith.constant 0 : index
    %swap3A_442 = tpu.vector_load %arg7[%swap3A_440, %swap3A_441] {strides = array<i32>} : memref<16x64xf32, #tpu.memory_space<vmem>>, vector<1x16xf32>,
    %swap3A_443 = vector.shape_cast %swap3A_442 : vector<1x16xf32> to vector<16xf32>
    %swap3A_444 = vector.shape_cast %mul3A_438 : vector<16xf32> to vector<1x16xf32>
    tpu.vector_store %arg7[%swap3A_440, %swap3A_441], %swap3A_444 {strides = array<i32>} : memref<16x64xf32, #tpu.memory_space<vmem>>, vector<1x16xf32>,
    %mul3A_445 = arith.mulf %select_n3A_324, %div3A_347 : vector<16xf32>
    %swap3A_446 = arith.constant 14 : i32
    %swap3A_447 = arith.index_cast %swap3A_446 : i32 to index
    %swap3A_448 = arith.constant 0 : index
    %swap3A_449 = tpu.vector_load %arg7[%swap3A_447, %swap3A_448] {strides = array<i32>} : memref<16x64xf32, #tpu.memory_space<vmem>>, vector<1x16xf32>,
    %swap3A_450 = vector.shape_cast %swap3A_449 : vector<1x16xf32> to vector<16xf32>
    %swap3A_451 = vector.shape_cast %mul3A_445 : vector<16xf32> to vector<1x16xf32>
    tpu.vector_store %arg7[%swap3A_447, %swap3A_448], %swap3A_451 {strides = array<i32>} : memref<16x64xf32, #tpu.memory_space<vmem>>, vector<1x16xf32>,
    %mul3A_452 = arith.mulf %select_n3A_330, %div3A_347 : vector<16xf32>
    %swap3A_453 = arith.constant 15 : i32
    %swap3A_454 = arith.index_cast %swap3A_453 : i32 to index
    %swap3A_455 = arith.constant 0 : index
    %swap3A_456 = tpu.vector_load %arg7[%swap3A_454, %swap3A_455] {strides = array<i32>} : memref<16x64xf32, #tpu.memory_space<vmem>>, vector<1x16xf32>,
    %swap3A_457 = vector.shape_cast %swap3A_456 : vector<1x16xf32> to vector<16xf32>
    %swap3A_458 = vector.shape_cast %mul3A_452 : vector<16xf32> to vector<1x16xf32>
    tpu.vector_store %arg7[%swap3A_454, %swap3A_455], %swap3A_458 {strides = array<i32>} : memref<16x64xf32, #tpu.memory_space<vmem>>, vector<1x16xf32>,
    %add3A_459 = arith.constant 16 : i32
    %add3A_460 = arith.addi %mul3A_2, %add3A_459 : i32
    %get3A_461 = arith.constant 0 : i32
    %get3A_462 = arith.index_cast %get3A_461 : i32 to index
    %get3A_463 = arith.index_cast %add3A_460 : i32 to index
    %get3A_464 = tpu.vector_load %arg6[%get3A_462, %get3A_463] {strides = array<i32>} : memref<8x2048xf32, #tpu.memory_space<vmem>>, vector<1x16xf32>,
    %get3A_465 = vector.shape_cast %get3A_464 : vector<1x16xf32> to vector<16xf32>
    %get3A_466 = arith.constant 1 : i32
    %get3A_467 = arith.index_cast %get3A_466 : i32 to index
    %get3A_468 = arith.index_cast %add3A_460 : i32 to index
    %get3A_469 = tpu.vector_load %arg6[%get3A_467, %get3A_468] {strides = array<i32>} : memref<8x2048xf32, #tpu.memory_space<vmem>>, vector<1x16xf32>,
    %get3A_470 = vector.shape_cast %get3A_469 : vector<1x16xf32> to vector<16xf32>
    %get3A_471 = arith.constant 2 : i32
    %get3A_472 = arith.index_cast %get3A_471 : i32 to index
    %get3A_473 = arith.index_cast %add3A_460 : i32 to index
    %get3A_474 = tpu.vector_load %arg6[%get3A_472, %get3A_473] {strides = array<i32>} : memref<8x2048xf32, #tpu.memory_space<vmem>>, vector<1x16xf32>,
    %get3A_475 = vector.shape_cast %get3A_474 : vector<1x16xf32> to vector<16xf32>
    %get3A_476 = arith.constant 3 : i32
    %get3A_477 = arith.index_cast %get3A_476 : i32 to index
    %get3A_478 = arith.index_cast %add3A_460 : i32 to index
    %get3A_479 = tpu.vector_load %arg6[%get3A_477, %get3A_478] {strides = array<i32>} : memref<8x2048xf32, #tpu.memory_space<vmem>>, vector<1x16xf32>,
    %get3A_480 = vector.shape_cast %get3A_479 : vector<1x16xf32> to vector<16xf32>
    %get3A_481 = arith.constant 4 : i32
    %get3A_482 = arith.index_cast %get3A_481 : i32 to index
    %get3A_483 = arith.index_cast %add3A_460 : i32 to index
    %get3A_484 = tpu.vector_load %arg6[%get3A_482, %get3A_483] {strides = array<i32>} : memref<8x2048xf32, #tpu.memory_space<vmem>>, vector<1x16xf32>,
    %get3A_485 = vector.shape_cast %get3A_484 : vector<1x16xf32> to vector<16xf32>
    %get3A_486 = arith.constant 5 : i32
    %get3A_487 = arith.index_cast %get3A_486 : i32 to index
    %get3A_488 = arith.index_cast %add3A_460 : i32 to index
    %get3A_489 = tpu.vector_load %arg6[%get3A_487, %get3A_488] {strides = array<i32>} : memref<8x2048xf32, #tpu.memory_space<vmem>>, vector<1x16xf32>,
    %get3A_490 = vector.shape_cast %get3A_489 : vector<1x16xf32> to vector<16xf32>
    %get3A_491 = arith.constant 6 : i32
    %get3A_492 = arith.index_cast %get3A_491 : i32 to index
    %get3A_493 = arith.index_cast %add3A_460 : i32 to index
    %get3A_494 = tpu.vector_load %arg6[%get3A_492, %get3A_493] {strides = array<i32>} : memref<8x2048xf32, #tpu.memory_space<vmem>>, vector<1x16xf32>,
    %get3A_495 = vector.shape_cast %get3A_494 : vector<1x16xf32> to vector<16xf32>
    %get3A_496 = arith.constant 7 : i32
    %get3A_497 = arith.index_cast %get3A_496 : i32 to index
    %get3A_498 = arith.index_cast %add3A_460 : i32 to index
    %get3A_499 = tpu.vector_load %arg6[%get3A_497, %get3A_498] {strides = array<i32>} : memref<8x2048xf32, #tpu.memory_space<vmem>>, vector<1x16xf32>,
    %get3A_500 = vector.shape_cast %get3A_499 : vector<1x16xf32> to vector<16xf32>
    %broadcast_in_dim3A_501 = arith.constant 0.000000e+00 : f32
    %broadcast_in_dim3A_502 = vector.broadcast %broadcast_in_dim3A_501 : f32 to vector<16xf32>
    %broadcast_in_dim3A_503 = arith.constant 1.000000e+00 : f32
    %broadcast_in_dim3A_504 = vector.broadcast %broadcast_in_dim3A_503 : f32 to vector<16xf32>
    %gt3A_505 = arith.cmpf ogt, %get3A_470, %get3A_465 : vector<16xf32>
    %select_n3A_506 = arith.select %gt3A_505, %broadcast_in_dim3A_504, %broadcast_in_dim3A_502 : vector<16xi1>, vector<16xf32>
    %add3A_507 = arith.addf %broadcast_in_dim3A_502, %select_n3A_506 : vector<16xf32>
    %gt3A_508 = arith.cmpf ogt, %get3A_475, %get3A_465 : vector<16xf32>
    %select_n3A_509 = arith.select %gt3A_508, %broadcast_in_dim3A_504, %broadcast_in_dim3A_502 : vector<16xi1>, vector<16xf32>
    %add3A_510 = arith.addf %add3A_507, %select_n3A_509 : vector<16xf32>
    %gt3A_511 = arith.cmpf ogt, %get3A_480, %get3A_465 : vector<16xf32>
    %select_n3A_512 = arith.select %gt3A_511, %broadcast_in_dim3A_504, %broadcast_in_dim3A_502 : vector<16xi1>, vector<16xf32>
    %add3A_513 = arith.addf %add3A_510, %select_n3A_512 : vector<16xf32>
    %gt3A_514 = arith.cmpf ogt, %get3A_485, %get3A_465 : vector<16xf32>
    %select_n3A_515 = arith.select %gt3A_514, %broadcast_in_dim3A_504, %broadcast_in_dim3A_502 : vector<16xi1>, vector<16xf32>
    %add3A_516 = arith.addf %add3A_513, %select_n3A_515 : vector<16xf32>
    %gt3A_517 = arith.cmpf ogt, %get3A_490, %get3A_465 : vector<16xf32>
    %select_n3A_518 = arith.select %gt3A_517, %broadcast_in_dim3A_504, %broadcast_in_dim3A_502 : vector<16xi1>, vector<16xf32>
    %add3A_519 = arith.addf %add3A_516, %select_n3A_518 : vector<16xf32>
    %gt3A_520 = arith.cmpf ogt, %get3A_495, %get3A_465 : vector<16xf32>
    %select_n3A_521 = arith.select %gt3A_520, %broadcast_in_dim3A_504, %broadcast_in_dim3A_502 : vector<16xi1>, vector<16xf32>
    %add3A_522 = arith.addf %add3A_519, %select_n3A_521 : vector<16xf32>
    %gt3A_523 = arith.cmpf ogt, %get3A_500, %get3A_465 : vector<16xf32>
    %select_n3A_524 = arith.select %gt3A_523, %broadcast_in_dim3A_504, %broadcast_in_dim3A_502 : vector<16xi1>, vector<16xf32>
    %add3A_525 = arith.addf %add3A_522, %select_n3A_524 : vector<16xf32>
    %lt3A_526 = arith.constant 4.000000e+00 : f32
    %lt3A_527 = vector.broadcast %lt3A_526 : f32 to vector<16xf32>
    %lt3A_528 = arith.cmpf olt, %add3A_525, %lt3A_527 : vector<16xf32>
    %ge3A_529 = arith.cmpf oge, %get3A_465, %get3A_470 : vector<16xf32>
    %select_n3A_530 = arith.select %ge3A_529, %broadcast_in_dim3A_504, %broadcast_in_dim3A_502 : vector<16xi1>, vector<16xf32>
    %add3A_531 = arith.addf %broadcast_in_dim3A_502, %select_n3A_530 : vector<16xf32>
    %gt3A_532 = arith.cmpf ogt, %get3A_475, %get3A_470 : vector<16xf32>
    %select_n3A_533 = arith.select %gt3A_532, %broadcast_in_dim3A_504, %broadcast_in_dim3A_502 : vector<16xi1>, vector<16xf32>
    %add3A_534 = arith.addf %add3A_531, %select_n3A_533 : vector<16xf32>
    %gt3A_535 = arith.cmpf ogt, %get3A_480, %get3A_470 : vector<16xf32>
    %select_n3A_536 = arith.select %gt3A_535, %broadcast_in_dim3A_504, %broadcast_in_dim3A_502 : vector<16xi1>, vector<16xf32>
    %add3A_537 = arith.addf %add3A_534, %select_n3A_536 : vector<16xf32>
    %gt3A_538 = arith.cmpf ogt, %get3A_485, %get3A_470 : vector<16xf32>
    %select_n3A_539 = arith.select %gt3A_538, %broadcast_in_dim3A_504, %broadcast_in_dim3A_502 : vector<16xi1>, vector<16xf32>
    %add3A_540 = arith.addf %add3A_537, %select_n3A_539 : vector<16xf32>
    %gt3A_541 = arith.cmpf ogt, %get3A_490, %get3A_470 : vector<16xf32>
    %select_n3A_542 = arith.select %gt3A_541, %broadcast_in_dim3A_504, %broadcast_in_dim3A_502 : vector<16xi1>, vector<16xf32>
    %add3A_543 = arith.addf %add3A_540, %select_n3A_542 : vector<16xf32>
    %gt3A_544 = arith.cmpf ogt, %get3A_495, %get3A_470 : vector<16xf32>
    %select_n3A_545 = arith.select %gt3A_544, %broadcast_in_dim3A_504, %broadcast_in_dim3A_502 : vector<16xi1>, vector<16xf32>
    %add3A_546 = arith.addf %add3A_543, %select_n3A_545 : vector<16xf32>
    %gt3A_547 = arith.cmpf ogt, %get3A_500, %get3A_470 : vector<16xf32>
    %select_n3A_548 = arith.select %gt3A_547, %broadcast_in_dim3A_504, %broadcast_in_dim3A_502 : vector<16xi1>, vector<16xf32>
    %add3A_549 = arith.addf %add3A_546, %select_n3A_548 : vector<16xf32>
    %lt3A_550 = arith.constant 4.000000e+00 : f32
    %lt3A_551 = vector.broadcast %lt3A_550 : f32 to vector<16xf32>
    %lt3A_552 = arith.cmpf olt, %add3A_549, %lt3A_551 : vector<16xf32>
    %ge3A_553 = arith.cmpf oge, %get3A_465, %get3A_475 : vector<16xf32>
    %select_n3A_554 = arith.select %ge3A_553, %broadcast_in_dim3A_504, %broadcast_in_dim3A_502 : vector<16xi1>, vector<16xf32>
    %add3A_555 = arith.addf %broadcast_in_dim3A_502, %select_n3A_554 : vector<16xf32>
    %ge3A_556 = arith.cmpf oge, %get3A_470, %get3A_475 : vector<16xf32>
    %select_n3A_557 = arith.select %ge3A_556, %broadcast_in_dim3A_504, %broadcast_in_dim3A_502 : vector<16xi1>, vector<16xf32>
    %add3A_558 = arith.addf %add3A_555, %select_n3A_557 : vector<16xf32>
    %gt3A_559 = arith.cmpf ogt, %get3A_480, %get3A_475 : vector<16xf32>
    %select_n3A_560 = arith.select %gt3A_559, %broadcast_in_dim3A_504, %broadcast_in_dim3A_502 : vector<16xi1>, vector<16xf32>
    %add3A_561 = arith.addf %add3A_558, %select_n3A_560 : vector<16xf32>
    %gt3A_562 = arith.cmpf ogt, %get3A_485, %get3A_475 : vector<16xf32>
    %select_n3A_563 = arith.select %gt3A_562, %broadcast_in_dim3A_504, %broadcast_in_dim3A_502 : vector<16xi1>, vector<16xf32>
    %add3A_564 = arith.addf %add3A_561, %select_n3A_563 : vector<16xf32>
    %gt3A_565 = arith.cmpf ogt, %get3A_490, %get3A_475 : vector<16xf32>
    %select_n3A_566 = arith.select %gt3A_565, %broadcast_in_dim3A_504, %broadcast_in_dim3A_502 : vector<16xi1>, vector<16xf32>
    %add3A_567 = arith.addf %add3A_564, %select_n3A_566 : vector<16xf32>
    %gt3A_568 = arith.cmpf ogt, %get3A_495, %get3A_475 : vector<16xf32>
    %select_n3A_569 = arith.select %gt3A_568, %broadcast_in_dim3A_504, %broadcast_in_dim3A_502 : vector<16xi1>, vector<16xf32>
    %add3A_570 = arith.addf %add3A_567, %select_n3A_569 : vector<16xf32>
    %gt3A_571 = arith.cmpf ogt, %get3A_500, %get3A_475 : vector<16xf32>
    %select_n3A_572 = arith.select %gt3A_571, %broadcast_in_dim3A_504, %broadcast_in_dim3A_502 : vector<16xi1>, vector<16xf32>
    %add3A_573 = arith.addf %add3A_570, %select_n3A_572 : vector<16xf32>
    %lt3A_574 = arith.constant 4.000000e+00 : f32
    %lt3A_575 = vector.broadcast %lt3A_574 : f32 to vector<16xf32>
    %lt3A_576 = arith.cmpf olt, %add3A_573, %lt3A_575 : vector<16xf32>
    %ge3A_577 = arith.cmpf oge, %get3A_465, %get3A_480 : vector<16xf32>
    %select_n3A_578 = arith.select %ge3A_577, %broadcast_in_dim3A_504, %broadcast_in_dim3A_502 : vector<16xi1>, vector<16xf32>
    %add3A_579 = arith.addf %broadcast_in_dim3A_502, %select_n3A_578 : vector<16xf32>
    %ge3A_580 = arith.cmpf oge, %get3A_470, %get3A_480 : vector<16xf32>
    %select_n3A_581 = arith.select %ge3A_580, %broadcast_in_dim3A_504, %broadcast_in_dim3A_502 : vector<16xi1>, vector<16xf32>
    %add3A_582 = arith.addf %add3A_579, %select_n3A_581 : vector<16xf32>
    %ge3A_583 = arith.cmpf oge, %get3A_475, %get3A_480 : vector<16xf32>
    %select_n3A_584 = arith.select %ge3A_583, %broadcast_in_dim3A_504, %broadcast_in_dim3A_502 : vector<16xi1>, vector<16xf32>
    %add3A_585 = arith.addf %add3A_582, %select_n3A_584 : vector<16xf32>
    %gt3A_586 = arith.cmpf ogt, %get3A_485, %get3A_480 : vector<16xf32>
    %select_n3A_587 = arith.select %gt3A_586, %broadcast_in_dim3A_504, %broadcast_in_dim3A_502 : vector<16xi1>, vector<16xf32>
    %add3A_588 = arith.addf %add3A_585, %select_n3A_587 : vector<16xf32>
    %gt3A_589 = arith.cmpf ogt, %get3A_490, %get3A_480 : vector<16xf32>
    %select_n3A_590 = arith.select %gt3A_589, %broadcast_in_dim3A_504, %broadcast_in_dim3A_502 : vector<16xi1>, vector<16xf32>
    %add3A_591 = arith.addf %add3A_588, %select_n3A_590 : vector<16xf32>
    %gt3A_592 = arith.cmpf ogt, %get3A_495, %get3A_480 : vector<16xf32>
    %select_n3A_593 = arith.select %gt3A_592, %broadcast_in_dim3A_504, %broadcast_in_dim3A_502 : vector<16xi1>, vector<16xf32>
    %add3A_594 = arith.addf %add3A_591, %select_n3A_593 : vector<16xf32>
    %gt3A_595 = arith.cmpf ogt, %get3A_500, %get3A_480 : vector<16xf32>
    %select_n3A_596 = arith.select %gt3A_595, %broadcast_in_dim3A_504, %broadcast_in_dim3A_502 : vector<16xi1>, vector<16xf32>
    %add3A_597 = arith.addf %add3A_594, %select_n3A_596 : vector<16xf32>
    %lt3A_598 = arith.constant 4.000000e+00 : f32
    %lt3A_599 = vector.broadcast %lt3A_598 : f32 to vector<16xf32>
    %lt3A_600 = arith.cmpf olt, %add3A_597, %lt3A_599 : vector<16xf32>
    %ge3A_601 = arith.cmpf oge, %get3A_465, %get3A_485 : vector<16xf32>
    %select_n3A_602 = arith.select %ge3A_601, %broadcast_in_dim3A_504, %broadcast_in_dim3A_502 : vector<16xi1>, vector<16xf32>
    %add3A_603 = arith.addf %broadcast_in_dim3A_502, %select_n3A_602 : vector<16xf32>
    %ge3A_604 = arith.cmpf oge, %get3A_470, %get3A_485 : vector<16xf32>
    %select_n3A_605 = arith.select %ge3A_604, %broadcast_in_dim3A_504, %broadcast_in_dim3A_502 : vector<16xi1>, vector<16xf32>
    %add3A_606 = arith.addf %add3A_603, %select_n3A_605 : vector<16xf32>
    %ge3A_607 = arith.cmpf oge, %get3A_475, %get3A_485 : vector<16xf32>
    %select_n3A_608 = arith.select %ge3A_607, %broadcast_in_dim3A_504, %broadcast_in_dim3A_502 : vector<16xi1>, vector<16xf32>
    %add3A_609 = arith.addf %add3A_606, %select_n3A_608 : vector<16xf32>
    %ge3A_610 = arith.cmpf oge, %get3A_480, %get3A_485 : vector<16xf32>
    %select_n3A_611 = arith.select %ge3A_610, %broadcast_in_dim3A_504, %broadcast_in_dim3A_502 : vector<16xi1>, vector<16xf32>
    %add3A_612 = arith.addf %add3A_609, %select_n3A_611 : vector<16xf32>
    %gt3A_613 = arith.cmpf ogt, %get3A_490, %get3A_485 : vector<16xf32>
    %select_n3A_614 = arith.select %gt3A_613, %broadcast_in_dim3A_504, %broadcast_in_dim3A_502 : vector<16xi1>, vector<16xf32>
    %add3A_615 = arith.addf %add3A_612, %select_n3A_614 : vector<16xf32>
    %gt3A_616 = arith.cmpf ogt, %get3A_495, %get3A_485 : vector<16xf32>
    %select_n3A_617 = arith.select %gt3A_616, %broadcast_in_dim3A_504, %broadcast_in_dim3A_502 : vector<16xi1>, vector<16xf32>
    %add3A_618 = arith.addf %add3A_615, %select_n3A_617 : vector<16xf32>
    %gt3A_619 = arith.cmpf ogt, %get3A_500, %get3A_485 : vector<16xf32>
    %select_n3A_620 = arith.select %gt3A_619, %broadcast_in_dim3A_504, %broadcast_in_dim3A_502 : vector<16xi1>, vector<16xf32>
    %add3A_621 = arith.addf %add3A_618, %select_n3A_620 : vector<16xf32>
    %lt3A_622 = arith.constant 4.000000e+00 : f32
    %lt3A_623 = vector.broadcast %lt3A_622 : f32 to vector<16xf32>
    %lt3A_624 = arith.cmpf olt, %add3A_621, %lt3A_623 : vector<16xf32>
    %ge3A_625 = arith.cmpf oge, %get3A_465, %get3A_490 : vector<16xf32>
    %select_n3A_626 = arith.select %ge3A_625, %broadcast_in_dim3A_504, %broadcast_in_dim3A_502 : vector<16xi1>, vector<16xf32>
    %add3A_627 = arith.addf %broadcast_in_dim3A_502, %select_n3A_626 : vector<16xf32>
    %ge3A_628 = arith.cmpf oge, %get3A_470, %get3A_490 : vector<16xf32>
    %select_n3A_629 = arith.select %ge3A_628, %broadcast_in_dim3A_504, %broadcast_in_dim3A_502 : vector<16xi1>, vector<16xf32>
    %add3A_630 = arith.addf %add3A_627, %select_n3A_629 : vector<16xf32>
    %ge3A_631 = arith.cmpf oge, %get3A_475, %get3A_490 : vector<16xf32>
    %select_n3A_632 = arith.select %ge3A_631, %broadcast_in_dim3A_504, %broadcast_in_dim3A_502 : vector<16xi1>, vector<16xf32>
    %add3A_633 = arith.addf %add3A_630, %select_n3A_632 : vector<16xf32>
    %ge3A_634 = arith.cmpf oge, %get3A_480, %get3A_490 : vector<16xf32>
    %select_n3A_635 = arith.select %ge3A_634, %broadcast_in_dim3A_504, %broadcast_in_dim3A_502 : vector<16xi1>, vector<16xf32>
    %add3A_636 = arith.addf %add3A_633, %select_n3A_635 : vector<16xf32>
    %ge3A_637 = arith.cmpf oge, %get3A_485, %get3A_490 : vector<16xf32>
    %select_n3A_638 = arith.select %ge3A_637, %broadcast_in_dim3A_504, %broadcast_in_dim3A_502 : vector<16xi1>, vector<16xf32>
    %add3A_639 = arith.addf %add3A_636, %select_n3A_638 : vector<16xf32>
    %gt3A_640 = arith.cmpf ogt, %get3A_495, %get3A_490 : vector<16xf32>
    %select_n3A_641 = arith.select %gt3A_640, %broadcast_in_dim3A_504, %broadcast_in_dim3A_502 : vector<16xi1>, vector<16xf32>
    %add3A_642 = arith.addf %add3A_639, %select_n3A_641 : vector<16xf32>
    %gt3A_643 = arith.cmpf ogt, %get3A_500, %get3A_490 : vector<16xf32>
    %select_n3A_644 = arith.select %gt3A_643, %broadcast_in_dim3A_504, %broadcast_in_dim3A_502 : vector<16xi1>, vector<16xf32>
    %add3A_645 = arith.addf %add3A_642, %select_n3A_644 : vector<16xf32>
    %lt3A_646 = arith.constant 4.000000e+00 : f32
    %lt3A_647 = vector.broadcast %lt3A_646 : f32 to vector<16xf32>
    %lt3A_648 = arith.cmpf olt, %add3A_645, %lt3A_647 : vector<16xf32>
    %ge3A_649 = arith.cmpf oge, %get3A_465, %get3A_495 : vector<16xf32>
    %select_n3A_650 = arith.select %ge3A_649, %broadcast_in_dim3A_504, %broadcast_in_dim3A_502 : vector<16xi1>, vector<16xf32>
    %add3A_651 = arith.addf %broadcast_in_dim3A_502, %select_n3A_650 : vector<16xf32>
    %ge3A_652 = arith.cmpf oge, %get3A_470, %get3A_495 : vector<16xf32>
    %select_n3A_653 = arith.select %ge3A_652, %broadcast_in_dim3A_504, %broadcast_in_dim3A_502 : vector<16xi1>, vector<16xf32>
    %add3A_654 = arith.addf %add3A_651, %select_n3A_653 : vector<16xf32>
    %ge3A_655 = arith.cmpf oge, %get3A_475, %get3A_495 : vector<16xf32>
    %select_n3A_656 = arith.select %ge3A_655, %broadcast_in_dim3A_504, %broadcast_in_dim3A_502 : vector<16xi1>, vector<16xf32>
    %add3A_657 = arith.addf %add3A_654, %select_n3A_656 : vector<16xf32>
    %ge3A_658 = arith.cmpf oge, %get3A_480, %get3A_495 : vector<16xf32>
    %select_n3A_659 = arith.select %ge3A_658, %broadcast_in_dim3A_504, %broadcast_in_dim3A_502 : vector<16xi1>, vector<16xf32>
    %add3A_660 = arith.addf %add3A_657, %select_n3A_659 : vector<16xf32>
    %ge3A_661 = arith.cmpf oge, %get3A_485, %get3A_495 : vector<16xf32>
    %select_n3A_662 = arith.select %ge3A_661, %broadcast_in_dim3A_504, %broadcast_in_dim3A_502 : vector<16xi1>, vector<16xf32>
    %add3A_663 = arith.addf %add3A_660, %select_n3A_662 : vector<16xf32>
    %ge3A_664 = arith.cmpf oge, %get3A_490, %get3A_495 : vector<16xf32>
    %select_n3A_665 = arith.select %ge3A_664, %broadcast_in_dim3A_504, %broadcast_in_dim3A_502 : vector<16xi1>, vector<16xf32>
    %add3A_666 = arith.addf %add3A_663, %select_n3A_665 : vector<16xf32>
    %gt3A_667 = arith.cmpf ogt, %get3A_500, %get3A_495 : vector<16xf32>
    %select_n3A_668 = arith.select %gt3A_667, %broadcast_in_dim3A_504, %broadcast_in_dim3A_502 : vector<16xi1>, vector<16xf32>
    %add3A_669 = arith.addf %add3A_666, %select_n3A_668 : vector<16xf32>
    %lt3A_670 = arith.constant 4.000000e+00 : f32
    %lt3A_671 = vector.broadcast %lt3A_670 : f32 to vector<16xf32>
    %lt3A_672 = arith.cmpf olt, %add3A_669, %lt3A_671 : vector<16xf32>
    %ge3A_673 = arith.cmpf oge, %get3A_465, %get3A_500 : vector<16xf32>
    %select_n3A_674 = arith.select %ge3A_673, %broadcast_in_dim3A_504, %broadcast_in_dim3A_502 : vector<16xi1>, vector<16xf32>
    %add3A_675 = arith.addf %broadcast_in_dim3A_502, %select_n3A_674 : vector<16xf32>
    %ge3A_676 = arith.cmpf oge, %get3A_470, %get3A_500 : vector<16xf32>
    %select_n3A_677 = arith.select %ge3A_676, %broadcast_in_dim3A_504, %broadcast_in_dim3A_502 : vector<16xi1>, vector<16xf32>
    %add3A_678 = arith.addf %add3A_675, %select_n3A_677 : vector<16xf32>
    %ge3A_679 = arith.cmpf oge, %get3A_475, %get3A_500 : vector<16xf32>
    %select_n3A_680 = arith.select %ge3A_679, %broadcast_in_dim3A_504, %broadcast_in_dim3A_502 : vector<16xi1>, vector<16xf32>
    %add3A_681 = arith.addf %add3A_678, %select_n3A_680 : vector<16xf32>
    %ge3A_682 = arith.cmpf oge, %get3A_480, %get3A_500 : vector<16xf32>
    %select_n3A_683 = arith.select %ge3A_682, %broadcast_in_dim3A_504, %broadcast_in_dim3A_502 : vector<16xi1>, vector<16xf32>
    %add3A_684 = arith.addf %add3A_681, %select_n3A_683 : vector<16xf32>
    %ge3A_685 = arith.cmpf oge, %get3A_485, %get3A_500 : vector<16xf32>
    %select_n3A_686 = arith.select %ge3A_685, %broadcast_in_dim3A_504, %broadcast_in_dim3A_502 : vector<16xi1>, vector<16xf32>
    %add3A_687 = arith.addf %add3A_684, %select_n3A_686 : vector<16xf32>
    %ge3A_688 = arith.cmpf oge, %get3A_490, %get3A_500 : vector<16xf32>
    %select_n3A_689 = arith.select %ge3A_688, %broadcast_in_dim3A_504, %broadcast_in_dim3A_502 : vector<16xi1>, vector<16xf32>
    %add3A_690 = arith.addf %add3A_687, %select_n3A_689 : vector<16xf32>
    %ge3A_691 = arith.cmpf oge, %get3A_495, %get3A_500 : vector<16xf32>
    %select_n3A_692 = arith.select %ge3A_691, %broadcast_in_dim3A_504, %broadcast_in_dim3A_502 : vector<16xi1>, vector<16xf32>
    %add3A_693 = arith.addf %add3A_690, %select_n3A_692 : vector<16xf32>
    %lt3A_694 = arith.constant 4.000000e+00 : f32
    %lt3A_695 = vector.broadcast %lt3A_694 : f32 to vector<16xf32>
    %lt3A_696 = arith.cmpf olt, %add3A_693, %lt3A_695 : vector<16xf32>
    %get3A_697 = arith.constant 0 : i32
    %get3A_698 = arith.index_cast %get3A_697 : i32 to index
    %get3A_699 = arith.index_cast %add3A_460 : i32 to index
    %get3A_700 = tpu.vector_load %arg5[%get3A_698, %get3A_699] {strides = array<i32>} : memref<16x2048xf32, #tpu.memory_space<vmem>>, vector<1x16xf32>,
    %get3A_701 = vector.shape_cast %get3A_700 : vector<1x16xf32> to vector<16xf32>
    %select_n3A_702 = arith.select %lt3A_528, %get3A_701, %broadcast_in_dim3A_502 : vector<16xi1>, vector<16xf32>
    %get3A_703 = arith.constant 1 : i32
    %get3A_704 = arith.index_cast %get3A_703 : i32 to index
    %get3A_705 = arith.index_cast %add3A_460 : i32 to index
    %get3A_706 = tpu.vector_load %arg5[%get3A_704, %get3A_705] {strides = array<i32>} : memref<16x2048xf32, #tpu.memory_space<vmem>>, vector<1x16xf32>,
    %get3A_707 = vector.shape_cast %get3A_706 : vector<1x16xf32> to vector<16xf32>
    %select_n3A_708 = arith.select %lt3A_528, %get3A_707, %broadcast_in_dim3A_502 : vector<16xi1>, vector<16xf32>
    %get3A_709 = arith.constant 2 : i32
    %get3A_710 = arith.index_cast %get3A_709 : i32 to index
    %get3A_711 = arith.index_cast %add3A_460 : i32 to index
    %get3A_712 = tpu.vector_load %arg5[%get3A_710, %get3A_711] {strides = array<i32>} : memref<16x2048xf32, #tpu.memory_space<vmem>>, vector<1x16xf32>,
    %get3A_713 = vector.shape_cast %get3A_712 : vector<1x16xf32> to vector<16xf32>
    %select_n3A_714 = arith.select %lt3A_552, %get3A_713, %broadcast_in_dim3A_502 : vector<16xi1>, vector<16xf32>
    %get3A_715 = arith.constant 3 : i32
    %get3A_716 = arith.index_cast %get3A_715 : i32 to index
    %get3A_717 = arith.index_cast %add3A_460 : i32 to index
    %get3A_718 = tpu.vector_load %arg5[%get3A_716, %get3A_717] {strides = array<i32>} : memref<16x2048xf32, #tpu.memory_space<vmem>>, vector<1x16xf32>,
    %get3A_719 = vector.shape_cast %get3A_718 : vector<1x16xf32> to vector<16xf32>
    %select_n3A_720 = arith.select %lt3A_552, %get3A_719, %broadcast_in_dim3A_502 : vector<16xi1>, vector<16xf32>
    %get3A_721 = arith.constant 4 : i32
    %get3A_722 = arith.index_cast %get3A_721 : i32 to index
    %get3A_723 = arith.index_cast %add3A_460 : i32 to index
    %get3A_724 = tpu.vector_load %arg5[%get3A_722, %get3A_723] {strides = array<i32>} : memref<16x2048xf32, #tpu.memory_space<vmem>>, vector<1x16xf32>,
    %get3A_725 = vector.shape_cast %get3A_724 : vector<1x16xf32> to vector<16xf32>
    %select_n3A_726 = arith.select %lt3A_576, %get3A_725, %broadcast_in_dim3A_502 : vector<16xi1>, vector<16xf32>
    %get3A_727 = arith.constant 5 : i32
    %get3A_728 = arith.index_cast %get3A_727 : i32 to index
    %get3A_729 = arith.index_cast %add3A_460 : i32 to index
    %get3A_730 = tpu.vector_load %arg5[%get3A_728, %get3A_729] {strides = array<i32>} : memref<16x2048xf32, #tpu.memory_space<vmem>>, vector<1x16xf32>,
    %get3A_731 = vector.shape_cast %get3A_730 : vector<1x16xf32> to vector<16xf32>
    %select_n3A_732 = arith.select %lt3A_576, %get3A_731, %broadcast_in_dim3A_502 : vector<16xi1>, vector<16xf32>
    %get3A_733 = arith.constant 6 : i32
    %get3A_734 = arith.index_cast %get3A_733 : i32 to index
    %get3A_735 = arith.index_cast %add3A_460 : i32 to index
    %get3A_736 = tpu.vector_load %arg5[%get3A_734, %get3A_735] {strides = array<i32>} : memref<16x2048xf32, #tpu.memory_space<vmem>>, vector<1x16xf32>,
    %get3A_737 = vector.shape_cast %get3A_736 : vector<1x16xf32> to vector<16xf32>
    %select_n3A_738 = arith.select %lt3A_600, %get3A_737, %broadcast_in_dim3A_502 : vector<16xi1>, vector<16xf32>
    %get3A_739 = arith.constant 7 : i32
    %get3A_740 = arith.index_cast %get3A_739 : i32 to index
    %get3A_741 = arith.index_cast %add3A_460 : i32 to index
    %get3A_742 = tpu.vector_load %arg5[%get3A_740, %get3A_741] {strides = array<i32>} : memref<16x2048xf32, #tpu.memory_space<vmem>>, vector<1x16xf32>,
    %get3A_743 = vector.shape_cast %get3A_742 : vector<1x16xf32> to vector<16xf32>
    %select_n3A_744 = arith.select %lt3A_600, %get3A_743, %broadcast_in_dim3A_502 : vector<16xi1>, vector<16xf32>
    %get3A_745 = arith.constant 8 : i32
    %get3A_746 = arith.index_cast %get3A_745 : i32 to index
    %get3A_747 = arith.index_cast %add3A_460 : i32 to index
    %get3A_748 = tpu.vector_load %arg5[%get3A_746, %get3A_747] {strides = array<i32>} : memref<16x2048xf32, #tpu.memory_space<vmem>>, vector<1x16xf32>,
    %get3A_749 = vector.shape_cast %get3A_748 : vector<1x16xf32> to vector<16xf32>
    %select_n3A_750 = arith.select %lt3A_624, %get3A_749, %broadcast_in_dim3A_502 : vector<16xi1>, vector<16xf32>
    %get3A_751 = arith.constant 9 : i32
    %get3A_752 = arith.index_cast %get3A_751 : i32 to index
    %get3A_753 = arith.index_cast %add3A_460 : i32 to index
    %get3A_754 = tpu.vector_load %arg5[%get3A_752, %get3A_753] {strides = array<i32>} : memref<16x2048xf32, #tpu.memory_space<vmem>>, vector<1x16xf32>,
    %get3A_755 = vector.shape_cast %get3A_754 : vector<1x16xf32> to vector<16xf32>
    %select_n3A_756 = arith.select %lt3A_624, %get3A_755, %broadcast_in_dim3A_502 : vector<16xi1>, vector<16xf32>
    %get3A_757 = arith.constant 10 : i32
    %get3A_758 = arith.index_cast %get3A_757 : i32 to index
    %get3A_759 = arith.index_cast %add3A_460 : i32 to index
    %get3A_760 = tpu.vector_load %arg5[%get3A_758, %get3A_759] {strides = array<i32>} : memref<16x2048xf32, #tpu.memory_space<vmem>>, vector<1x16xf32>,
    %get3A_761 = vector.shape_cast %get3A_760 : vector<1x16xf32> to vector<16xf32>
    %select_n3A_762 = arith.select %lt3A_648, %get3A_761, %broadcast_in_dim3A_502 : vector<16xi1>, vector<16xf32>
    %get3A_763 = arith.constant 11 : i32
    %get3A_764 = arith.index_cast %get3A_763 : i32 to index
    %get3A_765 = arith.index_cast %add3A_460 : i32 to index
    %get3A_766 = tpu.vector_load %arg5[%get3A_764, %get3A_765] {strides = array<i32>} : memref<16x2048xf32, #tpu.memory_space<vmem>>, vector<1x16xf32>,
    %get3A_767 = vector.shape_cast %get3A_766 : vector<1x16xf32> to vector<16xf32>
    %select_n3A_768 = arith.select %lt3A_648, %get3A_767, %broadcast_in_dim3A_502 : vector<16xi1>, vector<16xf32>
    %get3A_769 = arith.constant 12 : i32
    %get3A_770 = arith.index_cast %get3A_769 : i32 to index
    %get3A_771 = arith.index_cast %add3A_460 : i32 to index
    %get3A_772 = tpu.vector_load %arg5[%get3A_770, %get3A_771] {strides = array<i32>} : memref<16x2048xf32, #tpu.memory_space<vmem>>, vector<1x16xf32>,
    %get3A_773 = vector.shape_cast %get3A_772 : vector<1x16xf32> to vector<16xf32>
    %select_n3A_774 = arith.select %lt3A_672, %get3A_773, %broadcast_in_dim3A_502 : vector<16xi1>, vector<16xf32>
    %get3A_775 = arith.constant 13 : i32
    %get3A_776 = arith.index_cast %get3A_775 : i32 to index
    %get3A_777 = arith.index_cast %add3A_460 : i32 to index
    %get3A_778 = tpu.vector_load %arg5[%get3A_776, %get3A_777] {strides = array<i32>} : memref<16x2048xf32, #tpu.memory_space<vmem>>, vector<1x16xf32>,
    %get3A_779 = vector.shape_cast %get3A_778 : vector<1x16xf32> to vector<16xf32>
    %select_n3A_780 = arith.select %lt3A_672, %get3A_779, %broadcast_in_dim3A_502 : vector<16xi1>, vector<16xf32>
    %get3A_781 = arith.constant 14 : i32
    %get3A_782 = arith.index_cast %get3A_781 : i32 to index
    %get3A_783 = arith.index_cast %add3A_460 : i32 to index
    %get3A_784 = tpu.vector_load %arg5[%get3A_782, %get3A_783] {strides = array<i32>} : memref<16x2048xf32, #tpu.memory_space<vmem>>, vector<1x16xf32>,
    %get3A_785 = vector.shape_cast %get3A_784 : vector<1x16xf32> to vector<16xf32>
    %select_n3A_786 = arith.select %lt3A_696, %get3A_785, %broadcast_in_dim3A_502 : vector<16xi1>, vector<16xf32>
    %get3A_787 = arith.constant 15 : i32
    %get3A_788 = arith.index_cast %get3A_787 : i32 to index
    %get3A_789 = arith.index_cast %add3A_460 : i32 to index
    %get3A_790 = tpu.vector_load %arg5[%get3A_788, %get3A_789] {strides = array<i32>} : memref<16x2048xf32, #tpu.memory_space<vmem>>, vector<1x16xf32>,
    %get3A_791 = vector.shape_cast %get3A_790 : vector<1x16xf32> to vector<16xf32>
    %select_n3A_792 = arith.select %lt3A_696, %get3A_791, %broadcast_in_dim3A_502 : vector<16xi1>, vector<16xf32>
    %add3A_793 = arith.addf %select_n3A_702, %select_n3A_708 : vector<16xf32>
    %add3A_794 = arith.addf %add3A_793, %select_n3A_714 : vector<16xf32>
    %add3A_795 = arith.addf %add3A_794, %select_n3A_720 : vector<16xf32>
    %add3A_796 = arith.addf %add3A_795, %select_n3A_726 : vector<16xf32>
    %add3A_797 = arith.addf %add3A_796, %select_n3A_732 : vector<16xf32>
    %add3A_798 = arith.addf %add3A_797, %select_n3A_738 : vector<16xf32>
    %add3A_799 = arith.addf %add3A_798, %select_n3A_744 : vector<16xf32>
    %add3A_800 = arith.addf %add3A_799, %select_n3A_750 : vector<16xf32>
    %add3A_801 = arith.addf %add3A_800, %select_n3A_756 : vector<16xf32>
    %add3A_802 = arith.addf %add3A_801, %select_n3A_762 : vector<16xf32>
    %add3A_803 = arith.addf %add3A_802, %select_n3A_768 : vector<16xf32>
    %add3A_804 = arith.addf %add3A_803, %select_n3A_774 : vector<16xf32>
    %add3A_805 = arith.addf %add3A_804, %select_n3A_780 : vector<16xf32>
    %add3A_806 = arith.addf %add3A_805, %select_n3A_786 : vector<16xf32>
    %add3A_807 = arith.addf %add3A_806, %select_n3A_792 : vector<16xf32>
    %div3A_808 = arith.constant 2.500000e+00 : f32
    %div3A_809 = vector.broadcast %div3A_808 : f32 to vector<16xf32>
    %div3A_810 = arith.divf %div3A_809, %add3A_807 : vector<16xf32>
    %mul3A_811 = arith.mulf %select_n3A_702, %div3A_810 : vector<16xf32>
    %swap3A_812 = arith.constant 0 : i32
    %swap3A_813 = arith.index_cast %swap3A_812 : i32 to index
    %swap3A_814 = arith.constant 16 : index
    %swap3A_815 = tpu.vector_load %arg7[%swap3A_813, %swap3A_814] {strides = array<i32>} : memref<16x64xf32, #tpu.memory_space<vmem>>, vector<1x16xf32>,
    %swap3A_816 = vector.shape_cast %swap3A_815 : vector<1x16xf32> to vector<16xf32>
    %swap3A_817 = vector.shape_cast %mul3A_811 : vector<16xf32> to vector<1x16xf32>
    tpu.vector_store %arg7[%swap3A_813, %swap3A_814], %swap3A_817 {strides = array<i32>} : memref<16x64xf32, #tpu.memory_space<vmem>>, vector<1x16xf32>,
    %mul3A_818 = arith.mulf %select_n3A_708, %div3A_810 : vector<16xf32>
    %swap3A_819 = arith.constant 1 : i32
    %swap3A_820 = arith.index_cast %swap3A_819 : i32 to index
    %swap3A_821 = arith.constant 16 : index
    %swap3A_822 = tpu.vector_load %arg7[%swap3A_820, %swap3A_821] {strides = array<i32>} : memref<16x64xf32, #tpu.memory_space<vmem>>, vector<1x16xf32>,
    %swap3A_823 = vector.shape_cast %swap3A_822 : vector<1x16xf32> to vector<16xf32>
    %swap3A_824 = vector.shape_cast %mul3A_818 : vector<16xf32> to vector<1x16xf32>
    tpu.vector_store %arg7[%swap3A_820, %swap3A_821], %swap3A_824 {strides = array<i32>} : memref<16x64xf32, #tpu.memory_space<vmem>>, vector<1x16xf32>,
    %mul3A_825 = arith.mulf %select_n3A_714, %div3A_810 : vector<16xf32>
    %swap3A_826 = arith.constant 2 : i32
    %swap3A_827 = arith.index_cast %swap3A_826 : i32 to index
    %swap3A_828 = arith.constant 16 : index
    %swap3A_829 = tpu.vector_load %arg7[%swap3A_827, %swap3A_828] {strides = array<i32>} : memref<16x64xf32, #tpu.memory_space<vmem>>, vector<1x16xf32>,
    %swap3A_830 = vector.shape_cast %swap3A_829 : vector<1x16xf32> to vector<16xf32>
    %swap3A_831 = vector.shape_cast %mul3A_825 : vector<16xf32> to vector<1x16xf32>
    tpu.vector_store %arg7[%swap3A_827, %swap3A_828], %swap3A_831 {strides = array<i32>} : memref<16x64xf32, #tpu.memory_space<vmem>>, vector<1x16xf32>,
    %mul3A_832 = arith.mulf %select_n3A_720, %div3A_810 : vector<16xf32>
    %swap3A_833 = arith.constant 3 : i32
    %swap3A_834 = arith.index_cast %swap3A_833 : i32 to index
    %swap3A_835 = arith.constant 16 : index
    %swap3A_836 = tpu.vector_load %arg7[%swap3A_834, %swap3A_835] {strides = array<i32>} : memref<16x64xf32, #tpu.memory_space<vmem>>, vector<1x16xf32>,
    %swap3A_837 = vector.shape_cast %swap3A_836 : vector<1x16xf32> to vector<16xf32>
    %swap3A_838 = vector.shape_cast %mul3A_832 : vector<16xf32> to vector<1x16xf32>
    tpu.vector_store %arg7[%swap3A_834, %swap3A_835], %swap3A_838 {strides = array<i32>} : memref<16x64xf32, #tpu.memory_space<vmem>>, vector<1x16xf32>,
    %mul3A_839 = arith.mulf %select_n3A_726, %div3A_810 : vector<16xf32>
    %swap3A_840 = arith.constant 4 : i32
    %swap3A_841 = arith.index_cast %swap3A_840 : i32 to index
    %swap3A_842 = arith.constant 16 : index
    %swap3A_843 = tpu.vector_load %arg7[%swap3A_841, %swap3A_842] {strides = array<i32>} : memref<16x64xf32, #tpu.memory_space<vmem>>, vector<1x16xf32>,
    %swap3A_844 = vector.shape_cast %swap3A_843 : vector<1x16xf32> to vector<16xf32>
    %swap3A_845 = vector.shape_cast %mul3A_839 : vector<16xf32> to vector<1x16xf32>
    tpu.vector_store %arg7[%swap3A_841, %swap3A_842], %swap3A_845 {strides = array<i32>} : memref<16x64xf32, #tpu.memory_space<vmem>>, vector<1x16xf32>,
    %mul3A_846 = arith.mulf %select_n3A_732, %div3A_810 : vector<16xf32>
    %swap3A_847 = arith.constant 5 : i32
    %swap3A_848 = arith.index_cast %swap3A_847 : i32 to index
    %swap3A_849 = arith.constant 16 : index
    %swap3A_850 = tpu.vector_load %arg7[%swap3A_848, %swap3A_849] {strides = array<i32>} : memref<16x64xf32, #tpu.memory_space<vmem>>, vector<1x16xf32>,
    %swap3A_851 = vector.shape_cast %swap3A_850 : vector<1x16xf32> to vector<16xf32>
    %swap3A_852 = vector.shape_cast %mul3A_846 : vector<16xf32> to vector<1x16xf32>
    tpu.vector_store %arg7[%swap3A_848, %swap3A_849], %swap3A_852 {strides = array<i32>} : memref<16x64xf32, #tpu.memory_space<vmem>>, vector<1x16xf32>,
    %mul3A_853 = arith.mulf %select_n3A_738, %div3A_810 : vector<16xf32>
    %swap3A_854 = arith.constant 6 : i32
    %swap3A_855 = arith.index_cast %swap3A_854 : i32 to index
    %swap3A_856 = arith.constant 16 : index
    %swap3A_857 = tpu.vector_load %arg7[%swap3A_855, %swap3A_856] {strides = array<i32>} : memref<16x64xf32, #tpu.memory_space<vmem>>, vector<1x16xf32>,
    %swap3A_858 = vector.shape_cast %swap3A_857 : vector<1x16xf32> to vector<16xf32>
    %swap3A_859 = vector.shape_cast %mul3A_853 : vector<16xf32> to vector<1x16xf32>
    tpu.vector_store %arg7[%swap3A_855, %swap3A_856], %swap3A_859 {strides = array<i32>} : memref<16x64xf32, #tpu.memory_space<vmem>>, vector<1x16xf32>,
    %mul3A_860 = arith.mulf %select_n3A_744, %div3A_810 : vector<16xf32>
    %swap3A_861 = arith.constant 7 : i32
    %swap3A_862 = arith.index_cast %swap3A_861 : i32 to index
    %swap3A_863 = arith.constant 16 : index
    %swap3A_864 = tpu.vector_load %arg7[%swap3A_862, %swap3A_863] {strides = array<i32>} : memref<16x64xf32, #tpu.memory_space<vmem>>, vector<1x16xf32>,
    %swap3A_865 = vector.shape_cast %swap3A_864 : vector<1x16xf32> to vector<16xf32>
    %swap3A_866 = vector.shape_cast %mul3A_860 : vector<16xf32> to vector<1x16xf32>
    tpu.vector_store %arg7[%swap3A_862, %swap3A_863], %swap3A_866 {strides = array<i32>} : memref<16x64xf32, #tpu.memory_space<vmem>>, vector<1x16xf32>,
    %mul3A_867 = arith.mulf %select_n3A_750, %div3A_810 : vector<16xf32>
    %swap3A_868 = arith.constant 8 : i32
    %swap3A_869 = arith.index_cast %swap3A_868 : i32 to index
    %swap3A_870 = arith.constant 16 : index
    %swap3A_871 = tpu.vector_load %arg7[%swap3A_869, %swap3A_870] {strides = array<i32>} : memref<16x64xf32, #tpu.memory_space<vmem>>, vector<1x16xf32>,
    %swap3A_872 = vector.shape_cast %swap3A_871 : vector<1x16xf32> to vector<16xf32>
    %swap3A_873 = vector.shape_cast %mul3A_867 : vector<16xf32> to vector<1x16xf32>
    tpu.vector_store %arg7[%swap3A_869, %swap3A_870], %swap3A_873 {strides = array<i32>} : memref<16x64xf32, #tpu.memory_space<vmem>>, vector<1x16xf32>,
    %mul3A_874 = arith.mulf %select_n3A_756, %div3A_810 : vector<16xf32>
    %swap3A_875 = arith.constant 9 : i32
    %swap3A_876 = arith.index_cast %swap3A_875 : i32 to index
    %swap3A_877 = arith.constant 16 : index
    %swap3A_878 = tpu.vector_load %arg7[%swap3A_876, %swap3A_877] {strides = array<i32>} : memref<16x64xf32, #tpu.memory_space<vmem>>, vector<1x16xf32>,
    %swap3A_879 = vector.shape_cast %swap3A_878 : vector<1x16xf32> to vector<16xf32>
    %swap3A_880 = vector.shape_cast %mul3A_874 : vector<16xf32> to vector<1x16xf32>
    tpu.vector_store %arg7[%swap3A_876, %swap3A_877], %swap3A_880 {strides = array<i32>} : memref<16x64xf32, #tpu.memory_space<vmem>>, vector<1x16xf32>,
    %mul3A_881 = arith.mulf %select_n3A_762, %div3A_810 : vector<16xf32>
    %swap3A_882 = arith.constant 10 : i32
    %swap3A_883 = arith.index_cast %swap3A_882 : i32 to index
    %swap3A_884 = arith.constant 16 : index
    %swap3A_885 = tpu.vector_load %arg7[%swap3A_883, %swap3A_884] {strides = array<i32>} : memref<16x64xf32, #tpu.memory_space<vmem>>, vector<1x16xf32>,
    %swap3A_886 = vector.shape_cast %swap3A_885 : vector<1x16xf32> to vector<16xf32>
    %swap3A_887 = vector.shape_cast %mul3A_881 : vector<16xf32> to vector<1x16xf32>
    tpu.vector_store %arg7[%swap3A_883, %swap3A_884], %swap3A_887 {strides = array<i32>} : memref<16x64xf32, #tpu.memory_space<vmem>>, vector<1x16xf32>,
    %mul3A_888 = arith.mulf %select_n3A_768, %div3A_810 : vector<16xf32>
    %swap3A_889 = arith.constant 11 : i32
    %swap3A_890 = arith.index_cast %swap3A_889 : i32 to index
    %swap3A_891 = arith.constant 16 : index
    %swap3A_892 = tpu.vector_load %arg7[%swap3A_890, %swap3A_891] {strides = array<i32>} : memref<16x64xf32, #tpu.memory_space<vmem>>, vector<1x16xf32>,
    %swap3A_893 = vector.shape_cast %swap3A_892 : vector<1x16xf32> to vector<16xf32>
    %swap3A_894 = vector.shape_cast %mul3A_888 : vector<16xf32> to vector<1x16xf32>
    tpu.vector_store %arg7[%swap3A_890, %swap3A_891], %swap3A_894 {strides = array<i32>} : memref<16x64xf32, #tpu.memory_space<vmem>>, vector<1x16xf32>,
    %mul3A_895 = arith.mulf %select_n3A_774, %div3A_810 : vector<16xf32>
    %swap3A_896 = arith.constant 12 : i32
    %swap3A_897 = arith.index_cast %swap3A_896 : i32 to index
    %swap3A_898 = arith.constant 16 : index
    %swap3A_899 = tpu.vector_load %arg7[%swap3A_897, %swap3A_898] {strides = array<i32>} : memref<16x64xf32, #tpu.memory_space<vmem>>, vector<1x16xf32>,
    %swap3A_900 = vector.shape_cast %swap3A_899 : vector<1x16xf32> to vector<16xf32>
    %swap3A_901 = vector.shape_cast %mul3A_895 : vector<16xf32> to vector<1x16xf32>
    tpu.vector_store %arg7[%swap3A_897, %swap3A_898], %swap3A_901 {strides = array<i32>} : memref<16x64xf32, #tpu.memory_space<vmem>>, vector<1x16xf32>,
    %mul3A_902 = arith.mulf %select_n3A_780, %div3A_810 : vector<16xf32>
    %swap3A_903 = arith.constant 13 : i32
    %swap3A_904 = arith.index_cast %swap3A_903 : i32 to index
    %swap3A_905 = arith.constant 16 : index
    %swap3A_906 = tpu.vector_load %arg7[%swap3A_904, %swap3A_905] {strides = array<i32>} : memref<16x64xf32, #tpu.memory_space<vmem>>, vector<1x16xf32>,
    %swap3A_907 = vector.shape_cast %swap3A_906 : vector<1x16xf32> to vector<16xf32>
    %swap3A_908 = vector.shape_cast %mul3A_902 : vector<16xf32> to vector<1x16xf32>
    tpu.vector_store %arg7[%swap3A_904, %swap3A_905], %swap3A_908 {strides = array<i32>} : memref<16x64xf32, #tpu.memory_space<vmem>>, vector<1x16xf32>,
    %mul3A_909 = arith.mulf %select_n3A_786, %div3A_810 : vector<16xf32>
    %swap3A_910 = arith.constant 14 : i32
    %swap3A_911 = arith.index_cast %swap3A_910 : i32 to index
    %swap3A_912 = arith.constant 16 : index
    %swap3A_913 = tpu.vector_load %arg7[%swap3A_911, %swap3A_912] {strides = array<i32>} : memref<16x64xf32, #tpu.memory_space<vmem>>, vector<1x16xf32>,
    %swap3A_914 = vector.shape_cast %swap3A_913 : vector<1x16xf32> to vector<16xf32>
    %swap3A_915 = vector.shape_cast %mul3A_909 : vector<16xf32> to vector<1x16xf32>
    tpu.vector_store %arg7[%swap3A_911, %swap3A_912], %swap3A_915 {strides = array<i32>} : memref<16x64xf32, #tpu.memory_space<vmem>>, vector<1x16xf32>,
    %mul3A_916 = arith.mulf %select_n3A_792, %div3A_810 : vector<16xf32>
    %swap3A_917 = arith.constant 15 : i32
    %swap3A_918 = arith.index_cast %swap3A_917 : i32 to index
    %swap3A_919 = arith.constant 16 : index
    %swap3A_920 = tpu.vector_load %arg7[%swap3A_918, %swap3A_919] {strides = array<i32>} : memref<16x64xf32, #tpu.memory_space<vmem>>, vector<1x16xf32>,
    %swap3A_921 = vector.shape_cast %swap3A_920 : vector<1x16xf32> to vector<16xf32>
    %swap3A_922 = vector.shape_cast %mul3A_916 : vector<16xf32> to vector<1x16xf32>
    tpu.vector_store %arg7[%swap3A_918, %swap3A_919], %swap3A_922 {strides = array<i32>} : memref<16x64xf32, #tpu.memory_space<vmem>>, vector<1x16xf32>,
    %add3A_923 = arith.constant 32 : i32
    %add3A_924 = arith.addi %mul3A_2, %add3A_923 : i32
    %get3A_925 = arith.constant 0 : i32
    %get3A_926 = arith.index_cast %get3A_925 : i32 to index
    %get3A_927 = arith.index_cast %add3A_924 : i32 to index
    %get3A_928 = tpu.vector_load %arg6[%get3A_926, %get3A_927] {strides = array<i32>} : memref<8x2048xf32, #tpu.memory_space<vmem>>, vector<1x16xf32>,
    %get3A_929 = vector.shape_cast %get3A_928 : vector<1x16xf32> to vector<16xf32>
    %get3A_930 = arith.constant 1 : i32
    %get3A_931 = arith.index_cast %get3A_930 : i32 to index
    %get3A_932 = arith.index_cast %add3A_924 : i32 to index
    %get3A_933 = tpu.vector_load %arg6[%get3A_931, %get3A_932] {strides = array<i32>} : memref<8x2048xf32, #tpu.memory_space<vmem>>, vector<1x16xf32>,
    %get3A_934 = vector.shape_cast %get3A_933 : vector<1x16xf32> to vector<16xf32>
    %get3A_935 = arith.constant 2 : i32
    %get3A_936 = arith.index_cast %get3A_935 : i32 to index
    %get3A_937 = arith.index_cast %add3A_924 : i32 to index
    %get3A_938 = tpu.vector_load %arg6[%get3A_936, %get3A_937] {strides = array<i32>} : memref<8x2048xf32, #tpu.memory_space<vmem>>, vector<1x16xf32>,
    %get3A_939 = vector.shape_cast %get3A_938 : vector<1x16xf32> to vector<16xf32>
    %get3A_940 = arith.constant 3 : i32
    %get3A_941 = arith.index_cast %get3A_940 : i32 to index
    %get3A_942 = arith.index_cast %add3A_924 : i32 to index
    %get3A_943 = tpu.vector_load %arg6[%get3A_941, %get3A_942] {strides = array<i32>} : memref<8x2048xf32, #tpu.memory_space<vmem>>, vector<1x16xf32>,
    %get3A_944 = vector.shape_cast %get3A_943 : vector<1x16xf32> to vector<16xf32>
    %get3A_945 = arith.constant 4 : i32
    %get3A_946 = arith.index_cast %get3A_945 : i32 to index
    %get3A_947 = arith.index_cast %add3A_924 : i32 to index
    %get3A_948 = tpu.vector_load %arg6[%get3A_946, %get3A_947] {strides = array<i32>} : memref<8x2048xf32, #tpu.memory_space<vmem>>, vector<1x16xf32>,
    %get3A_949 = vector.shape_cast %get3A_948 : vector<1x16xf32> to vector<16xf32>
    %get3A_950 = arith.constant 5 : i32
    %get3A_951 = arith.index_cast %get3A_950 : i32 to index
    %get3A_952 = arith.index_cast %add3A_924 : i32 to index
    %get3A_953 = tpu.vector_load %arg6[%get3A_951, %get3A_952] {strides = array<i32>} : memref<8x2048xf32, #tpu.memory_space<vmem>>, vector<1x16xf32>,
    %get3A_954 = vector.shape_cast %get3A_953 : vector<1x16xf32> to vector<16xf32>
    %get3A_955 = arith.constant 6 : i32
    %get3A_956 = arith.index_cast %get3A_955 : i32 to index
    %get3A_957 = arith.index_cast %add3A_924 : i32 to index
    %get3A_958 = tpu.vector_load %arg6[%get3A_956, %get3A_957] {strides = array<i32>} : memref<8x2048xf32, #tpu.memory_space<vmem>>, vector<1x16xf32>,
    %get3A_959 = vector.shape_cast %get3A_958 : vector<1x16xf32> to vector<16xf32>
    %get3A_960 = arith.constant 7 : i32
    %get3A_961 = arith.index_cast %get3A_960 : i32 to index
    %get3A_962 = arith.index_cast %add3A_924 : i32 to index
    %get3A_963 = tpu.vector_load %arg6[%get3A_961, %get3A_962] {strides = array<i32>} : memref<8x2048xf32, #tpu.memory_space<vmem>>, vector<1x16xf32>,
    %get3A_964 = vector.shape_cast %get3A_963 : vector<1x16xf32> to vector<16xf32>
    %broadcast_in_dim3A_965 = arith.constant 0.000000e+00 : f32
    %broadcast_in_dim3A_966 = vector.broadcast %broadcast_in_dim3A_965 : f32 to vector<16xf32>
    %broadcast_in_dim3A_967 = arith.constant 1.000000e+00 : f32
    %broadcast_in_dim3A_968 = vector.broadcast %broadcast_in_dim3A_967 : f32 to vector<16xf32>
    %gt3A_969 = arith.cmpf ogt, %get3A_934, %get3A_929 : vector<16xf32>
    %select_n3A_970 = arith.select %gt3A_969, %broadcast_in_dim3A_968, %broadcast_in_dim3A_966 : vector<16xi1>, vector<16xf32>
    %add3A_971 = arith.addf %broadcast_in_dim3A_966, %select_n3A_970 : vector<16xf32>
    %gt3A_972 = arith.cmpf ogt, %get3A_939, %get3A_929 : vector<16xf32>
    %select_n3A_973 = arith.select %gt3A_972, %broadcast_in_dim3A_968, %broadcast_in_dim3A_966 : vector<16xi1>, vector<16xf32>
    %add3A_974 = arith.addf %add3A_971, %select_n3A_973 : vector<16xf32>
    %gt3A_975 = arith.cmpf ogt, %get3A_944, %get3A_929 : vector<16xf32>
    %select_n3A_976 = arith.select %gt3A_975, %broadcast_in_dim3A_968, %broadcast_in_dim3A_966 : vector<16xi1>, vector<16xf32>
    %add3A_977 = arith.addf %add3A_974, %select_n3A_976 : vector<16xf32>
    %gt3A_978 = arith.cmpf ogt, %get3A_949, %get3A_929 : vector<16xf32>
    %select_n3A_979 = arith.select %gt3A_978, %broadcast_in_dim3A_968, %broadcast_in_dim3A_966 : vector<16xi1>, vector<16xf32>
    %add3A_980 = arith.addf %add3A_977, %select_n3A_979 : vector<16xf32>
    %gt3A_981 = arith.cmpf ogt, %get3A_954, %get3A_929 : vector<16xf32>
    %select_n3A_982 = arith.select %gt3A_981, %broadcast_in_dim3A_968, %broadcast_in_dim3A_966 : vector<16xi1>, vector<16xf32>
    %add3A_983 = arith.addf %add3A_980, %select_n3A_982 : vector<16xf32>
    %gt3A_984 = arith.cmpf ogt, %get3A_959, %get3A_929 : vector<16xf32>
    %select_n3A_985 = arith.select %gt3A_984, %broadcast_in_dim3A_968, %broadcast_in_dim3A_966 : vector<16xi1>, vector<16xf32>
    %add3A_986 = arith.addf %add3A_983, %select_n3A_985 : vector<16xf32>
    %gt3A_987 = arith.cmpf ogt, %get3A_964, %get3A_929 : vector<16xf32>
    %select_n3A_988 = arith.select %gt3A_987, %broadcast_in_dim3A_968, %broadcast_in_dim3A_966 : vector<16xi1>, vector<16xf32>
    %add3A_989 = arith.addf %add3A_986, %select_n3A_988 : vector<16xf32>
    %lt3A_990 = arith.constant 4.000000e+00 : f32
    %lt3A_991 = vector.broadcast %lt3A_990 : f32 to vector<16xf32>
    %lt3A_992 = arith.cmpf olt, %add3A_989, %lt3A_991 : vector<16xf32>
    %ge3A_993 = arith.cmpf oge, %get3A_929, %get3A_934 : vector<16xf32>
    %select_n3A_994 = arith.select %ge3A_993, %broadcast_in_dim3A_968, %broadcast_in_dim3A_966 : vector<16xi1>, vector<16xf32>
    %add3A_995 = arith.addf %broadcast_in_dim3A_966, %select_n3A_994 : vector<16xf32>
    %gt3A_996 = arith.cmpf ogt, %get3A_939, %get3A_934 : vector<16xf32>
    %select_n3A_997 = arith.select %gt3A_996, %broadcast_in_dim3A_968, %broadcast_in_dim3A_966 : vector<16xi1>, vector<16xf32>
    %add3A_998 = arith.addf %add3A_995, %select_n3A_997 : vector<16xf32>
    %gt3A_999 = arith.cmpf ogt, %get3A_944, %get3A_934 : vector<16xf32>
    %select_n3A_1000 = arith.select %gt3A_999, %broadcast_in_dim3A_968, %broadcast_in_dim3A_966 : vector<16xi1>, vector<16xf32>
    %add3A_1001 = arith.addf %add3A_998, %select_n3A_1000 : vector<16xf32>
    %gt3A_1002 = arith.cmpf ogt, %get3A_949, %get3A_934 : vector<16xf32>
    %select_n3A_1003 = arith.select %gt3A_1002, %broadcast_in_dim3A_968, %broadcast_in_dim3A_966 : vector<16xi1>, vector<16xf32>
    %add3A_1004 = arith.addf %add3A_1001, %select_n3A_1003 : vector<16xf32>
    %gt3A_1005 = arith.cmpf ogt, %get3A_954, %get3A_934 : vector<16xf32>
    %select_n3A_1006 = arith.select %gt3A_1005, %broadcast_in_dim3A_968, %broadcast_in_dim3A_966 : vector<16xi1>, vector<16xf32>
    %add3A_1007 = arith.addf %add3A_1004, %select_n3A_1006 : vector<16xf32>
    %gt3A_1008 = arith.cmpf ogt, %get3A_959, %get3A_934 : vector<16xf32>
    %select_n3A_1009 = arith.select %gt3A_1008, %broadcast_in_dim3A_968, %broadcast_in_dim3A_966 : vector<16xi1>, vector<16xf32>
    %add3A_1010 = arith.addf %add3A_1007, %select_n3A_1009 : vector<16xf32>
    %gt3A_1011 = arith.cmpf ogt, %get3A_964, %get3A_934 : vector<16xf32>
    %select_n3A_1012 = arith.select %gt3A_1011, %broadcast_in_dim3A_968, %broadcast_in_dim3A_966 : vector<16xi1>, vector<16xf32>
    %add3A_1013 = arith.addf %add3A_1010, %select_n3A_1012 : vector<16xf32>
    %lt3A_1014 = arith.constant 4.000000e+00 : f32
    %lt3A_1015 = vector.broadcast %lt3A_1014 : f32 to vector<16xf32>
    %lt3A_1016 = arith.cmpf olt, %add3A_1013, %lt3A_1015 : vector<16xf32>
    %ge3A_1017 = arith.cmpf oge, %get3A_929, %get3A_939 : vector<16xf32>
    %select_n3A_1018 = arith.select %ge3A_1017, %broadcast_in_dim3A_968, %broadcast_in_dim3A_966 : vector<16xi1>, vector<16xf32>
    %add3A_1019 = arith.addf %broadcast_in_dim3A_966, %select_n3A_1018 : vector<16xf32>
    %ge3A_1020 = arith.cmpf oge, %get3A_934, %get3A_939 : vector<16xf32>
    %select_n3A_1021 = arith.select %ge3A_1020, %broadcast_in_dim3A_968, %broadcast_in_dim3A_966 : vector<16xi1>, vector<16xf32>
    %add3A_1022 = arith.addf %add3A_1019, %select_n3A_1021 : vector<16xf32>
    %gt3A_1023 = arith.cmpf ogt, %get3A_944, %get3A_939 : vector<16xf32>
    %select_n3A_1024 = arith.select %gt3A_1023, %broadcast_in_dim3A_968, %broadcast_in_dim3A_966 : vector<16xi1>, vector<16xf32>
    %add3A_1025 = arith.addf %add3A_1022, %select_n3A_1024 : vector<16xf32>
    %gt3A_1026 = arith.cmpf ogt, %get3A_949, %get3A_939 : vector<16xf32>
    %select_n3A_1027 = arith.select %gt3A_1026, %broadcast_in_dim3A_968, %broadcast_in_dim3A_966 : vector<16xi1>, vector<16xf32>
    %add3A_1028 = arith.addf %add3A_1025, %select_n3A_1027 : vector<16xf32>
    %gt3A_1029 = arith.cmpf ogt, %get3A_954, %get3A_939 : vector<16xf32>
    %select_n3A_1030 = arith.select %gt3A_1029, %broadcast_in_dim3A_968, %broadcast_in_dim3A_966 : vector<16xi1>, vector<16xf32>
    %add3A_1031 = arith.addf %add3A_1028, %select_n3A_1030 : vector<16xf32>
    %gt3A_1032 = arith.cmpf ogt, %get3A_959, %get3A_939 : vector<16xf32>
    %select_n3A_1033 = arith.select %gt3A_1032, %broadcast_in_dim3A_968, %broadcast_in_dim3A_966 : vector<16xi1>, vector<16xf32>
    %add3A_1034 = arith.addf %add3A_1031, %select_n3A_1033 : vector<16xf32>
    %gt3A_1035 = arith.cmpf ogt, %get3A_964, %get3A_939 : vector<16xf32>
    %select_n3A_1036 = arith.select %gt3A_1035, %broadcast_in_dim3A_968, %broadcast_in_dim3A_966 : vector<16xi1>, vector<16xf32>
    %add3A_1037 = arith.addf %add3A_1034, %select_n3A_1036 : vector<16xf32>
    %lt3A_1038 = arith.constant 4.000000e+00 : f32
    %lt3A_1039 = vector.broadcast %lt3A_1038 : f32 to vector<16xf32>
    %lt3A_1040 = arith.cmpf olt, %add3A_1037, %lt3A_1039 : vector<16xf32>
    %ge3A_1041 = arith.cmpf oge, %get3A_929, %get3A_944 : vector<16xf32>
    %select_n3A_1042 = arith.select %ge3A_1041, %broadcast_in_dim3A_968, %broadcast_in_dim3A_966 : vector<16xi1>, vector<16xf32>
    %add3A_1043 = arith.addf %broadcast_in_dim3A_966, %select_n3A_1042 : vector<16xf32>
    %ge3A_1044 = arith.cmpf oge, %get3A_934, %get3A_944 : vector<16xf32>
    %select_n3A_1045 = arith.select %ge3A_1044, %broadcast_in_dim3A_968, %broadcast_in_dim3A_966 : vector<16xi1>, vector<16xf32>
    %add3A_1046 = arith.addf %add3A_1043, %select_n3A_1045 : vector<16xf32>
    %ge3A_1047 = arith.cmpf oge, %get3A_939, %get3A_944 : vector<16xf32>
    %select_n3A_1048 = arith.select %ge3A_1047, %broadcast_in_dim3A_968, %broadcast_in_dim3A_966 : vector<16xi1>, vector<16xf32>
    %add3A_1049 = arith.addf %add3A_1046, %select_n3A_1048 : vector<16xf32>
    %gt3A_1050 = arith.cmpf ogt, %get3A_949, %get3A_944 : vector<16xf32>
    %select_n3A_1051 = arith.select %gt3A_1050, %broadcast_in_dim3A_968, %broadcast_in_dim3A_966 : vector<16xi1>, vector<16xf32>
    %add3A_1052 = arith.addf %add3A_1049, %select_n3A_1051 : vector<16xf32>
    %gt3A_1053 = arith.cmpf ogt, %get3A_954, %get3A_944 : vector<16xf32>
    %select_n3A_1054 = arith.select %gt3A_1053, %broadcast_in_dim3A_968, %broadcast_in_dim3A_966 : vector<16xi1>, vector<16xf32>
    %add3A_1055 = arith.addf %add3A_1052, %select_n3A_1054 : vector<16xf32>
    %gt3A_1056 = arith.cmpf ogt, %get3A_959, %get3A_944 : vector<16xf32>
    %select_n3A_1057 = arith.select %gt3A_1056, %broadcast_in_dim3A_968, %broadcast_in_dim3A_966 : vector<16xi1>, vector<16xf32>
    %add3A_1058 = arith.addf %add3A_1055, %select_n3A_1057 : vector<16xf32>
    %gt3A_1059 = arith.cmpf ogt, %get3A_964, %get3A_944 : vector<16xf32>
    %select_n3A_1060 = arith.select %gt3A_1059, %broadcast_in_dim3A_968, %broadcast_in_dim3A_966 : vector<16xi1>, vector<16xf32>
    %add3A_1061 = arith.addf %add3A_1058, %select_n3A_1060 : vector<16xf32>
    %lt3A_1062 = arith.constant 4.000000e+00 : f32
    %lt3A_1063 = vector.broadcast %lt3A_1062 : f32 to vector<16xf32>
    %lt3A_1064 = arith.cmpf olt, %add3A_1061, %lt3A_1063 : vector<16xf32>
    %ge3A_1065 = arith.cmpf oge, %get3A_929, %get3A_949 : vector<16xf32>
    %select_n3A_1066 = arith.select %ge3A_1065, %broadcast_in_dim3A_968, %broadcast_in_dim3A_966 : vector<16xi1>, vector<16xf32>
    %add3A_1067 = arith.addf %broadcast_in_dim3A_966, %select_n3A_1066 : vector<16xf32>
    %ge3A_1068 = arith.cmpf oge, %get3A_934, %get3A_949 : vector<16xf32>
    %select_n3A_1069 = arith.select %ge3A_1068, %broadcast_in_dim3A_968, %broadcast_in_dim3A_966 : vector<16xi1>, vector<16xf32>
    %add3A_1070 = arith.addf %add3A_1067, %select_n3A_1069 : vector<16xf32>
    %ge3A_1071 = arith.cmpf oge, %get3A_939, %get3A_949 : vector<16xf32>
    %select_n3A_1072 = arith.select %ge3A_1071, %broadcast_in_dim3A_968, %broadcast_in_dim3A_966 : vector<16xi1>, vector<16xf32>
    %add3A_1073 = arith.addf %add3A_1070, %select_n3A_1072 : vector<16xf32>
    %ge3A_1074 = arith.cmpf oge, %get3A_944, %get3A_949 : vector<16xf32>
    %select_n3A_1075 = arith.select %ge3A_1074, %broadcast_in_dim3A_968, %broadcast_in_dim3A_966 : vector<16xi1>, vector<16xf32>
    %add3A_1076 = arith.addf %add3A_1073, %select_n3A_1075 : vector<16xf32>
    %gt3A_1077 = arith.cmpf ogt, %get3A_954, %get3A_949 : vector<16xf32>
    %select_n3A_1078 = arith.select %gt3A_1077, %broadcast_in_dim3A_968, %broadcast_in_dim3A_966 : vector<16xi1>, vector<16xf32>
    %add3A_1079 = arith.addf %add3A_1076, %select_n3A_1078 : vector<16xf32>
    %gt3A_1080 = arith.cmpf ogt, %get3A_959, %get3A_949 : vector<16xf32>
    %select_n3A_1081 = arith.select %gt3A_1080, %broadcast_in_dim3A_968, %broadcast_in_dim3A_966 : vector<16xi1>, vector<16xf32>
    %add3A_1082 = arith.addf %add3A_1079, %select_n3A_1081 : vector<16xf32>
    %gt3A_1083 = arith.cmpf ogt, %get3A_964, %get3A_949 : vector<16xf32>
    %select_n3A_1084 = arith.select %gt3A_1083, %broadcast_in_dim3A_968, %broadcast_in_dim3A_966 : vector<16xi1>, vector<16xf32>
    %add3A_1085 = arith.addf %add3A_1082, %select_n3A_1084 : vector<16xf32>
    %lt3A_1086 = arith.constant 4.000000e+00 : f32
    %lt3A_1087 = vector.broadcast %lt3A_1086 : f32 to vector<16xf32>
    %lt3A_1088 = arith.cmpf olt, %add3A_1085, %lt3A_1087 : vector<16xf32>
    %ge3A_1089 = arith.cmpf oge, %get3A_929, %get3A_954 : vector<16xf32>
    %select_n3A_1090 = arith.select %ge3A_1089, %broadcast_in_dim3A_968, %broadcast_in_dim3A_966 : vector<16xi1>, vector<16xf32>
    %add3A_1091 = arith.addf %broadcast_in_dim3A_966, %select_n3A_1090 : vector<16xf32>
    %ge3A_1092 = arith.cmpf oge, %get3A_934, %get3A_954 : vector<16xf32>
    %select_n3A_1093 = arith.select %ge3A_1092, %broadcast_in_dim3A_968, %broadcast_in_dim3A_966 : vector<16xi1>, vector<16xf32>
    %add3A_1094 = arith.addf %add3A_1091, %select_n3A_1093 : vector<16xf32>
    %ge3A_1095 = arith.cmpf oge, %get3A_939, %get3A_954 : vector<16xf32>
    %select_n3A_1096 = arith.select %ge3A_1095, %broadcast_in_dim3A_968, %broadcast_in_dim3A_966 : vector<16xi1>, vector<16xf32>
    %add3A_1097 = arith.addf %add3A_1094, %select_n3A_1096 : vector<16xf32>
    %ge3A_1098 = arith.cmpf oge, %get3A_944, %get3A_954 : vector<16xf32>
    %select_n3A_1099 = arith.select %ge3A_1098, %broadcast_in_dim3A_968, %broadcast_in_dim3A_966 : vector<16xi1>, vector<16xf32>
    %add3A_1100 = arith.addf %add3A_1097, %select_n3A_1099 : vector<16xf32>
    %ge3A_1101 = arith.cmpf oge, %get3A_949, %get3A_954 : vector<16xf32>
    %select_n3A_1102 = arith.select %ge3A_1101, %broadcast_in_dim3A_968, %broadcast_in_dim3A_966 : vector<16xi1>, vector<16xf32>
    %add3A_1103 = arith.addf %add3A_1100, %select_n3A_1102 : vector<16xf32>
    %gt3A_1104 = arith.cmpf ogt, %get3A_959, %get3A_954 : vector<16xf32>
    %select_n3A_1105 = arith.select %gt3A_1104, %broadcast_in_dim3A_968, %broadcast_in_dim3A_966 : vector<16xi1>, vector<16xf32>
    %add3A_1106 = arith.addf %add3A_1103, %select_n3A_1105 : vector<16xf32>
    %gt3A_1107 = arith.cmpf ogt, %get3A_964, %get3A_954 : vector<16xf32>
    %select_n3A_1108 = arith.select %gt3A_1107, %broadcast_in_dim3A_968, %broadcast_in_dim3A_966 : vector<16xi1>, vector<16xf32>
    %add3A_1109 = arith.addf %add3A_1106, %select_n3A_1108 : vector<16xf32>
    %lt3A_1110 = arith.constant 4.000000e+00 : f32
    %lt3A_1111 = vector.broadcast %lt3A_1110 : f32 to vector<16xf32>
    %lt3A_1112 = arith.cmpf olt, %add3A_1109, %lt3A_1111 : vector<16xf32>
    %ge3A_1113 = arith.cmpf oge, %get3A_929, %get3A_959 : vector<16xf32>
    %select_n3A_1114 = arith.select %ge3A_1113, %broadcast_in_dim3A_968, %broadcast_in_dim3A_966 : vector<16xi1>, vector<16xf32>
    %add3A_1115 = arith.addf %broadcast_in_dim3A_966, %select_n3A_1114 : vector<16xf32>
    %ge3A_1116 = arith.cmpf oge, %get3A_934, %get3A_959 : vector<16xf32>
    %select_n3A_1117 = arith.select %ge3A_1116, %broadcast_in_dim3A_968, %broadcast_in_dim3A_966 : vector<16xi1>, vector<16xf32>
    %add3A_1118 = arith.addf %add3A_1115, %select_n3A_1117 : vector<16xf32>
    %ge3A_1119 = arith.cmpf oge, %get3A_939, %get3A_959 : vector<16xf32>
    %select_n3A_1120 = arith.select %ge3A_1119, %broadcast_in_dim3A_968, %broadcast_in_dim3A_966 : vector<16xi1>, vector<16xf32>
    %add3A_1121 = arith.addf %add3A_1118, %select_n3A_1120 : vector<16xf32>
    %ge3A_1122 = arith.cmpf oge, %get3A_944, %get3A_959 : vector<16xf32>
    %select_n3A_1123 = arith.select %ge3A_1122, %broadcast_in_dim3A_968, %broadcast_in_dim3A_966 : vector<16xi1>, vector<16xf32>
    %add3A_1124 = arith.addf %add3A_1121, %select_n3A_1123 : vector<16xf32>
    %ge3A_1125 = arith.cmpf oge, %get3A_949, %get3A_959 : vector<16xf32>
    %select_n3A_1126 = arith.select %ge3A_1125, %broadcast_in_dim3A_968, %broadcast_in_dim3A_966 : vector<16xi1>, vector<16xf32>
    %add3A_1127 = arith.addf %add3A_1124, %select_n3A_1126 : vector<16xf32>
    %ge3A_1128 = arith.cmpf oge, %get3A_954, %get3A_959 : vector<16xf32>
    %select_n3A_1129 = arith.select %ge3A_1128, %broadcast_in_dim3A_968, %broadcast_in_dim3A_966 : vector<16xi1>, vector<16xf32>
    %add3A_1130 = arith.addf %add3A_1127, %select_n3A_1129 : vector<16xf32>
    %gt3A_1131 = arith.cmpf ogt, %get3A_964, %get3A_959 : vector<16xf32>
    %select_n3A_1132 = arith.select %gt3A_1131, %broadcast_in_dim3A_968, %broadcast_in_dim3A_966 : vector<16xi1>, vector<16xf32>
    %add3A_1133 = arith.addf %add3A_1130, %select_n3A_1132 : vector<16xf32>
    %lt3A_1134 = arith.constant 4.000000e+00 : f32
    %lt3A_1135 = vector.broadcast %lt3A_1134 : f32 to vector<16xf32>
    %lt3A_1136 = arith.cmpf olt, %add3A_1133, %lt3A_1135 : vector<16xf32>
    %ge3A_1137 = arith.cmpf oge, %get3A_929, %get3A_964 : vector<16xf32>
    %select_n3A_1138 = arith.select %ge3A_1137, %broadcast_in_dim3A_968, %broadcast_in_dim3A_966 : vector<16xi1>, vector<16xf32>
    %add3A_1139 = arith.addf %broadcast_in_dim3A_966, %select_n3A_1138 : vector<16xf32>
    %ge3A_1140 = arith.cmpf oge, %get3A_934, %get3A_964 : vector<16xf32>
    %select_n3A_1141 = arith.select %ge3A_1140, %broadcast_in_dim3A_968, %broadcast_in_dim3A_966 : vector<16xi1>, vector<16xf32>
    %add3A_1142 = arith.addf %add3A_1139, %select_n3A_1141 : vector<16xf32>
    %ge3A_1143 = arith.cmpf oge, %get3A_939, %get3A_964 : vector<16xf32>
    %select_n3A_1144 = arith.select %ge3A_1143, %broadcast_in_dim3A_968, %broadcast_in_dim3A_966 : vector<16xi1>, vector<16xf32>
    %add3A_1145 = arith.addf %add3A_1142, %select_n3A_1144 : vector<16xf32>
    %ge3A_1146 = arith.cmpf oge, %get3A_944, %get3A_964 : vector<16xf32>
    %select_n3A_1147 = arith.select %ge3A_1146, %broadcast_in_dim3A_968, %broadcast_in_dim3A_966 : vector<16xi1>, vector<16xf32>
    %add3A_1148 = arith.addf %add3A_1145, %select_n3A_1147 : vector<16xf32>
    %ge3A_1149 = arith.cmpf oge, %get3A_949, %get3A_964 : vector<16xf32>
    %select_n3A_1150 = arith.select %ge3A_1149, %broadcast_in_dim3A_968, %broadcast_in_dim3A_966 : vector<16xi1>, vector<16xf32>
    %add3A_1151 = arith.addf %add3A_1148, %select_n3A_1150 : vector<16xf32>
    %ge3A_1152 = arith.cmpf oge, %get3A_954, %get3A_964 : vector<16xf32>
    %select_n3A_1153 = arith.select %ge3A_1152, %broadcast_in_dim3A_968, %broadcast_in_dim3A_966 : vector<16xi1>, vector<16xf32>
    %add3A_1154 = arith.addf %add3A_1151, %select_n3A_1153 : vector<16xf32>
    %ge3A_1155 = arith.cmpf oge, %get3A_959, %get3A_964 : vector<16xf32>
    %select_n3A_1156 = arith.select %ge3A_1155, %broadcast_in_dim3A_968, %broadcast_in_dim3A_966 : vector<16xi1>, vector<16xf32>
    %add3A_1157 = arith.addf %add3A_1154, %select_n3A_1156 : vector<16xf32>
    %lt3A_1158 = arith.constant 4.000000e+00 : f32
    %lt3A_1159 = vector.broadcast %lt3A_1158 : f32 to vector<16xf32>
    %lt3A_1160 = arith.cmpf olt, %add3A_1157, %lt3A_1159 : vector<16xf32>
    %get3A_1161 = arith.constant 0 : i32
    %get3A_1162 = arith.index_cast %get3A_1161 : i32 to index
    %get3A_1163 = arith.index_cast %add3A_924 : i32 to index
    %get3A_1164 = tpu.vector_load %arg5[%get3A_1162, %get3A_1163] {strides = array<i32>} : memref<16x2048xf32, #tpu.memory_space<vmem>>, vector<1x16xf32>,
    %get3A_1165 = vector.shape_cast %get3A_1164 : vector<1x16xf32> to vector<16xf32>
    %select_n3A_1166 = arith.select %lt3A_992, %get3A_1165, %broadcast_in_dim3A_966 : vector<16xi1>, vector<16xf32>
    %get3A_1167 = arith.constant 1 : i32
    %get3A_1168 = arith.index_cast %get3A_1167 : i32 to index
    %get3A_1169 = arith.index_cast %add3A_924 : i32 to index
    %get3A_1170 = tpu.vector_load %arg5[%get3A_1168, %get3A_1169] {strides = array<i32>} : memref<16x2048xf32, #tpu.memory_space<vmem>>, vector<1x16xf32>,
    %get3A_1171 = vector.shape_cast %get3A_1170 : vector<1x16xf32> to vector<16xf32>
    %select_n3A_1172 = arith.select %lt3A_992, %get3A_1171, %broadcast_in_dim3A_966 : vector<16xi1>, vector<16xf32>
    %get3A_1173 = arith.constant 2 : i32
    %get3A_1174 = arith.index_cast %get3A_1173 : i32 to index
    %get3A_1175 = arith.index_cast %add3A_924 : i32 to index
    %get3A_1176 = tpu.vector_load %arg5[%get3A_1174, %get3A_1175] {strides = array<i32>} : memref<16x2048xf32, #tpu.memory_space<vmem>>, vector<1x16xf32>,
    %get3A_1177 = vector.shape_cast %get3A_1176 : vector<1x16xf32> to vector<16xf32>
    %select_n3A_1178 = arith.select %lt3A_1016, %get3A_1177, %broadcast_in_dim3A_966 : vector<16xi1>, vector<16xf32>
    %get3A_1179 = arith.constant 3 : i32
    %get3A_1180 = arith.index_cast %get3A_1179 : i32 to index
    %get3A_1181 = arith.index_cast %add3A_924 : i32 to index
    %get3A_1182 = tpu.vector_load %arg5[%get3A_1180, %get3A_1181] {strides = array<i32>} : memref<16x2048xf32, #tpu.memory_space<vmem>>, vector<1x16xf32>,
    %get3A_1183 = vector.shape_cast %get3A_1182 : vector<1x16xf32> to vector<16xf32>
    %select_n3A_1184 = arith.select %lt3A_1016, %get3A_1183, %broadcast_in_dim3A_966 : vector<16xi1>, vector<16xf32>
    %get3A_1185 = arith.constant 4 : i32
    %get3A_1186 = arith.index_cast %get3A_1185 : i32 to index
    %get3A_1187 = arith.index_cast %add3A_924 : i32 to index
    %get3A_1188 = tpu.vector_load %arg5[%get3A_1186, %get3A_1187] {strides = array<i32>} : memref<16x2048xf32, #tpu.memory_space<vmem>>, vector<1x16xf32>,
    %get3A_1189 = vector.shape_cast %get3A_1188 : vector<1x16xf32> to vector<16xf32>
    %select_n3A_1190 = arith.select %lt3A_1040, %get3A_1189, %broadcast_in_dim3A_966 : vector<16xi1>, vector<16xf32>
    %get3A_1191 = arith.constant 5 : i32
    %get3A_1192 = arith.index_cast %get3A_1191 : i32 to index
    %get3A_1193 = arith.index_cast %add3A_924 : i32 to index
    %get3A_1194 = tpu.vector_load %arg5[%get3A_1192, %get3A_1193] {strides = array<i32>} : memref<16x2048xf32, #tpu.memory_space<vmem>>, vector<1x16xf32>,
    %get3A_1195 = vector.shape_cast %get3A_1194 : vector<1x16xf32> to vector<16xf32>
    %select_n3A_1196 = arith.select %lt3A_1040, %get3A_1195, %broadcast_in_dim3A_966 : vector<16xi1>, vector<16xf32>
    %get3A_1197 = arith.constant 6 : i32
    %get3A_1198 = arith.index_cast %get3A_1197 : i32 to index
    %get3A_1199 = arith.index_cast %add3A_924 : i32 to index
    %get3A_1200 = tpu.vector_load %arg5[%get3A_1198, %get3A_1199] {strides = array<i32>} : memref<16x2048xf32, #tpu.memory_space<vmem>>, vector<1x16xf32>,
    %get3A_1201 = vector.shape_cast %get3A_1200 : vector<1x16xf32> to vector<16xf32>
    %select_n3A_1202 = arith.select %lt3A_1064, %get3A_1201, %broadcast_in_dim3A_966 : vector<16xi1>, vector<16xf32>
    %get3A_1203 = arith.constant 7 : i32
    %get3A_1204 = arith.index_cast %get3A_1203 : i32 to index
    %get3A_1205 = arith.index_cast %add3A_924 : i32 to index
    %get3A_1206 = tpu.vector_load %arg5[%get3A_1204, %get3A_1205] {strides = array<i32>} : memref<16x2048xf32, #tpu.memory_space<vmem>>, vector<1x16xf32>,
    %get3A_1207 = vector.shape_cast %get3A_1206 : vector<1x16xf32> to vector<16xf32>
    %select_n3A_1208 = arith.select %lt3A_1064, %get3A_1207, %broadcast_in_dim3A_966 : vector<16xi1>, vector<16xf32>
    %get3A_1209 = arith.constant 8 : i32
    %get3A_1210 = arith.index_cast %get3A_1209 : i32 to index
    %get3A_1211 = arith.index_cast %add3A_924 : i32 to index
    %get3A_1212 = tpu.vector_load %arg5[%get3A_1210, %get3A_1211] {strides = array<i32>} : memref<16x2048xf32, #tpu.memory_space<vmem>>, vector<1x16xf32>,
    %get3A_1213 = vector.shape_cast %get3A_1212 : vector<1x16xf32> to vector<16xf32>
    %select_n3A_1214 = arith.select %lt3A_1088, %get3A_1213, %broadcast_in_dim3A_966 : vector<16xi1>, vector<16xf32>
    %get3A_1215 = arith.constant 9 : i32
    %get3A_1216 = arith.index_cast %get3A_1215 : i32 to index
    %get3A_1217 = arith.index_cast %add3A_924 : i32 to index
    %get3A_1218 = tpu.vector_load %arg5[%get3A_1216, %get3A_1217] {strides = array<i32>} : memref<16x2048xf32, #tpu.memory_space<vmem>>, vector<1x16xf32>,
    %get3A_1219 = vector.shape_cast %get3A_1218 : vector<1x16xf32> to vector<16xf32>
    %select_n3A_1220 = arith.select %lt3A_1088, %get3A_1219, %broadcast_in_dim3A_966 : vector<16xi1>, vector<16xf32>
    %get3A_1221 = arith.constant 10 : i32
    %get3A_1222 = arith.index_cast %get3A_1221 : i32 to index
    %get3A_1223 = arith.index_cast %add3A_924 : i32 to index
    %get3A_1224 = tpu.vector_load %arg5[%get3A_1222, %get3A_1223] {strides = array<i32>} : memref<16x2048xf32, #tpu.memory_space<vmem>>, vector<1x16xf32>,
    %get3A_1225 = vector.shape_cast %get3A_1224 : vector<1x16xf32> to vector<16xf32>
    %select_n3A_1226 = arith.select %lt3A_1112, %get3A_1225, %broadcast_in_dim3A_966 : vector<16xi1>, vector<16xf32>
    %get3A_1227 = arith.constant 11 : i32
    %get3A_1228 = arith.index_cast %get3A_1227 : i32 to index
    %get3A_1229 = arith.index_cast %add3A_924 : i32 to index
    %get3A_1230 = tpu.vector_load %arg5[%get3A_1228, %get3A_1229] {strides = array<i32>} : memref<16x2048xf32, #tpu.memory_space<vmem>>, vector<1x16xf32>,
    %get3A_1231 = vector.shape_cast %get3A_1230 : vector<1x16xf32> to vector<16xf32>
    %select_n3A_1232 = arith.select %lt3A_1112, %get3A_1231, %broadcast_in_dim3A_966 : vector<16xi1>, vector<16xf32>
    %get3A_1233 = arith.constant 12 : i32
    %get3A_1234 = arith.index_cast %get3A_1233 : i32 to index
    %get3A_1235 = arith.index_cast %add3A_924 : i32 to index
    %get3A_1236 = tpu.vector_load %arg5[%get3A_1234, %get3A_1235] {strides = array<i32>} : memref<16x2048xf32, #tpu.memory_space<vmem>>, vector<1x16xf32>,
    %get3A_1237 = vector.shape_cast %get3A_1236 : vector<1x16xf32> to vector<16xf32>
    %select_n3A_1238 = arith.select %lt3A_1136, %get3A_1237, %broadcast_in_dim3A_966 : vector<16xi1>, vector<16xf32>
    %get3A_1239 = arith.constant 13 : i32
    %get3A_1240 = arith.index_cast %get3A_1239 : i32 to index
    %get3A_1241 = arith.index_cast %add3A_924 : i32 to index
    %get3A_1242 = tpu.vector_load %arg5[%get3A_1240, %get3A_1241] {strides = array<i32>} : memref<16x2048xf32, #tpu.memory_space<vmem>>, vector<1x16xf32>,
    %get3A_1243 = vector.shape_cast %get3A_1242 : vector<1x16xf32> to vector<16xf32>
    %select_n3A_1244 = arith.select %lt3A_1136, %get3A_1243, %broadcast_in_dim3A_966 : vector<16xi1>, vector<16xf32>
    %get3A_1245 = arith.constant 14 : i32
    %get3A_1246 = arith.index_cast %get3A_1245 : i32 to index
    %get3A_1247 = arith.index_cast %add3A_924 : i32 to index
    %get3A_1248 = tpu.vector_load %arg5[%get3A_1246, %get3A_1247] {strides = array<i32>} : memref<16x2048xf32, #tpu.memory_space<vmem>>, vector<1x16xf32>,
    %get3A_1249 = vector.shape_cast %get3A_1248 : vector<1x16xf32> to vector<16xf32>
    %select_n3A_1250 = arith.select %lt3A_1160, %get3A_1249, %broadcast_in_dim3A_966 : vector<16xi1>, vector<16xf32>
    %get3A_1251 = arith.constant 15 : i32
    %get3A_1252 = arith.index_cast %get3A_1251 : i32 to index
    %get3A_1253 = arith.index_cast %add3A_924 : i32 to index
    %get3A_1254 = tpu.vector_load %arg5[%get3A_1252, %get3A_1253] {strides = array<i32>} : memref<16x2048xf32, #tpu.memory_space<vmem>>, vector<1x16xf32>,
    %get3A_1255 = vector.shape_cast %get3A_1254 : vector<1x16xf32> to vector<16xf32>
    %select_n3A_1256 = arith.select %lt3A_1160, %get3A_1255, %broadcast_in_dim3A_966 : vector<16xi1>, vector<16xf32>
    %add3A_1257 = arith.addf %select_n3A_1166, %select_n3A_1172 : vector<16xf32>
    %add3A_1258 = arith.addf %add3A_1257, %select_n3A_1178 : vector<16xf32>
    %add3A_1259 = arith.addf %add3A_1258, %select_n3A_1184 : vector<16xf32>
    %add3A_1260 = arith.addf %add3A_1259, %select_n3A_1190 : vector<16xf32>
    %add3A_1261 = arith.addf %add3A_1260, %select_n3A_1196 : vector<16xf32>
    %add3A_1262 = arith.addf %add3A_1261, %select_n3A_1202 : vector<16xf32>
    %add3A_1263 = arith.addf %add3A_1262, %select_n3A_1208 : vector<16xf32>
    %add3A_1264 = arith.addf %add3A_1263, %select_n3A_1214 : vector<16xf32>
    %add3A_1265 = arith.addf %add3A_1264, %select_n3A_1220 : vector<16xf32>
    %add3A_1266 = arith.addf %add3A_1265, %select_n3A_1226 : vector<16xf32>
    %add3A_1267 = arith.addf %add3A_1266, %select_n3A_1232 : vector<16xf32>
    %add3A_1268 = arith.addf %add3A_1267, %select_n3A_1238 : vector<16xf32>
    %add3A_1269 = arith.addf %add3A_1268, %select_n3A_1244 : vector<16xf32>
    %add3A_1270 = arith.addf %add3A_1269, %select_n3A_1250 : vector<16xf32>
    %add3A_1271 = arith.addf %add3A_1270, %select_n3A_1256 : vector<16xf32>
    %div3A_1272 = arith.constant 2.500000e+00 : f32
    %div3A_1273 = vector.broadcast %div3A_1272 : f32 to vector<16xf32>
    %div3A_1274 = arith.divf %div3A_1273, %add3A_1271 : vector<16xf32>
    %mul3A_1275 = arith.mulf %select_n3A_1166, %div3A_1274 : vector<16xf32>
    %swap3A_1276 = arith.constant 0 : i32
    %swap3A_1277 = arith.index_cast %swap3A_1276 : i32 to index
    %swap3A_1278 = arith.constant 32 : index
    %swap3A_1279 = tpu.vector_load %arg7[%swap3A_1277, %swap3A_1278] {strides = array<i32>} : memref<16x64xf32, #tpu.memory_space<vmem>>, vector<1x16xf32>,
    %swap3A_1280 = vector.shape_cast %swap3A_1279 : vector<1x16xf32> to vector<16xf32>
    %swap3A_1281 = vector.shape_cast %mul3A_1275 : vector<16xf32> to vector<1x16xf32>
    tpu.vector_store %arg7[%swap3A_1277, %swap3A_1278], %swap3A_1281 {strides = array<i32>} : memref<16x64xf32, #tpu.memory_space<vmem>>, vector<1x16xf32>,
    %mul3A_1282 = arith.mulf %select_n3A_1172, %div3A_1274 : vector<16xf32>
    %swap3A_1283 = arith.constant 1 : i32
    %swap3A_1284 = arith.index_cast %swap3A_1283 : i32 to index
    %swap3A_1285 = arith.constant 32 : index
    %swap3A_1286 = tpu.vector_load %arg7[%swap3A_1284, %swap3A_1285] {strides = array<i32>} : memref<16x64xf32, #tpu.memory_space<vmem>>, vector<1x16xf32>,
    %swap3A_1287 = vector.shape_cast %swap3A_1286 : vector<1x16xf32> to vector<16xf32>
    %swap3A_1288 = vector.shape_cast %mul3A_1282 : vector<16xf32> to vector<1x16xf32>
    tpu.vector_store %arg7[%swap3A_1284, %swap3A_1285], %swap3A_1288 {strides = array<i32>} : memref<16x64xf32, #tpu.memory_space<vmem>>, vector<1x16xf32>,
    %mul3A_1289 = arith.mulf %select_n3A_1178, %div3A_1274 : vector<16xf32>
    %swap3A_1290 = arith.constant 2 : i32
    %swap3A_1291 = arith.index_cast %swap3A_1290 : i32 to index
    %swap3A_1292 = arith.constant 32 : index
    %swap3A_1293 = tpu.vector_load %arg7[%swap3A_1291, %swap3A_1292] {strides = array<i32>} : memref<16x64xf32, #tpu.memory_space<vmem>>, vector<1x16xf32>,
    %swap3A_1294 = vector.shape_cast %swap3A_1293 : vector<1x16xf32> to vector<16xf32>
    %swap3A_1295 = vector.shape_cast %mul3A_1289 : vector<16xf32> to vector<1x16xf32>
    tpu.vector_store %arg7[%swap3A_1291, %swap3A_1292], %swap3A_1295 {strides = array<i32>} : memref<16x64xf32, #tpu.memory_space<vmem>>, vector<1x16xf32>,
    %mul3A_1296 = arith.mulf %select_n3A_1184, %div3A_1274 : vector<16xf32>
    %swap3A_1297 = arith.constant 3 : i32
    %swap3A_1298 = arith.index_cast %swap3A_1297 : i32 to index
    %swap3A_1299 = arith.constant 32 : index
    %swap3A_1300 = tpu.vector_load %arg7[%swap3A_1298, %swap3A_1299] {strides = array<i32>} : memref<16x64xf32, #tpu.memory_space<vmem>>, vector<1x16xf32>,
    %swap3A_1301 = vector.shape_cast %swap3A_1300 : vector<1x16xf32> to vector<16xf32>
    %swap3A_1302 = vector.shape_cast %mul3A_1296 : vector<16xf32> to vector<1x16xf32>
    tpu.vector_store %arg7[%swap3A_1298, %swap3A_1299], %swap3A_1302 {strides = array<i32>} : memref<16x64xf32, #tpu.memory_space<vmem>>, vector<1x16xf32>,
    %mul3A_1303 = arith.mulf %select_n3A_1190, %div3A_1274 : vector<16xf32>
    %swap3A_1304 = arith.constant 4 : i32
    %swap3A_1305 = arith.index_cast %swap3A_1304 : i32 to index
    %swap3A_1306 = arith.constant 32 : index
    %swap3A_1307 = tpu.vector_load %arg7[%swap3A_1305, %swap3A_1306] {strides = array<i32>} : memref<16x64xf32, #tpu.memory_space<vmem>>, vector<1x16xf32>,
    %swap3A_1308 = vector.shape_cast %swap3A_1307 : vector<1x16xf32> to vector<16xf32>
    %swap3A_1309 = vector.shape_cast %mul3A_1303 : vector<16xf32> to vector<1x16xf32>
    tpu.vector_store %arg7[%swap3A_1305, %swap3A_1306], %swap3A_1309 {strides = array<i32>} : memref<16x64xf32, #tpu.memory_space<vmem>>, vector<1x16xf32>,
    %mul3A_1310 = arith.mulf %select_n3A_1196, %div3A_1274 : vector<16xf32>
    %swap3A_1311 = arith.constant 5 : i32
    %swap3A_1312 = arith.index_cast %swap3A_1311 : i32 to index
    %swap3A_1313 = arith.constant 32 : index
    %swap3A_1314 = tpu.vector_load %arg7[%swap3A_1312, %swap3A_1313] {strides = array<i32>} : memref<16x64xf32, #tpu.memory_space<vmem>>, vector<1x16xf32>,
    %swap3A_1315 = vector.shape_cast %swap3A_1314 : vector<1x16xf32> to vector<16xf32>
    %swap3A_1316 = vector.shape_cast %mul3A_1310 : vector<16xf32> to vector<1x16xf32>
    tpu.vector_store %arg7[%swap3A_1312, %swap3A_1313], %swap3A_1316 {strides = array<i32>} : memref<16x64xf32, #tpu.memory_space<vmem>>, vector<1x16xf32>,
    %mul3A_1317 = arith.mulf %select_n3A_1202, %div3A_1274 : vector<16xf32>
    %swap3A_1318 = arith.constant 6 : i32
    %swap3A_1319 = arith.index_cast %swap3A_1318 : i32 to index
    %swap3A_1320 = arith.constant 32 : index
    %swap3A_1321 = tpu.vector_load %arg7[%swap3A_1319, %swap3A_1320] {strides = array<i32>} : memref<16x64xf32, #tpu.memory_space<vmem>>, vector<1x16xf32>,
    %swap3A_1322 = vector.shape_cast %swap3A_1321 : vector<1x16xf32> to vector<16xf32>
    %swap3A_1323 = vector.shape_cast %mul3A_1317 : vector<16xf32> to vector<1x16xf32>
    tpu.vector_store %arg7[%swap3A_1319, %swap3A_1320], %swap3A_1323 {strides = array<i32>} : memref<16x64xf32, #tpu.memory_space<vmem>>, vector<1x16xf32>,
    %mul3A_1324 = arith.mulf %select_n3A_1208, %div3A_1274 : vector<16xf32>
    %swap3A_1325 = arith.constant 7 : i32
    %swap3A_1326 = arith.index_cast %swap3A_1325 : i32 to index
    %swap3A_1327 = arith.constant 32 : index
    %swap3A_1328 = tpu.vector_load %arg7[%swap3A_1326, %swap3A_1327] {strides = array<i32>} : memref<16x64xf32, #tpu.memory_space<vmem>>, vector<1x16xf32>,
    %swap3A_1329 = vector.shape_cast %swap3A_1328 : vector<1x16xf32> to vector<16xf32>
    %swap3A_1330 = vector.shape_cast %mul3A_1324 : vector<16xf32> to vector<1x16xf32>
    tpu.vector_store %arg7[%swap3A_1326, %swap3A_1327], %swap3A_1330 {strides = array<i32>} : memref<16x64xf32, #tpu.memory_space<vmem>>, vector<1x16xf32>,
    %mul3A_1331 = arith.mulf %select_n3A_1214, %div3A_1274 : vector<16xf32>
    %swap3A_1332 = arith.constant 8 : i32
    %swap3A_1333 = arith.index_cast %swap3A_1332 : i32 to index
    %swap3A_1334 = arith.constant 32 : index
    %swap3A_1335 = tpu.vector_load %arg7[%swap3A_1333, %swap3A_1334] {strides = array<i32>} : memref<16x64xf32, #tpu.memory_space<vmem>>, vector<1x16xf32>,
    %swap3A_1336 = vector.shape_cast %swap3A_1335 : vector<1x16xf32> to vector<16xf32>
    %swap3A_1337 = vector.shape_cast %mul3A_1331 : vector<16xf32> to vector<1x16xf32>
    tpu.vector_store %arg7[%swap3A_1333, %swap3A_1334], %swap3A_1337 {strides = array<i32>} : memref<16x64xf32, #tpu.memory_space<vmem>>, vector<1x16xf32>,
    %mul3A_1338 = arith.mulf %select_n3A_1220, %div3A_1274 : vector<16xf32>
    %swap3A_1339 = arith.constant 9 : i32
    %swap3A_1340 = arith.index_cast %swap3A_1339 : i32 to index
    %swap3A_1341 = arith.constant 32 : index
    %swap3A_1342 = tpu.vector_load %arg7[%swap3A_1340, %swap3A_1341] {strides = array<i32>} : memref<16x64xf32, #tpu.memory_space<vmem>>, vector<1x16xf32>,
    %swap3A_1343 = vector.shape_cast %swap3A_1342 : vector<1x16xf32> to vector<16xf32>
    %swap3A_1344 = vector.shape_cast %mul3A_1338 : vector<16xf32> to vector<1x16xf32>
    tpu.vector_store %arg7[%swap3A_1340, %swap3A_1341], %swap3A_1344 {strides = array<i32>} : memref<16x64xf32, #tpu.memory_space<vmem>>, vector<1x16xf32>,
    %mul3A_1345 = arith.mulf %select_n3A_1226, %div3A_1274 : vector<16xf32>
    %swap3A_1346 = arith.constant 10 : i32
    %swap3A_1347 = arith.index_cast %swap3A_1346 : i32 to index
    %swap3A_1348 = arith.constant 32 : index
    %swap3A_1349 = tpu.vector_load %arg7[%swap3A_1347, %swap3A_1348] {strides = array<i32>} : memref<16x64xf32, #tpu.memory_space<vmem>>, vector<1x16xf32>,
    %swap3A_1350 = vector.shape_cast %swap3A_1349 : vector<1x16xf32> to vector<16xf32>
    %swap3A_1351 = vector.shape_cast %mul3A_1345 : vector<16xf32> to vector<1x16xf32>
    tpu.vector_store %arg7[%swap3A_1347, %swap3A_1348], %swap3A_1351 {strides = array<i32>} : memref<16x64xf32, #tpu.memory_space<vmem>>, vector<1x16xf32>,
    %mul3A_1352 = arith.mulf %select_n3A_1232, %div3A_1274 : vector<16xf32>
    %swap3A_1353 = arith.constant 11 : i32
    %swap3A_1354 = arith.index_cast %swap3A_1353 : i32 to index
    %swap3A_1355 = arith.constant 32 : index
    %swap3A_1356 = tpu.vector_load %arg7[%swap3A_1354, %swap3A_1355] {strides = array<i32>} : memref<16x64xf32, #tpu.memory_space<vmem>>, vector<1x16xf32>,
    %swap3A_1357 = vector.shape_cast %swap3A_1356 : vector<1x16xf32> to vector<16xf32>
    %swap3A_1358 = vector.shape_cast %mul3A_1352 : vector<16xf32> to vector<1x16xf32>
    tpu.vector_store %arg7[%swap3A_1354, %swap3A_1355], %swap3A_1358 {strides = array<i32>} : memref<16x64xf32, #tpu.memory_space<vmem>>, vector<1x16xf32>,
    %mul3A_1359 = arith.mulf %select_n3A_1238, %div3A_1274 : vector<16xf32>
    %swap3A_1360 = arith.constant 12 : i32
    %swap3A_1361 = arith.index_cast %swap3A_1360 : i32 to index
    %swap3A_1362 = arith.constant 32 : index
    %swap3A_1363 = tpu.vector_load %arg7[%swap3A_1361, %swap3A_1362] {strides = array<i32>} : memref<16x64xf32, #tpu.memory_space<vmem>>, vector<1x16xf32>,
    %swap3A_1364 = vector.shape_cast %swap3A_1363 : vector<1x16xf32> to vector<16xf32>
    %swap3A_1365 = vector.shape_cast %mul3A_1359 : vector<16xf32> to vector<1x16xf32>
    tpu.vector_store %arg7[%swap3A_1361, %swap3A_1362], %swap3A_1365 {strides = array<i32>} : memref<16x64xf32, #tpu.memory_space<vmem>>, vector<1x16xf32>,
    %mul3A_1366 = arith.mulf %select_n3A_1244, %div3A_1274 : vector<16xf32>
    %swap3A_1367 = arith.constant 13 : i32
    %swap3A_1368 = arith.index_cast %swap3A_1367 : i32 to index
    %swap3A_1369 = arith.constant 32 : index
    %swap3A_1370 = tpu.vector_load %arg7[%swap3A_1368, %swap3A_1369] {strides = array<i32>} : memref<16x64xf32, #tpu.memory_space<vmem>>, vector<1x16xf32>,
    %swap3A_1371 = vector.shape_cast %swap3A_1370 : vector<1x16xf32> to vector<16xf32>
    %swap3A_1372 = vector.shape_cast %mul3A_1366 : vector<16xf32> to vector<1x16xf32>
    tpu.vector_store %arg7[%swap3A_1368, %swap3A_1369], %swap3A_1372 {strides = array<i32>} : memref<16x64xf32, #tpu.memory_space<vmem>>, vector<1x16xf32>,
    %mul3A_1373 = arith.mulf %select_n3A_1250, %div3A_1274 : vector<16xf32>
    %swap3A_1374 = arith.constant 14 : i32
    %swap3A_1375 = arith.index_cast %swap3A_1374 : i32 to index
    %swap3A_1376 = arith.constant 32 : index
    %swap3A_1377 = tpu.vector_load %arg7[%swap3A_1375, %swap3A_1376] {strides = array<i32>} : memref<16x64xf32, #tpu.memory_space<vmem>>, vector<1x16xf32>,
    %swap3A_1378 = vector.shape_cast %swap3A_1377 : vector<1x16xf32> to vector<16xf32>
    %swap3A_1379 = vector.shape_cast %mul3A_1373 : vector<16xf32> to vector<1x16xf32>
    tpu.vector_store %arg7[%swap3A_1375, %swap3A_1376], %swap3A_1379 {strides = array<i32>} : memref<16x64xf32, #tpu.memory_space<vmem>>, vector<1x16xf32>,
    %mul3A_1380 = arith.mulf %select_n3A_1256, %div3A_1274 : vector<16xf32>
    %swap3A_1381 = arith.constant 15 : i32
    %swap3A_1382 = arith.index_cast %swap3A_1381 : i32 to index
    %swap3A_1383 = arith.constant 32 : index
    %swap3A_1384 = tpu.vector_load %arg7[%swap3A_1382, %swap3A_1383] {strides = array<i32>} : memref<16x64xf32, #tpu.memory_space<vmem>>, vector<1x16xf32>,
    %swap3A_1385 = vector.shape_cast %swap3A_1384 : vector<1x16xf32> to vector<16xf32>
    %swap3A_1386 = vector.shape_cast %mul3A_1380 : vector<16xf32> to vector<1x16xf32>
    tpu.vector_store %arg7[%swap3A_1382, %swap3A_1383], %swap3A_1386 {strides = array<i32>} : memref<16x64xf32, #tpu.memory_space<vmem>>, vector<1x16xf32>,
    %add3A_1387 = arith.constant 48 : i32
    %add3A_1388 = arith.addi %mul3A_2, %add3A_1387 : i32
    %get3A_1389 = arith.constant 0 : i32
    %get3A_1390 = arith.index_cast %get3A_1389 : i32 to index
    %get3A_1391 = arith.index_cast %add3A_1388 : i32 to index
    %get3A_1392 = tpu.vector_load %arg6[%get3A_1390, %get3A_1391] {strides = array<i32>} : memref<8x2048xf32, #tpu.memory_space<vmem>>, vector<1x16xf32>,
    %get3A_1393 = vector.shape_cast %get3A_1392 : vector<1x16xf32> to vector<16xf32>
    %get3A_1394 = arith.constant 1 : i32
    %get3A_1395 = arith.index_cast %get3A_1394 : i32 to index
    %get3A_1396 = arith.index_cast %add3A_1388 : i32 to index
    %get3A_1397 = tpu.vector_load %arg6[%get3A_1395, %get3A_1396] {strides = array<i32>} : memref<8x2048xf32, #tpu.memory_space<vmem>>, vector<1x16xf32>,
    %get3A_1398 = vector.shape_cast %get3A_1397 : vector<1x16xf32> to vector<16xf32>
    %get3A_1399 = arith.constant 2 : i32
    %get3A_1400 = arith.index_cast %get3A_1399 : i32 to index
    %get3A_1401 = arith.index_cast %add3A_1388 : i32 to index
    %get3A_1402 = tpu.vector_load %arg6[%get3A_1400, %get3A_1401] {strides = array<i32>} : memref<8x2048xf32, #tpu.memory_space<vmem>>, vector<1x16xf32>,
    %get3A_1403 = vector.shape_cast %get3A_1402 : vector<1x16xf32> to vector<16xf32>
    %get3A_1404 = arith.constant 3 : i32
    %get3A_1405 = arith.index_cast %get3A_1404 : i32 to index
    %get3A_1406 = arith.index_cast %add3A_1388 : i32 to index
    %get3A_1407 = tpu.vector_load %arg6[%get3A_1405, %get3A_1406] {strides = array<i32>} : memref<8x2048xf32, #tpu.memory_space<vmem>>, vector<1x16xf32>,
    %get3A_1408 = vector.shape_cast %get3A_1407 : vector<1x16xf32> to vector<16xf32>
    %get3A_1409 = arith.constant 4 : i32
    %get3A_1410 = arith.index_cast %get3A_1409 : i32 to index
    %get3A_1411 = arith.index_cast %add3A_1388 : i32 to index
    %get3A_1412 = tpu.vector_load %arg6[%get3A_1410, %get3A_1411] {strides = array<i32>} : memref<8x2048xf32, #tpu.memory_space<vmem>>, vector<1x16xf32>,
    %get3A_1413 = vector.shape_cast %get3A_1412 : vector<1x16xf32> to vector<16xf32>
    %get3A_1414 = arith.constant 5 : i32
    %get3A_1415 = arith.index_cast %get3A_1414 : i32 to index
    %get3A_1416 = arith.index_cast %add3A_1388 : i32 to index
    %get3A_1417 = tpu.vector_load %arg6[%get3A_1415, %get3A_1416] {strides = array<i32>} : memref<8x2048xf32, #tpu.memory_space<vmem>>, vector<1x16xf32>,
    %get3A_1418 = vector.shape_cast %get3A_1417 : vector<1x16xf32> to vector<16xf32>
    %get3A_1419 = arith.constant 6 : i32
    %get3A_1420 = arith.index_cast %get3A_1419 : i32 to index
    %get3A_1421 = arith.index_cast %add3A_1388 : i32 to index
    %get3A_1422 = tpu.vector_load %arg6[%get3A_1420, %get3A_1421] {strides = array<i32>} : memref<8x2048xf32, #tpu.memory_space<vmem>>, vector<1x16xf32>,
    %get3A_1423 = vector.shape_cast %get3A_1422 : vector<1x16xf32> to vector<16xf32>
    %get3A_1424 = arith.constant 7 : i32
    %get3A_1425 = arith.index_cast %get3A_1424 : i32 to index
    %get3A_1426 = arith.index_cast %add3A_1388 : i32 to index
    %get3A_1427 = tpu.vector_load %arg6[%get3A_1425, %get3A_1426] {strides = array<i32>} : memref<8x2048xf32, #tpu.memory_space<vmem>>, vector<1x16xf32>,
    %get3A_1428 = vector.shape_cast %get3A_1427 : vector<1x16xf32> to vector<16xf32>
    %broadcast_in_dim3A_1429 = arith.constant 0.000000e+00 : f32
    %broadcast_in_dim3A_1430 = vector.broadcast %broadcast_in_dim3A_1429 : f32 to vector<16xf32>
    %broadcast_in_dim3A_1431 = arith.constant 1.000000e+00 : f32
    %broadcast_in_dim3A_1432 = vector.broadcast %broadcast_in_dim3A_1431 : f32 to vector<16xf32>
    %gt3A_1433 = arith.cmpf ogt, %get3A_1398, %get3A_1393 : vector<16xf32>
    %select_n3A_1434 = arith.select %gt3A_1433, %broadcast_in_dim3A_1432, %broadcast_in_dim3A_1430 : vector<16xi1>, vector<16xf32>
    %add3A_1435 = arith.addf %broadcast_in_dim3A_1430, %select_n3A_1434 : vector<16xf32>
    %gt3A_1436 = arith.cmpf ogt, %get3A_1403, %get3A_1393 : vector<16xf32>
    %select_n3A_1437 = arith.select %gt3A_1436, %broadcast_in_dim3A_1432, %broadcast_in_dim3A_1430 : vector<16xi1>, vector<16xf32>
    %add3A_1438 = arith.addf %add3A_1435, %select_n3A_1437 : vector<16xf32>
    %gt3A_1439 = arith.cmpf ogt, %get3A_1408, %get3A_1393 : vector<16xf32>
    %select_n3A_1440 = arith.select %gt3A_1439, %broadcast_in_dim3A_1432, %broadcast_in_dim3A_1430 : vector<16xi1>, vector<16xf32>
    %add3A_1441 = arith.addf %add3A_1438, %select_n3A_1440 : vector<16xf32>
    %gt3A_1442 = arith.cmpf ogt, %get3A_1413, %get3A_1393 : vector<16xf32>
    %select_n3A_1443 = arith.select %gt3A_1442, %broadcast_in_dim3A_1432, %broadcast_in_dim3A_1430 : vector<16xi1>, vector<16xf32>
    %add3A_1444 = arith.addf %add3A_1441, %select_n3A_1443 : vector<16xf32>
    %gt3A_1445 = arith.cmpf ogt, %get3A_1418, %get3A_1393 : vector<16xf32>
    %select_n3A_1446 = arith.select %gt3A_1445, %broadcast_in_dim3A_1432, %broadcast_in_dim3A_1430 : vector<16xi1>, vector<16xf32>
    %add3A_1447 = arith.addf %add3A_1444, %select_n3A_1446 : vector<16xf32>
    %gt3A_1448 = arith.cmpf ogt, %get3A_1423, %get3A_1393 : vector<16xf32>
    %select_n3A_1449 = arith.select %gt3A_1448, %broadcast_in_dim3A_1432, %broadcast_in_dim3A_1430 : vector<16xi1>, vector<16xf32>
    %add3A_1450 = arith.addf %add3A_1447, %select_n3A_1449 : vector<16xf32>
    %gt3A_1451 = arith.cmpf ogt, %get3A_1428, %get3A_1393 : vector<16xf32>
    %select_n3A_1452 = arith.select %gt3A_1451, %broadcast_in_dim3A_1432, %broadcast_in_dim3A_1430 : vector<16xi1>, vector<16xf32>
    %add3A_1453 = arith.addf %add3A_1450, %select_n3A_1452 : vector<16xf32>
    %lt3A_1454 = arith.constant 4.000000e+00 : f32
    %lt3A_1455 = vector.broadcast %lt3A_1454 : f32 to vector<16xf32>
    %lt3A_1456 = arith.cmpf olt, %add3A_1453, %lt3A_1455 : vector<16xf32>
    %ge3A_1457 = arith.cmpf oge, %get3A_1393, %get3A_1398 : vector<16xf32>
    %select_n3A_1458 = arith.select %ge3A_1457, %broadcast_in_dim3A_1432, %broadcast_in_dim3A_1430 : vector<16xi1>, vector<16xf32>
    %add3A_1459 = arith.addf %broadcast_in_dim3A_1430, %select_n3A_1458 : vector<16xf32>
    %gt3A_1460 = arith.cmpf ogt, %get3A_1403, %get3A_1398 : vector<16xf32>
    %select_n3A_1461 = arith.select %gt3A_1460, %broadcast_in_dim3A_1432, %broadcast_in_dim3A_1430 : vector<16xi1>, vector<16xf32>
    %add3A_1462 = arith.addf %add3A_1459, %select_n3A_1461 : vector<16xf32>
    %gt3A_1463 = arith.cmpf ogt, %get3A_1408, %get3A_1398 : vector<16xf32>
    %select_n3A_1464 = arith.select %gt3A_1463, %broadcast_in_dim3A_1432, %broadcast_in_dim3A_1430 : vector<16xi1>, vector<16xf32>
    %add3A_1465 = arith.addf %add3A_1462, %select_n3A_1464 : vector<16xf32>
    %gt3A_1466 = arith.cmpf ogt, %get3A_1413, %get3A_1398 : vector<16xf32>
    %select_n3A_1467 = arith.select %gt3A_1466, %broadcast_in_dim3A_1432, %broadcast_in_dim3A_1430 : vector<16xi1>, vector<16xf32>
    %add3A_1468 = arith.addf %add3A_1465, %select_n3A_1467 : vector<16xf32>
    %gt3A_1469 = arith.cmpf ogt, %get3A_1418, %get3A_1398 : vector<16xf32>
    %select_n3A_1470 = arith.select %gt3A_1469, %broadcast_in_dim3A_1432, %broadcast_in_dim3A_1430 : vector<16xi1>, vector<16xf32>
    %add3A_1471 = arith.addf %add3A_1468, %select_n3A_1470 : vector<16xf32>
    %gt3A_1472 = arith.cmpf ogt, %get3A_1423, %get3A_1398 : vector<16xf32>
    %select_n3A_1473 = arith.select %gt3A_1472, %broadcast_in_dim3A_1432, %broadcast_in_dim3A_1430 : vector<16xi1>, vector<16xf32>
    %add3A_1474 = arith.addf %add3A_1471, %select_n3A_1473 : vector<16xf32>
    %gt3A_1475 = arith.cmpf ogt, %get3A_1428, %get3A_1398 : vector<16xf32>
    %select_n3A_1476 = arith.select %gt3A_1475, %broadcast_in_dim3A_1432, %broadcast_in_dim3A_1430 : vector<16xi1>, vector<16xf32>
    %add3A_1477 = arith.addf %add3A_1474, %select_n3A_1476 : vector<16xf32>
    %lt3A_1478 = arith.constant 4.000000e+00 : f32
    %lt3A_1479 = vector.broadcast %lt3A_1478 : f32 to vector<16xf32>
    %lt3A_1480 = arith.cmpf olt, %add3A_1477, %lt3A_1479 : vector<16xf32>
    %ge3A_1481 = arith.cmpf oge, %get3A_1393, %get3A_1403 : vector<16xf32>
    %select_n3A_1482 = arith.select %ge3A_1481, %broadcast_in_dim3A_1432, %broadcast_in_dim3A_1430 : vector<16xi1>, vector<16xf32>
    %add3A_1483 = arith.addf %broadcast_in_dim3A_1430, %select_n3A_1482 : vector<16xf32>
    %ge3A_1484 = arith.cmpf oge, %get3A_1398, %get3A_1403 : vector<16xf32>
    %select_n3A_1485 = arith.select %ge3A_1484, %broadcast_in_dim3A_1432, %broadcast_in_dim3A_1430 : vector<16xi1>, vector<16xf32>
    %add3A_1486 = arith.addf %add3A_1483, %select_n3A_1485 : vector<16xf32>
    %gt3A_1487 = arith.cmpf ogt, %get3A_1408, %get3A_1403 : vector<16xf32>
    %select_n3A_1488 = arith.select %gt3A_1487, %broadcast_in_dim3A_1432, %broadcast_in_dim3A_1430 : vector<16xi1>, vector<16xf32>
    %add3A_1489 = arith.addf %add3A_1486, %select_n3A_1488 : vector<16xf32>
    %gt3A_1490 = arith.cmpf ogt, %get3A_1413, %get3A_1403 : vector<16xf32>
    %select_n3A_1491 = arith.select %gt3A_1490, %broadcast_in_dim3A_1432, %broadcast_in_dim3A_1430 : vector<16xi1>, vector<16xf32>
    %add3A_1492 = arith.addf %add3A_1489, %select_n3A_1491 : vector<16xf32>
    %gt3A_1493 = arith.cmpf ogt, %get3A_1418, %get3A_1403 : vector<16xf32>
    %select_n3A_1494 = arith.select %gt3A_1493, %broadcast_in_dim3A_1432, %broadcast_in_dim3A_1430 : vector<16xi1>, vector<16xf32>
    %add3A_1495 = arith.addf %add3A_1492, %select_n3A_1494 : vector<16xf32>
    %gt3A_1496 = arith.cmpf ogt, %get3A_1423, %get3A_1403 : vector<16xf32>
    %select_n3A_1497 = arith.select %gt3A_1496, %broadcast_in_dim3A_1432, %broadcast_in_dim3A_1430 : vector<16xi1>, vector<16xf32>
    %add3A_1498 = arith.addf %add3A_1495, %select_n3A_1497 : vector<16xf32>
    %gt3A_1499 = arith.cmpf ogt, %get3A_1428, %get3A_1403 : vector<16xf32>
    %select_n3A_1500 = arith.select %gt3A_1499, %broadcast_in_dim3A_1432, %broadcast_in_dim3A_1430 : vector<16xi1>, vector<16xf32>
    %add3A_1501 = arith.addf %add3A_1498, %select_n3A_1500 : vector<16xf32>
    %lt3A_1502 = arith.constant 4.000000e+00 : f32
    %lt3A_1503 = vector.broadcast %lt3A_1502 : f32 to vector<16xf32>
    %lt3A_1504 = arith.cmpf olt, %add3A_1501, %lt3A_1503 : vector<16xf32>
    %ge3A_1505 = arith.cmpf oge, %get3A_1393, %get3A_1408 : vector<16xf32>
    %select_n3A_1506 = arith.select %ge3A_1505, %broadcast_in_dim3A_1432, %broadcast_in_dim3A_1430 : vector<16xi1>, vector<16xf32>
    %add3A_1507 = arith.addf %broadcast_in_dim3A_1430, %select_n3A_1506 : vector<16xf32>
    %ge3A_1508 = arith.cmpf oge, %get3A_1398, %get3A_1408 : vector<16xf32>
    %select_n3A_1509 = arith.select %ge3A_1508, %broadcast_in_dim3A_1432, %broadcast_in_dim3A_1430 : vector<16xi1>, vector<16xf32>
    %add3A_1510 = arith.addf %add3A_1507, %select_n3A_1509 : vector<16xf32>
    %ge3A_1511 = arith.cmpf oge, %get3A_1403, %get3A_1408 : vector<16xf32>
    %select_n3A_1512 = arith.select %ge3A_1511, %broadcast_in_dim3A_1432, %broadcast_in_dim3A_1430 : vector<16xi1>, vector<16xf32>
    %add3A_1513 = arith.addf %add3A_1510, %select_n3A_1512 : vector<16xf32>
    %gt3A_1514 = arith.cmpf ogt, %get3A_1413, %get3A_1408 : vector<16xf32>
    %select_n3A_1515 = arith.select %gt3A_1514, %broadcast_in_dim3A_1432, %broadcast_in_dim3A_1430 : vector<16xi1>, vector<16xf32>
    %add3A_1516 = arith.addf %add3A_1513, %select_n3A_1515 : vector<16xf32>
    %gt3A_1517 = arith.cmpf ogt, %get3A_1418, %get3A_1408 : vector<16xf32>
    %select_n3A_1518 = arith.select %gt3A_1517, %broadcast_in_dim3A_1432, %broadcast_in_dim3A_1430 : vector<16xi1>, vector<16xf32>
    %add3A_1519 = arith.addf %add3A_1516, %select_n3A_1518 : vector<16xf32>
    %gt3A_1520 = arith.cmpf ogt, %get3A_1423, %get3A_1408 : vector<16xf32>
    %select_n3A_1521 = arith.select %gt3A_1520, %broadcast_in_dim3A_1432, %broadcast_in_dim3A_1430 : vector<16xi1>, vector<16xf32>
    %add3A_1522 = arith.addf %add3A_1519, %select_n3A_1521 : vector<16xf32>
    %gt3A_1523 = arith.cmpf ogt, %get3A_1428, %get3A_1408 : vector<16xf32>
    %select_n3A_1524 = arith.select %gt3A_1523, %broadcast_in_dim3A_1432, %broadcast_in_dim3A_1430 : vector<16xi1>, vector<16xf32>
    %add3A_1525 = arith.addf %add3A_1522, %select_n3A_1524 : vector<16xf32>
    %lt3A_1526 = arith.constant 4.000000e+00 : f32
    %lt3A_1527 = vector.broadcast %lt3A_1526 : f32 to vector<16xf32>
    %lt3A_1528 = arith.cmpf olt, %add3A_1525, %lt3A_1527 : vector<16xf32>
    %ge3A_1529 = arith.cmpf oge, %get3A_1393, %get3A_1413 : vector<16xf32>
    %select_n3A_1530 = arith.select %ge3A_1529, %broadcast_in_dim3A_1432, %broadcast_in_dim3A_1430 : vector<16xi1>, vector<16xf32>
    %add3A_1531 = arith.addf %broadcast_in_dim3A_1430, %select_n3A_1530 : vector<16xf32>
    %ge3A_1532 = arith.cmpf oge, %get3A_1398, %get3A_1413 : vector<16xf32>
    %select_n3A_1533 = arith.select %ge3A_1532, %broadcast_in_dim3A_1432, %broadcast_in_dim3A_1430 : vector<16xi1>, vector<16xf32>
    %add3A_1534 = arith.addf %add3A_1531, %select_n3A_1533 : vector<16xf32>
    %ge3A_1535 = arith.cmpf oge, %get3A_1403, %get3A_1413 : vector<16xf32>
    %select_n3A_1536 = arith.select %ge3A_1535, %broadcast_in_dim3A_1432, %broadcast_in_dim3A_1430 : vector<16xi1>, vector<16xf32>
    %add3A_1537 = arith.addf %add3A_1534, %select_n3A_1536 : vector<16xf32>
    %ge3A_1538 = arith.cmpf oge, %get3A_1408, %get3A_1413 : vector<16xf32>
    %select_n3A_1539 = arith.select %ge3A_1538, %broadcast_in_dim3A_1432, %broadcast_in_dim3A_1430 : vector<16xi1>, vector<16xf32>
    %add3A_1540 = arith.addf %add3A_1537, %select_n3A_1539 : vector<16xf32>
    %gt3A_1541 = arith.cmpf ogt, %get3A_1418, %get3A_1413 : vector<16xf32>
    %select_n3A_1542 = arith.select %gt3A_1541, %broadcast_in_dim3A_1432, %broadcast_in_dim3A_1430 : vector<16xi1>, vector<16xf32>
    %add3A_1543 = arith.addf %add3A_1540, %select_n3A_1542 : vector<16xf32>
    %gt3A_1544 = arith.cmpf ogt, %get3A_1423, %get3A_1413 : vector<16xf32>
    %select_n3A_1545 = arith.select %gt3A_1544, %broadcast_in_dim3A_1432, %broadcast_in_dim3A_1430 : vector<16xi1>, vector<16xf32>
    %add3A_1546 = arith.addf %add3A_1543, %select_n3A_1545 : vector<16xf32>
    %gt3A_1547 = arith.cmpf ogt, %get3A_1428, %get3A_1413 : vector<16xf32>
    %select_n3A_1548 = arith.select %gt3A_1547, %broadcast_in_dim3A_1432, %broadcast_in_dim3A_1430 : vector<16xi1>, vector<16xf32>
    %add3A_1549 = arith.addf %add3A_1546, %select_n3A_1548 : vector<16xf32>
    %lt3A_1550 = arith.constant 4.000000e+00 : f32
    %lt3A_1551 = vector.broadcast %lt3A_1550 : f32 to vector<16xf32>
    %lt3A_1552 = arith.cmpf olt, %add3A_1549, %lt3A_1551 : vector<16xf32>
    %ge3A_1553 = arith.cmpf oge, %get3A_1393, %get3A_1418 : vector<16xf32>
    %select_n3A_1554 = arith.select %ge3A_1553, %broadcast_in_dim3A_1432, %broadcast_in_dim3A_1430 : vector<16xi1>, vector<16xf32>
    %add3A_1555 = arith.addf %broadcast_in_dim3A_1430, %select_n3A_1554 : vector<16xf32>
    %ge3A_1556 = arith.cmpf oge, %get3A_1398, %get3A_1418 : vector<16xf32>
    %select_n3A_1557 = arith.select %ge3A_1556, %broadcast_in_dim3A_1432, %broadcast_in_dim3A_1430 : vector<16xi1>, vector<16xf32>
    %add3A_1558 = arith.addf %add3A_1555, %select_n3A_1557 : vector<16xf32>
    %ge3A_1559 = arith.cmpf oge, %get3A_1403, %get3A_1418 : vector<16xf32>
    %select_n3A_1560 = arith.select %ge3A_1559, %broadcast_in_dim3A_1432, %broadcast_in_dim3A_1430 : vector<16xi1>, vector<16xf32>
    %add3A_1561 = arith.addf %add3A_1558, %select_n3A_1560 : vector<16xf32>
    %ge3A_1562 = arith.cmpf oge, %get3A_1408, %get3A_1418 : vector<16xf32>
    %select_n3A_1563 = arith.select %ge3A_1562, %broadcast_in_dim3A_1432, %broadcast_in_dim3A_1430 : vector<16xi1>, vector<16xf32>
    %add3A_1564 = arith.addf %add3A_1561, %select_n3A_1563 : vector<16xf32>
    %ge3A_1565 = arith.cmpf oge, %get3A_1413, %get3A_1418 : vector<16xf32>
    %select_n3A_1566 = arith.select %ge3A_1565, %broadcast_in_dim3A_1432, %broadcast_in_dim3A_1430 : vector<16xi1>, vector<16xf32>
    %add3A_1567 = arith.addf %add3A_1564, %select_n3A_1566 : vector<16xf32>
    %gt3A_1568 = arith.cmpf ogt, %get3A_1423, %get3A_1418 : vector<16xf32>
    %select_n3A_1569 = arith.select %gt3A_1568, %broadcast_in_dim3A_1432, %broadcast_in_dim3A_1430 : vector<16xi1>, vector<16xf32>
    %add3A_1570 = arith.addf %add3A_1567, %select_n3A_1569 : vector<16xf32>
    %gt3A_1571 = arith.cmpf ogt, %get3A_1428, %get3A_1418 : vector<16xf32>
    %select_n3A_1572 = arith.select %gt3A_1571, %broadcast_in_dim3A_1432, %broadcast_in_dim3A_1430 : vector<16xi1>, vector<16xf32>
    %add3A_1573 = arith.addf %add3A_1570, %select_n3A_1572 : vector<16xf32>
    %lt3A_1574 = arith.constant 4.000000e+00 : f32
    %lt3A_1575 = vector.broadcast %lt3A_1574 : f32 to vector<16xf32>
    %lt3A_1576 = arith.cmpf olt, %add3A_1573, %lt3A_1575 : vector<16xf32>
    %ge3A_1577 = arith.cmpf oge, %get3A_1393, %get3A_1423 : vector<16xf32>
    %select_n3A_1578 = arith.select %ge3A_1577, %broadcast_in_dim3A_1432, %broadcast_in_dim3A_1430 : vector<16xi1>, vector<16xf32>
    %add3A_1579 = arith.addf %broadcast_in_dim3A_1430, %select_n3A_1578 : vector<16xf32>
    %ge3A_1580 = arith.cmpf oge, %get3A_1398, %get3A_1423 : vector<16xf32>
    %select_n3A_1581 = arith.select %ge3A_1580, %broadcast_in_dim3A_1432, %broadcast_in_dim3A_1430 : vector<16xi1>, vector<16xf32>
    %add3A_1582 = arith.addf %add3A_1579, %select_n3A_1581 : vector<16xf32>
    %ge3A_1583 = arith.cmpf oge, %get3A_1403, %get3A_1423 : vector<16xf32>
    %select_n3A_1584 = arith.select %ge3A_1583, %broadcast_in_dim3A_1432, %broadcast_in_dim3A_1430 : vector<16xi1>, vector<16xf32>
    %add3A_1585 = arith.addf %add3A_1582, %select_n3A_1584 : vector<16xf32>
    %ge3A_1586 = arith.cmpf oge, %get3A_1408, %get3A_1423 : vector<16xf32>
    %select_n3A_1587 = arith.select %ge3A_1586, %broadcast_in_dim3A_1432, %broadcast_in_dim3A_1430 : vector<16xi1>, vector<16xf32>
    %add3A_1588 = arith.addf %add3A_1585, %select_n3A_1587 : vector<16xf32>
    %ge3A_1589 = arith.cmpf oge, %get3A_1413, %get3A_1423 : vector<16xf32>
    %select_n3A_1590 = arith.select %ge3A_1589, %broadcast_in_dim3A_1432, %broadcast_in_dim3A_1430 : vector<16xi1>, vector<16xf32>
    %add3A_1591 = arith.addf %add3A_1588, %select_n3A_1590 : vector<16xf32>
    %ge3A_1592 = arith.cmpf oge, %get3A_1418, %get3A_1423 : vector<16xf32>
    %select_n3A_1593 = arith.select %ge3A_1592, %broadcast_in_dim3A_1432, %broadcast_in_dim3A_1430 : vector<16xi1>, vector<16xf32>
    %add3A_1594 = arith.addf %add3A_1591, %select_n3A_1593 : vector<16xf32>
    %gt3A_1595 = arith.cmpf ogt, %get3A_1428, %get3A_1423 : vector<16xf32>
    %select_n3A_1596 = arith.select %gt3A_1595, %broadcast_in_dim3A_1432, %broadcast_in_dim3A_1430 : vector<16xi1>, vector<16xf32>
    %add3A_1597 = arith.addf %add3A_1594, %select_n3A_1596 : vector<16xf32>
    %lt3A_1598 = arith.constant 4.000000e+00 : f32
    %lt3A_1599 = vector.broadcast %lt3A_1598 : f32 to vector<16xf32>
    %lt3A_1600 = arith.cmpf olt, %add3A_1597, %lt3A_1599 : vector<16xf32>
    %ge3A_1601 = arith.cmpf oge, %get3A_1393, %get3A_1428 : vector<16xf32>
    %select_n3A_1602 = arith.select %ge3A_1601, %broadcast_in_dim3A_1432, %broadcast_in_dim3A_1430 : vector<16xi1>, vector<16xf32>
    %add3A_1603 = arith.addf %broadcast_in_dim3A_1430, %select_n3A_1602 : vector<16xf32>
    %ge3A_1604 = arith.cmpf oge, %get3A_1398, %get3A_1428 : vector<16xf32>
    %select_n3A_1605 = arith.select %ge3A_1604, %broadcast_in_dim3A_1432, %broadcast_in_dim3A_1430 : vector<16xi1>, vector<16xf32>
    %add3A_1606 = arith.addf %add3A_1603, %select_n3A_1605 : vector<16xf32>
    %ge3A_1607 = arith.cmpf oge, %get3A_1403, %get3A_1428 : vector<16xf32>
    %select_n3A_1608 = arith.select %ge3A_1607, %broadcast_in_dim3A_1432, %broadcast_in_dim3A_1430 : vector<16xi1>, vector<16xf32>
    %add3A_1609 = arith.addf %add3A_1606, %select_n3A_1608 : vector<16xf32>
    %ge3A_1610 = arith.cmpf oge, %get3A_1408, %get3A_1428 : vector<16xf32>
    %select_n3A_1611 = arith.select %ge3A_1610, %broadcast_in_dim3A_1432, %broadcast_in_dim3A_1430 : vector<16xi1>, vector<16xf32>
    %add3A_1612 = arith.addf %add3A_1609, %select_n3A_1611 : vector<16xf32>
    %ge3A_1613 = arith.cmpf oge, %get3A_1413, %get3A_1428 : vector<16xf32>
    %select_n3A_1614 = arith.select %ge3A_1613, %broadcast_in_dim3A_1432, %broadcast_in_dim3A_1430 : vector<16xi1>, vector<16xf32>
    %add3A_1615 = arith.addf %add3A_1612, %select_n3A_1614 : vector<16xf32>
    %ge3A_1616 = arith.cmpf oge, %get3A_1418, %get3A_1428 : vector<16xf32>
    %select_n3A_1617 = arith.select %ge3A_1616, %broadcast_in_dim3A_1432, %broadcast_in_dim3A_1430 : vector<16xi1>, vector<16xf32>
    %add3A_1618 = arith.addf %add3A_1615, %select_n3A_1617 : vector<16xf32>
    %ge3A_1619 = arith.cmpf oge, %get3A_1423, %get3A_1428 : vector<16xf32>
    %select_n3A_1620 = arith.select %ge3A_1619, %broadcast_in_dim3A_1432, %broadcast_in_dim3A_1430 : vector<16xi1>, vector<16xf32>
    %add3A_1621 = arith.addf %add3A_1618, %select_n3A_1620 : vector<16xf32>
    %lt3A_1622 = arith.constant 4.000000e+00 : f32
    %lt3A_1623 = vector.broadcast %lt3A_1622 : f32 to vector<16xf32>
    %lt3A_1624 = arith.cmpf olt, %add3A_1621, %lt3A_1623 : vector<16xf32>
    %get3A_1625 = arith.constant 0 : i32
    %get3A_1626 = arith.index_cast %get3A_1625 : i32 to index
    %get3A_1627 = arith.index_cast %add3A_1388 : i32 to index
    %get3A_1628 = tpu.vector_load %arg5[%get3A_1626, %get3A_1627] {strides = array<i32>} : memref<16x2048xf32, #tpu.memory_space<vmem>>, vector<1x16xf32>,
    %get3A_1629 = vector.shape_cast %get3A_1628 : vector<1x16xf32> to vector<16xf32>
    %select_n3A_1630 = arith.select %lt3A_1456, %get3A_1629, %broadcast_in_dim3A_1430 : vector<16xi1>, vector<16xf32>
    %get3A_1631 = arith.constant 1 : i32
    %get3A_1632 = arith.index_cast %get3A_1631 : i32 to index
    %get3A_1633 = arith.index_cast %add3A_1388 : i32 to index
    %get3A_1634 = tpu.vector_load %arg5[%get3A_1632, %get3A_1633] {strides = array<i32>} : memref<16x2048xf32, #tpu.memory_space<vmem>>, vector<1x16xf32>,
    %get3A_1635 = vector.shape_cast %get3A_1634 : vector<1x16xf32> to vector<16xf32>
    %select_n3A_1636 = arith.select %lt3A_1456, %get3A_1635, %broadcast_in_dim3A_1430 : vector<16xi1>, vector<16xf32>
    %get3A_1637 = arith.constant 2 : i32
    %get3A_1638 = arith.index_cast %get3A_1637 : i32 to index
    %get3A_1639 = arith.index_cast %add3A_1388 : i32 to index
    %get3A_1640 = tpu.vector_load %arg5[%get3A_1638, %get3A_1639] {strides = array<i32>} : memref<16x2048xf32, #tpu.memory_space<vmem>>, vector<1x16xf32>,
    %get3A_1641 = vector.shape_cast %get3A_1640 : vector<1x16xf32> to vector<16xf32>
    %select_n3A_1642 = arith.select %lt3A_1480, %get3A_1641, %broadcast_in_dim3A_1430 : vector<16xi1>, vector<16xf32>
    %get3A_1643 = arith.constant 3 : i32
    %get3A_1644 = arith.index_cast %get3A_1643 : i32 to index
    %get3A_1645 = arith.index_cast %add3A_1388 : i32 to index
    %get3A_1646 = tpu.vector_load %arg5[%get3A_1644, %get3A_1645] {strides = array<i32>} : memref<16x2048xf32, #tpu.memory_space<vmem>>, vector<1x16xf32>,
    %get3A_1647 = vector.shape_cast %get3A_1646 : vector<1x16xf32> to vector<16xf32>
    %select_n3A_1648 = arith.select %lt3A_1480, %get3A_1647, %broadcast_in_dim3A_1430 : vector<16xi1>, vector<16xf32>
    %get3A_1649 = arith.constant 4 : i32
    %get3A_1650 = arith.index_cast %get3A_1649 : i32 to index
    %get3A_1651 = arith.index_cast %add3A_1388 : i32 to index
    %get3A_1652 = tpu.vector_load %arg5[%get3A_1650, %get3A_1651] {strides = array<i32>} : memref<16x2048xf32, #tpu.memory_space<vmem>>, vector<1x16xf32>,
    %get3A_1653 = vector.shape_cast %get3A_1652 : vector<1x16xf32> to vector<16xf32>
    %select_n3A_1654 = arith.select %lt3A_1504, %get3A_1653, %broadcast_in_dim3A_1430 : vector<16xi1>, vector<16xf32>
    %get3A_1655 = arith.constant 5 : i32
    %get3A_1656 = arith.index_cast %get3A_1655 : i32 to index
    %get3A_1657 = arith.index_cast %add3A_1388 : i32 to index
    %get3A_1658 = tpu.vector_load %arg5[%get3A_1656, %get3A_1657] {strides = array<i32>} : memref<16x2048xf32, #tpu.memory_space<vmem>>, vector<1x16xf32>,
    %get3A_1659 = vector.shape_cast %get3A_1658 : vector<1x16xf32> to vector<16xf32>
    %select_n3A_1660 = arith.select %lt3A_1504, %get3A_1659, %broadcast_in_dim3A_1430 : vector<16xi1>, vector<16xf32>
    %get3A_1661 = arith.constant 6 : i32
    %get3A_1662 = arith.index_cast %get3A_1661 : i32 to index
    %get3A_1663 = arith.index_cast %add3A_1388 : i32 to index
    %get3A_1664 = tpu.vector_load %arg5[%get3A_1662, %get3A_1663] {strides = array<i32>} : memref<16x2048xf32, #tpu.memory_space<vmem>>, vector<1x16xf32>,
    %get3A_1665 = vector.shape_cast %get3A_1664 : vector<1x16xf32> to vector<16xf32>
    %select_n3A_1666 = arith.select %lt3A_1528, %get3A_1665, %broadcast_in_dim3A_1430 : vector<16xi1>, vector<16xf32>
    %get3A_1667 = arith.constant 7 : i32
    %get3A_1668 = arith.index_cast %get3A_1667 : i32 to index
    %get3A_1669 = arith.index_cast %add3A_1388 : i32 to index
    %get3A_1670 = tpu.vector_load %arg5[%get3A_1668, %get3A_1669] {strides = array<i32>} : memref<16x2048xf32, #tpu.memory_space<vmem>>, vector<1x16xf32>,
    %get3A_1671 = vector.shape_cast %get3A_1670 : vector<1x16xf32> to vector<16xf32>
    %select_n3A_1672 = arith.select %lt3A_1528, %get3A_1671, %broadcast_in_dim3A_1430 : vector<16xi1>, vector<16xf32>
    %get3A_1673 = arith.constant 8 : i32
    %get3A_1674 = arith.index_cast %get3A_1673 : i32 to index
    %get3A_1675 = arith.index_cast %add3A_1388 : i32 to index
    %get3A_1676 = tpu.vector_load %arg5[%get3A_1674, %get3A_1675] {strides = array<i32>} : memref<16x2048xf32, #tpu.memory_space<vmem>>, vector<1x16xf32>,
    %get3A_1677 = vector.shape_cast %get3A_1676 : vector<1x16xf32> to vector<16xf32>
    %select_n3A_1678 = arith.select %lt3A_1552, %get3A_1677, %broadcast_in_dim3A_1430 : vector<16xi1>, vector<16xf32>
    %get3A_1679 = arith.constant 9 : i32
    %get3A_1680 = arith.index_cast %get3A_1679 : i32 to index
    %get3A_1681 = arith.index_cast %add3A_1388 : i32 to index
    %get3A_1682 = tpu.vector_load %arg5[%get3A_1680, %get3A_1681] {strides = array<i32>} : memref<16x2048xf32, #tpu.memory_space<vmem>>, vector<1x16xf32>,
    %get3A_1683 = vector.shape_cast %get3A_1682 : vector<1x16xf32> to vector<16xf32>
    %select_n3A_1684 = arith.select %lt3A_1552, %get3A_1683, %broadcast_in_dim3A_1430 : vector<16xi1>, vector<16xf32>
    %get3A_1685 = arith.constant 10 : i32
    %get3A_1686 = arith.index_cast %get3A_1685 : i32 to index
    %get3A_1687 = arith.index_cast %add3A_1388 : i32 to index
    %get3A_1688 = tpu.vector_load %arg5[%get3A_1686, %get3A_1687] {strides = array<i32>} : memref<16x2048xf32, #tpu.memory_space<vmem>>, vector<1x16xf32>,
    %get3A_1689 = vector.shape_cast %get3A_1688 : vector<1x16xf32> to vector<16xf32>
    %select_n3A_1690 = arith.select %lt3A_1576, %get3A_1689, %broadcast_in_dim3A_1430 : vector<16xi1>, vector<16xf32>
    %get3A_1691 = arith.constant 11 : i32
    %get3A_1692 = arith.index_cast %get3A_1691 : i32 to index
    %get3A_1693 = arith.index_cast %add3A_1388 : i32 to index
    %get3A_1694 = tpu.vector_load %arg5[%get3A_1692, %get3A_1693] {strides = array<i32>} : memref<16x2048xf32, #tpu.memory_space<vmem>>, vector<1x16xf32>,
    %get3A_1695 = vector.shape_cast %get3A_1694 : vector<1x16xf32> to vector<16xf32>
    %select_n3A_1696 = arith.select %lt3A_1576, %get3A_1695, %broadcast_in_dim3A_1430 : vector<16xi1>, vector<16xf32>
    %get3A_1697 = arith.constant 12 : i32
    %get3A_1698 = arith.index_cast %get3A_1697 : i32 to index
    %get3A_1699 = arith.index_cast %add3A_1388 : i32 to index
    %get3A_1700 = tpu.vector_load %arg5[%get3A_1698, %get3A_1699] {strides = array<i32>} : memref<16x2048xf32, #tpu.memory_space<vmem>>, vector<1x16xf32>,
    %get3A_1701 = vector.shape_cast %get3A_1700 : vector<1x16xf32> to vector<16xf32>
    %select_n3A_1702 = arith.select %lt3A_1600, %get3A_1701, %broadcast_in_dim3A_1430 : vector<16xi1>, vector<16xf32>
    %get3A_1703 = arith.constant 13 : i32
    %get3A_1704 = arith.index_cast %get3A_1703 : i32 to index
    %get3A_1705 = arith.index_cast %add3A_1388 : i32 to index
    %get3A_1706 = tpu.vector_load %arg5[%get3A_1704, %get3A_1705] {strides = array<i32>} : memref<16x2048xf32, #tpu.memory_space<vmem>>, vector<1x16xf32>,
    %get3A_1707 = vector.shape_cast %get3A_1706 : vector<1x16xf32> to vector<16xf32>
    %select_n3A_1708 = arith.select %lt3A_1600, %get3A_1707, %broadcast_in_dim3A_1430 : vector<16xi1>, vector<16xf32>
    %get3A_1709 = arith.constant 14 : i32
    %get3A_1710 = arith.index_cast %get3A_1709 : i32 to index
    %get3A_1711 = arith.index_cast %add3A_1388 : i32 to index
    %get3A_1712 = tpu.vector_load %arg5[%get3A_1710, %get3A_1711] {strides = array<i32>} : memref<16x2048xf32, #tpu.memory_space<vmem>>, vector<1x16xf32>,
    %get3A_1713 = vector.shape_cast %get3A_1712 : vector<1x16xf32> to vector<16xf32>
    %select_n3A_1714 = arith.select %lt3A_1624, %get3A_1713, %broadcast_in_dim3A_1430 : vector<16xi1>, vector<16xf32>
    %get3A_1715 = arith.constant 15 : i32
    %get3A_1716 = arith.index_cast %get3A_1715 : i32 to index
    %get3A_1717 = arith.index_cast %add3A_1388 : i32 to index
    %get3A_1718 = tpu.vector_load %arg5[%get3A_1716, %get3A_1717] {strides = array<i32>} : memref<16x2048xf32, #tpu.memory_space<vmem>>, vector<1x16xf32>,
    %get3A_1719 = vector.shape_cast %get3A_1718 : vector<1x16xf32> to vector<16xf32>
    %select_n3A_1720 = arith.select %lt3A_1624, %get3A_1719, %broadcast_in_dim3A_1430 : vector<16xi1>, vector<16xf32>
    %add3A_1721 = arith.addf %select_n3A_1630, %select_n3A_1636 : vector<16xf32>
    %add3A_1722 = arith.addf %add3A_1721, %select_n3A_1642 : vector<16xf32>
    %add3A_1723 = arith.addf %add3A_1722, %select_n3A_1648 : vector<16xf32>
    %add3A_1724 = arith.addf %add3A_1723, %select_n3A_1654 : vector<16xf32>
    %add3A_1725 = arith.addf %add3A_1724, %select_n3A_1660 : vector<16xf32>
    %add3A_1726 = arith.addf %add3A_1725, %select_n3A_1666 : vector<16xf32>
    %add3A_1727 = arith.addf %add3A_1726, %select_n3A_1672 : vector<16xf32>
    %add3A_1728 = arith.addf %add3A_1727, %select_n3A_1678 : vector<16xf32>
    %add3A_1729 = arith.addf %add3A_1728, %select_n3A_1684 : vector<16xf32>
    %add3A_1730 = arith.addf %add3A_1729, %select_n3A_1690 : vector<16xf32>
    %add3A_1731 = arith.addf %add3A_1730, %select_n3A_1696 : vector<16xf32>
    %add3A_1732 = arith.addf %add3A_1731, %select_n3A_1702 : vector<16xf32>
    %add3A_1733 = arith.addf %add3A_1732, %select_n3A_1708 : vector<16xf32>
    %add3A_1734 = arith.addf %add3A_1733, %select_n3A_1714 : vector<16xf32>
    %add3A_1735 = arith.addf %add3A_1734, %select_n3A_1720 : vector<16xf32>
    %div3A_1736 = arith.constant 2.500000e+00 : f32
    %div3A_1737 = vector.broadcast %div3A_1736 : f32 to vector<16xf32>
    %div3A_1738 = arith.divf %div3A_1737, %add3A_1735 : vector<16xf32>
    %mul3A_1739 = arith.mulf %select_n3A_1630, %div3A_1738 : vector<16xf32>
    %swap3A_1740 = arith.constant 0 : i32
    %swap3A_1741 = arith.index_cast %swap3A_1740 : i32 to index
    %swap3A_1742 = arith.constant 48 : index
    %swap3A_1743 = tpu.vector_load %arg7[%swap3A_1741, %swap3A_1742] {strides = array<i32>} : memref<16x64xf32, #tpu.memory_space<vmem>>, vector<1x16xf32>,
    %swap3A_1744 = vector.shape_cast %swap3A_1743 : vector<1x16xf32> to vector<16xf32>
    %swap3A_1745 = vector.shape_cast %mul3A_1739 : vector<16xf32> to vector<1x16xf32>
    tpu.vector_store %arg7[%swap3A_1741, %swap3A_1742], %swap3A_1745 {strides = array<i32>} : memref<16x64xf32, #tpu.memory_space<vmem>>, vector<1x16xf32>,
    %mul3A_1746 = arith.mulf %select_n3A_1636, %div3A_1738 : vector<16xf32>
    %swap3A_1747 = arith.constant 1 : i32
    %swap3A_1748 = arith.index_cast %swap3A_1747 : i32 to index
    %swap3A_1749 = arith.constant 48 : index
    %swap3A_1750 = tpu.vector_load %arg7[%swap3A_1748, %swap3A_1749] {strides = array<i32>} : memref<16x64xf32, #tpu.memory_space<vmem>>, vector<1x16xf32>,
    %swap3A_1751 = vector.shape_cast %swap3A_1750 : vector<1x16xf32> to vector<16xf32>
    %swap3A_1752 = vector.shape_cast %mul3A_1746 : vector<16xf32> to vector<1x16xf32>
    tpu.vector_store %arg7[%swap3A_1748, %swap3A_1749], %swap3A_1752 {strides = array<i32>} : memref<16x64xf32, #tpu.memory_space<vmem>>, vector<1x16xf32>,
    %mul3A_1753 = arith.mulf %select_n3A_1642, %div3A_1738 : vector<16xf32>
    %swap3A_1754 = arith.constant 2 : i32
    %swap3A_1755 = arith.index_cast %swap3A_1754 : i32 to index
    %swap3A_1756 = arith.constant 48 : index
    %swap3A_1757 = tpu.vector_load %arg7[%swap3A_1755, %swap3A_1756] {strides = array<i32>} : memref<16x64xf32, #tpu.memory_space<vmem>>, vector<1x16xf32>,
    %swap3A_1758 = vector.shape_cast %swap3A_1757 : vector<1x16xf32> to vector<16xf32>
    %swap3A_1759 = vector.shape_cast %mul3A_1753 : vector<16xf32> to vector<1x16xf32>
    tpu.vector_store %arg7[%swap3A_1755, %swap3A_1756], %swap3A_1759 {strides = array<i32>} : memref<16x64xf32, #tpu.memory_space<vmem>>, vector<1x16xf32>,
    %mul3A_1760 = arith.mulf %select_n3A_1648, %div3A_1738 : vector<16xf32>
    %swap3A_1761 = arith.constant 3 : i32
    %swap3A_1762 = arith.index_cast %swap3A_1761 : i32 to index
    %swap3A_1763 = arith.constant 48 : index
    %swap3A_1764 = tpu.vector_load %arg7[%swap3A_1762, %swap3A_1763] {strides = array<i32>} : memref<16x64xf32, #tpu.memory_space<vmem>>, vector<1x16xf32>,
    %swap3A_1765 = vector.shape_cast %swap3A_1764 : vector<1x16xf32> to vector<16xf32>
    %swap3A_1766 = vector.shape_cast %mul3A_1760 : vector<16xf32> to vector<1x16xf32>
    tpu.vector_store %arg7[%swap3A_1762, %swap3A_1763], %swap3A_1766 {strides = array<i32>} : memref<16x64xf32, #tpu.memory_space<vmem>>, vector<1x16xf32>,
    %mul3A_1767 = arith.mulf %select_n3A_1654, %div3A_1738 : vector<16xf32>
    %swap3A_1768 = arith.constant 4 : i32
    %swap3A_1769 = arith.index_cast %swap3A_1768 : i32 to index
    %swap3A_1770 = arith.constant 48 : index
    %swap3A_1771 = tpu.vector_load %arg7[%swap3A_1769, %swap3A_1770] {strides = array<i32>} : memref<16x64xf32, #tpu.memory_space<vmem>>, vector<1x16xf32>,
    %swap3A_1772 = vector.shape_cast %swap3A_1771 : vector<1x16xf32> to vector<16xf32>
    %swap3A_1773 = vector.shape_cast %mul3A_1767 : vector<16xf32> to vector<1x16xf32>
    tpu.vector_store %arg7[%swap3A_1769, %swap3A_1770], %swap3A_1773 {strides = array<i32>} : memref<16x64xf32, #tpu.memory_space<vmem>>, vector<1x16xf32>,
    %mul3A_1774 = arith.mulf %select_n3A_1660, %div3A_1738 : vector<16xf32>
    %swap3A_1775 = arith.constant 5 : i32
    %swap3A_1776 = arith.index_cast %swap3A_1775 : i32 to index
    %swap3A_1777 = arith.constant 48 : index
    %swap3A_1778 = tpu.vector_load %arg7[%swap3A_1776, %swap3A_1777] {strides = array<i32>} : memref<16x64xf32, #tpu.memory_space<vmem>>, vector<1x16xf32>,
    %swap3A_1779 = vector.shape_cast %swap3A_1778 : vector<1x16xf32> to vector<16xf32>
    %swap3A_1780 = vector.shape_cast %mul3A_1774 : vector<16xf32> to vector<1x16xf32>
    tpu.vector_store %arg7[%swap3A_1776, %swap3A_1777], %swap3A_1780 {strides = array<i32>} : memref<16x64xf32, #tpu.memory_space<vmem>>, vector<1x16xf32>,
    %mul3A_1781 = arith.mulf %select_n3A_1666, %div3A_1738 : vector<16xf32>
    %swap3A_1782 = arith.constant 6 : i32
    %swap3A_1783 = arith.index_cast %swap3A_1782 : i32 to index
    %swap3A_1784 = arith.constant 48 : index
    %swap3A_1785 = tpu.vector_load %arg7[%swap3A_1783, %swap3A_1784] {strides = array<i32>} : memref<16x64xf32, #tpu.memory_space<vmem>>, vector<1x16xf32>,
    %swap3A_1786 = vector.shape_cast %swap3A_1785 : vector<1x16xf32> to vector<16xf32>
    %swap3A_1787 = vector.shape_cast %mul3A_1781 : vector<16xf32> to vector<1x16xf32>
    tpu.vector_store %arg7[%swap3A_1783, %swap3A_1784], %swap3A_1787 {strides = array<i32>} : memref<16x64xf32, #tpu.memory_space<vmem>>, vector<1x16xf32>,
    %mul3A_1788 = arith.mulf %select_n3A_1672, %div3A_1738 : vector<16xf32>
    %swap3A_1789 = arith.constant 7 : i32
    %swap3A_1790 = arith.index_cast %swap3A_1789 : i32 to index
    %swap3A_1791 = arith.constant 48 : index
    %swap3A_1792 = tpu.vector_load %arg7[%swap3A_1790, %swap3A_1791] {strides = array<i32>} : memref<16x64xf32, #tpu.memory_space<vmem>>, vector<1x16xf32>,
    %swap3A_1793 = vector.shape_cast %swap3A_1792 : vector<1x16xf32> to vector<16xf32>
    %swap3A_1794 = vector.shape_cast %mul3A_1788 : vector<16xf32> to vector<1x16xf32>
    tpu.vector_store %arg7[%swap3A_1790, %swap3A_1791], %swap3A_1794 {strides = array<i32>} : memref<16x64xf32, #tpu.memory_space<vmem>>, vector<1x16xf32>,
    %mul3A_1795 = arith.mulf %select_n3A_1678, %div3A_1738 : vector<16xf32>
    %swap3A_1796 = arith.constant 8 : i32
    %swap3A_1797 = arith.index_cast %swap3A_1796 : i32 to index
    %swap3A_1798 = arith.constant 48 : index
    %swap3A_1799 = tpu.vector_load %arg7[%swap3A_1797, %swap3A_1798] {strides = array<i32>} : memref<16x64xf32, #tpu.memory_space<vmem>>, vector<1x16xf32>,
    %swap3A_1800 = vector.shape_cast %swap3A_1799 : vector<1x16xf32> to vector<16xf32>
    %swap3A_1801 = vector.shape_cast %mul3A_1795 : vector<16xf32> to vector<1x16xf32>
    tpu.vector_store %arg7[%swap3A_1797, %swap3A_1798], %swap3A_1801 {strides = array<i32>} : memref<16x64xf32, #tpu.memory_space<vmem>>, vector<1x16xf32>,
    %mul3A_1802 = arith.mulf %select_n3A_1684, %div3A_1738 : vector<16xf32>
    %swap3A_1803 = arith.constant 9 : i32
    %swap3A_1804 = arith.index_cast %swap3A_1803 : i32 to index
    %swap3A_1805 = arith.constant 48 : index
    %swap3A_1806 = tpu.vector_load %arg7[%swap3A_1804, %swap3A_1805] {strides = array<i32>} : memref<16x64xf32, #tpu.memory_space<vmem>>, vector<1x16xf32>,
    %swap3A_1807 = vector.shape_cast %swap3A_1806 : vector<1x16xf32> to vector<16xf32>
    %swap3A_1808 = vector.shape_cast %mul3A_1802 : vector<16xf32> to vector<1x16xf32>
    tpu.vector_store %arg7[%swap3A_1804, %swap3A_1805], %swap3A_1808 {strides = array<i32>} : memref<16x64xf32, #tpu.memory_space<vmem>>, vector<1x16xf32>,
    %mul3A_1809 = arith.mulf %select_n3A_1690, %div3A_1738 : vector<16xf32>
    %swap3A_1810 = arith.constant 10 : i32
    %swap3A_1811 = arith.index_cast %swap3A_1810 : i32 to index
    %swap3A_1812 = arith.constant 48 : index
    %swap3A_1813 = tpu.vector_load %arg7[%swap3A_1811, %swap3A_1812] {strides = array<i32>} : memref<16x64xf32, #tpu.memory_space<vmem>>, vector<1x16xf32>,
    %swap3A_1814 = vector.shape_cast %swap3A_1813 : vector<1x16xf32> to vector<16xf32>
    %swap3A_1815 = vector.shape_cast %mul3A_1809 : vector<16xf32> to vector<1x16xf32>
    tpu.vector_store %arg7[%swap3A_1811, %swap3A_1812], %swap3A_1815 {strides = array<i32>} : memref<16x64xf32, #tpu.memory_space<vmem>>, vector<1x16xf32>,
    %mul3A_1816 = arith.mulf %select_n3A_1696, %div3A_1738 : vector<16xf32>
    %swap3A_1817 = arith.constant 11 : i32
    %swap3A_1818 = arith.index_cast %swap3A_1817 : i32 to index
    %swap3A_1819 = arith.constant 48 : index
    %swap3A_1820 = tpu.vector_load %arg7[%swap3A_1818, %swap3A_1819] {strides = array<i32>} : memref<16x64xf32, #tpu.memory_space<vmem>>, vector<1x16xf32>,
    %swap3A_1821 = vector.shape_cast %swap3A_1820 : vector<1x16xf32> to vector<16xf32>
    %swap3A_1822 = vector.shape_cast %mul3A_1816 : vector<16xf32> to vector<1x16xf32>
    tpu.vector_store %arg7[%swap3A_1818, %swap3A_1819], %swap3A_1822 {strides = array<i32>} : memref<16x64xf32, #tpu.memory_space<vmem>>, vector<1x16xf32>,
    %mul3A_1823 = arith.mulf %select_n3A_1702, %div3A_1738 : vector<16xf32>
    %swap3A_1824 = arith.constant 12 : i32
    %swap3A_1825 = arith.index_cast %swap3A_1824 : i32 to index
    %swap3A_1826 = arith.constant 48 : index
    %swap3A_1827 = tpu.vector_load %arg7[%swap3A_1825, %swap3A_1826] {strides = array<i32>} : memref<16x64xf32, #tpu.memory_space<vmem>>, vector<1x16xf32>,
    %swap3A_1828 = vector.shape_cast %swap3A_1827 : vector<1x16xf32> to vector<16xf32>
    %swap3A_1829 = vector.shape_cast %mul3A_1823 : vector<16xf32> to vector<1x16xf32>
    tpu.vector_store %arg7[%swap3A_1825, %swap3A_1826], %swap3A_1829 {strides = array<i32>} : memref<16x64xf32, #tpu.memory_space<vmem>>, vector<1x16xf32>,
    %mul3A_1830 = arith.mulf %select_n3A_1708, %div3A_1738 : vector<16xf32>
    %swap3A_1831 = arith.constant 13 : i32
    %swap3A_1832 = arith.index_cast %swap3A_1831 : i32 to index
    %swap3A_1833 = arith.constant 48 : index
    %swap3A_1834 = tpu.vector_load %arg7[%swap3A_1832, %swap3A_1833] {strides = array<i32>} : memref<16x64xf32, #tpu.memory_space<vmem>>, vector<1x16xf32>,
    %swap3A_1835 = vector.shape_cast %swap3A_1834 : vector<1x16xf32> to vector<16xf32>
    %swap3A_1836 = vector.shape_cast %mul3A_1830 : vector<16xf32> to vector<1x16xf32>
    tpu.vector_store %arg7[%swap3A_1832, %swap3A_1833], %swap3A_1836 {strides = array<i32>} : memref<16x64xf32, #tpu.memory_space<vmem>>, vector<1x16xf32>,
    %mul3A_1837 = arith.mulf %select_n3A_1714, %div3A_1738 : vector<16xf32>
    %swap3A_1838 = arith.constant 14 : i32
    %swap3A_1839 = arith.index_cast %swap3A_1838 : i32 to index
    %swap3A_1840 = arith.constant 48 : index
    %swap3A_1841 = tpu.vector_load %arg7[%swap3A_1839, %swap3A_1840] {strides = array<i32>} : memref<16x64xf32, #tpu.memory_space<vmem>>, vector<1x16xf32>,
    %swap3A_1842 = vector.shape_cast %swap3A_1841 : vector<1x16xf32> to vector<16xf32>
    %swap3A_1843 = vector.shape_cast %mul3A_1837 : vector<16xf32> to vector<1x16xf32>
    tpu.vector_store %arg7[%swap3A_1839, %swap3A_1840], %swap3A_1843 {strides = array<i32>} : memref<16x64xf32, #tpu.memory_space<vmem>>, vector<1x16xf32>,
    %mul3A_1844 = arith.mulf %select_n3A_1720, %div3A_1738 : vector<16xf32>
    %swap3A_1845 = arith.constant 15 : i32
    %swap3A_1846 = arith.index_cast %swap3A_1845 : i32 to index
    %swap3A_1847 = arith.constant 48 : index
    %swap3A_1848 = tpu.vector_load %arg7[%swap3A_1846, %swap3A_1847] {strides = array<i32>} : memref<16x64xf32, #tpu.memory_space<vmem>>, vector<1x16xf32>,
    %swap3A_1849 = vector.shape_cast %swap3A_1848 : vector<1x16xf32> to vector<16xf32>
    %swap3A_1850 = vector.shape_cast %mul3A_1844 : vector<16xf32> to vector<1x16xf32>
    tpu.vector_store %arg7[%swap3A_1846, %swap3A_1847], %swap3A_1850 {strides = array<i32>} : memref<16x64xf32, #tpu.memory_space<vmem>>, vector<1x16xf32>,
    "tpu.region"() ({
      %run_scoped3A = tpu.sem_alloc : memref<!tpu.dma_semaphore, #tpu.memory_space<semaphore_mem>>
      %dma_start3A = arith.constant 0 : i32
      %dma_start3A_1851 = arith.constant 0 : i32
      %dma_start3A_1852 = tpu.memref_slice %arg4[%add3A, %dma_start3A, %dma_start3A_1851] : memref<32x16x64xf32, #tpu.memory_space<hbm>> -> memref<1x16x64xf32, #tpu.memory_space<hbm>>
      %dma_start3A_1853 = tpu.memref_squeeze %dma_start3A_1852 : memref<1x16x64xf32, #tpu.memory_space<hbm>> -> memref<16x64xf32, #tpu.memory_space<hbm>>
      %dma_start3A_1854 = arith.constant 0 : i32
      %dma_start3A_1855 = arith.constant 0 : i32
      %dma_start3A_1856 = tpu.memref_slice %arg4[%add3A, %dma_start3A_1854, %dma_start3A_1855] : memref<32x16x64xf32, #tpu.memory_space<hbm>> -> memref<1x16x64xf32, #tpu.memory_space<hbm>>
      %dma_start3A_1857 = tpu.memref_squeeze %dma_start3A_1856 : memref<1x16x64xf32, #tpu.memory_space<hbm>> -> memref<16x64xf32, #tpu.memory_space<hbm>>
      tpu.enqueue_dma source(%arg7 : memref<16x64xf32, #tpu.memory_space<vmem>>) target(%dma_start3A_1857 : memref<16x64xf32, #tpu.memory_space<hbm>>) target_semaphore(%run_scoped3A : memref<!tpu.dma_semaphore, #tpu.memory_space<semaphore_mem>>)
      %dma_wait3A = arith.constant 0 : i32
      %dma_wait3A_1858 = arith.constant 0 : i32
      %dma_wait3A_1859 = tpu.memref_slice %arg4[%add3A, %dma_wait3A, %dma_wait3A_1858] : memref<32x16x64xf32, #tpu.memory_space<hbm>> -> memref<1x16x64xf32, #tpu.memory_space<hbm>>
      %dma_wait3A_1860 = tpu.memref_squeeze %dma_wait3A_1859 : memref<1x16x64xf32, #tpu.memory_space<hbm>> -> memref<16x64xf32, #tpu.memory_space<hbm>>
      %dma_wait3A_1861 = arith.constant 0 : i32
      %dma_wait3A_1862 = arith.constant 0 : i32
      %dma_wait3A_1863 = tpu.memref_slice %arg4[%add3A, %dma_wait3A_1861, %dma_wait3A_1862] : memref<32x16x64xf32, #tpu.memory_space<hbm>> -> memref<1x16x64xf32, #tpu.memory_space<hbm>>
      %dma_wait3A_1864 = tpu.memref_squeeze %dma_wait3A_1863 : memref<1x16x64xf32, #tpu.memory_space<hbm>> -> memref<16x64xf32, #tpu.memory_space<hbm>>
      tpu.wait_dma2 semaphore(%run_scoped3A : memref<!tpu.dma_semaphore, #tpu.memory_space<semaphore_mem>>) src(%arg7 : memref<16x64xf32, #tpu.memory_space<vmem>>) dst(%dma_wait3A_1864 : memref<16x64xf32, #tpu.memory_space<hbm>>)
      tpu.yield
    }) : () -> ()
    return
  }
}

module attributes {stable_mosaic.version = 14 : i64} {
  func.func @_moe_kernel(%arg0: i32, %arg1: memref<512x768xf32, #tpu.memory_space<vmem>>, %arg2: memref<512x16xf32, #tpu.memory_space<vmem>>, %arg3: memref<16x256x768xf32, #tpu.memory_space<vmem>>, %arg4: memref<16x768x256xf32, #tpu.memory_space<vmem>>, %arg5: memref<16x256x768xf32, #tpu.memory_space<vmem>>, %arg6: memref<256x768xf32, #tpu.memory_space<vmem>>, %arg7: memref<768x256xf32, #tpu.memory_space<vmem>>, %arg8: memref<256x768xf32, #tpu.memory_space<vmem>>, %arg9: memref<512x768xf32, #tpu.memory_space<vmem>>) attributes {dimension_semantics = [#tpu.dimension_semantics<parallel>], iteration_bounds = array<i64: 4>, scalar_prefetch = 0 : i64, scratch_operands = 0 : i64, tpu.core_type = #tpu.core_type<tc>, window_params = [{transform_indices = @transform_0, window_bounds = array<i64: 512, 768>}, {transform_indices = @transform_1, window_bounds = array<i64: 512, 16>}, {pipeline_mode = #tpu.pipeline_mode<synchronous>, transform_indices = @transform_2, window_bounds = array<i64: 16, 256, 768>}, {pipeline_mode = #tpu.pipeline_mode<synchronous>, transform_indices = @transform_3, window_bounds = array<i64: 16, 768, 256>}, {pipeline_mode = #tpu.pipeline_mode<synchronous>, transform_indices = @transform_4, window_bounds = array<i64: 16, 256, 768>}, {pipeline_mode = #tpu.pipeline_mode<synchronous>, transform_indices = @transform_5, window_bounds = array<i64: 256, 768>}, {pipeline_mode = #tpu.pipeline_mode<synchronous>, transform_indices = @transform_6, window_bounds = array<i64: 768, 256>}, {pipeline_mode = #tpu.pipeline_mode<synchronous>, transform_indices = @transform_7, window_bounds = array<i64: 256, 768>}, {transform_indices = @transform_8, window_bounds = array<i64: 512, 768>}]} {
    %get3A = arith.constant 0 : index
    %get3A_0 = arith.constant 0 : index
    %get3A_1 = vector.load %arg1[%get3A, %get3A_0] : memref<512x768xf32, #tpu.memory_space<vmem>>, vector<512x768xf32>
    %get3A_2 = arith.constant 0 : index
    %get3A_3 = arith.constant 0 : index
    %get3A_4 = vector.load %arg2[%get3A_2, %get3A_3] : memref<512x16xf32, #tpu.memory_space<vmem>>, vector<512x16xf32>
    %get3A_5 = arith.constant 0 : index
    %get3A_6 = arith.constant 0 : index
    %get3A_7 = vector.load %arg6[%get3A_5, %get3A_6] : memref<256x768xf32, #tpu.memory_space<vmem>>, vector<256x768xf32>
    %dot_general3A = arith.constant dense<0.000000e+00> : vector<512x256xf32>
    %dot_general3A_8 = tpu.matmul %get3A_1, %get3A_7, %dot_general3A {dimension_numbers = #tpu.dot_dimension_numbers<[1], [1], [0], [0], [0, 0, 1, 0], [], []>, transpose_lhs_hint = false} : vector<512x768xf32>, vector<256x768xf32>, vector<512x256xf32> -> vector<512x256xf32>
    %logistic3A = arith.negf %dot_general3A_8 : vector<512x256xf32>
    %logistic3A_9 = math.exp %logistic3A : vector<512x256xf32>
    %logistic3A_10 = arith.constant 1.000000e+00 : f32
    %logistic3A_11 = vector.broadcast %logistic3A_10 : f32 to vector<512x256xf32>
    %logistic3A_12 = arith.addf %logistic3A_11, %logistic3A_9 : vector<512x256xf32>
    %logistic3A_13 = arith.divf %logistic3A_11, %logistic3A_12 : vector<512x256xf32>
    %mul3A = arith.mulf %dot_general3A_8, %logistic3A_13 : vector<512x256xf32>
    %get3A_14 = arith.constant 0 : index
    %get3A_15 = arith.constant 0 : index
    %get3A_16 = vector.load %arg8[%get3A_14, %get3A_15] : memref<256x768xf32, #tpu.memory_space<vmem>>, vector<256x768xf32>
    %dot_general3A_17 = arith.constant dense<0.000000e+00> : vector<512x256xf32>
    %dot_general3A_18 = tpu.matmul %get3A_1, %get3A_16, %dot_general3A_17 {dimension_numbers = #tpu.dot_dimension_numbers<[1], [1], [0], [0], [0, 0, 1, 0], [], []>, transpose_lhs_hint = false} : vector<512x768xf32>, vector<256x768xf32>, vector<512x256xf32> -> vector<512x256xf32>
    %mul3A_19 = arith.mulf %mul3A, %dot_general3A_18 : vector<512x256xf32>
    %get3A_20 = arith.constant 0 : index
    %get3A_21 = arith.constant 0 : index
    %get3A_22 = vector.load %arg7[%get3A_20, %get3A_21] : memref<768x256xf32, #tpu.memory_space<vmem>>, vector<768x256xf32>
    %dot_general3A_23 = arith.constant dense<0.000000e+00> : vector<512x768xf32>
    %dot_general3A_24 = tpu.matmul %mul3A_19, %get3A_22, %dot_general3A_23 {dimension_numbers = #tpu.dot_dimension_numbers<[1], [1], [0], [0], [0, 0, 1, 0], [], []>, transpose_lhs_hint = false} : vector<512x256xf32>, vector<768x256xf32>, vector<512x768xf32> -> vector<512x768xf32>
    %get3A_25 = arith.constant 0 : index
    %get3A_26 = arith.constant 0 : index
    %get3A_27 = arith.constant 0 : index
    %get3A_28 = vector.load %arg3[%get3A_25, %get3A_26, %get3A_27] : memref<16x256x768xf32, #tpu.memory_space<vmem>>, vector<1x256x768xf32>
    %get3A_29 = vector.shape_cast %get3A_28 : vector<1x256x768xf32> to vector<256x768xf32>
    %dot_general3A_30 = arith.constant dense<0.000000e+00> : vector<512x256xf32>
    %dot_general3A_31 = tpu.matmul %get3A_1, %get3A_29, %dot_general3A_30 {dimension_numbers = #tpu.dot_dimension_numbers<[1], [1], [0], [0], [0, 0, 1, 0], [], []>, transpose_lhs_hint = false} : vector<512x768xf32>, vector<256x768xf32>, vector<512x256xf32> -> vector<512x256xf32>
    %get3A_32 = arith.constant 0 : index
    %get3A_33 = arith.constant 0 : index
    %get3A_34 = arith.constant 0 : index
    %get3A_35 = vector.load %arg5[%get3A_32, %get3A_33, %get3A_34] : memref<16x256x768xf32, #tpu.memory_space<vmem>>, vector<1x256x768xf32>
    %get3A_36 = vector.shape_cast %get3A_35 : vector<1x256x768xf32> to vector<256x768xf32>
    %dot_general3A_37 = arith.constant dense<0.000000e+00> : vector<512x256xf32>
    %dot_general3A_38 = tpu.matmul %get3A_1, %get3A_36, %dot_general3A_37 {dimension_numbers = #tpu.dot_dimension_numbers<[1], [1], [0], [0], [0, 0, 1, 0], [], []>, transpose_lhs_hint = false} : vector<512x768xf32>, vector<256x768xf32>, vector<512x256xf32> -> vector<512x256xf32>
    %logistic3A_39 = arith.negf %dot_general3A_31 : vector<512x256xf32>
    %logistic3A_40 = math.exp %logistic3A_39 : vector<512x256xf32>
    %logistic3A_41 = arith.constant 1.000000e+00 : f32
    %logistic3A_42 = vector.broadcast %logistic3A_41 : f32 to vector<512x256xf32>
    %logistic3A_43 = arith.addf %logistic3A_42, %logistic3A_40 : vector<512x256xf32>
    %logistic3A_44 = arith.divf %logistic3A_42, %logistic3A_43 : vector<512x256xf32>
    %mul3A_45 = arith.mulf %dot_general3A_31, %logistic3A_44 : vector<512x256xf32>
    %mul3A_46 = arith.mulf %mul3A_45, %dot_general3A_38 : vector<512x256xf32>
    %slice3A = vector.extract_strided_slice %get3A_4 {offsets = [0, 0], sizes = [512, 1], strides = [1, 1]} : vector<512x16xf32> to vector<512x1xf32>
    %mul3A_47 = vector.broadcast %slice3A : vector<512x1xf32> to vector<512x256xf32>
    %mul3A_48 = arith.mulf %mul3A_46, %mul3A_47 : vector<512x256xf32>
    %get3A_49 = arith.constant 0 : index
    %get3A_50 = arith.constant 0 : index
    %get3A_51 = arith.constant 0 : index
    %get3A_52 = vector.load %arg4[%get3A_49, %get3A_50, %get3A_51] : memref<16x768x256xf32, #tpu.memory_space<vmem>>, vector<1x768x256xf32>
    %get3A_53 = vector.shape_cast %get3A_52 : vector<1x768x256xf32> to vector<768x256xf32>
    %dot_general3A_54 = arith.constant dense<0.000000e+00> : vector<512x768xf32>
    %dot_general3A_55 = tpu.matmul %mul3A_48, %get3A_53, %dot_general3A_54 {dimension_numbers = #tpu.dot_dimension_numbers<[1], [1], [0], [0], [0, 0, 1, 0], [], []>, transpose_lhs_hint = false} : vector<512x256xf32>, vector<768x256xf32>, vector<512x768xf32> -> vector<512x768xf32>
    %add3A = arith.addf %dot_general3A_24, %dot_general3A_55 : vector<512x768xf32>
    %get3A_56 = arith.constant 1 : index
    %get3A_57 = arith.constant 0 : index
    %get3A_58 = arith.constant 0 : index
    %get3A_59 = vector.load %arg3[%get3A_56, %get3A_57, %get3A_58] : memref<16x256x768xf32, #tpu.memory_space<vmem>>, vector<1x256x768xf32>
    %get3A_60 = vector.shape_cast %get3A_59 : vector<1x256x768xf32> to vector<256x768xf32>
    %dot_general3A_61 = arith.constant dense<0.000000e+00> : vector<512x256xf32>
    %dot_general3A_62 = tpu.matmul %get3A_1, %get3A_60, %dot_general3A_61 {dimension_numbers = #tpu.dot_dimension_numbers<[1], [1], [0], [0], [0, 0, 1, 0], [], []>, transpose_lhs_hint = false} : vector<512x768xf32>, vector<256x768xf32>, vector<512x256xf32> -> vector<512x256xf32>
    %get3A_63 = arith.constant 1 : index
    %get3A_64 = arith.constant 0 : index
    %get3A_65 = arith.constant 0 : index
    %get3A_66 = vector.load %arg5[%get3A_63, %get3A_64, %get3A_65] : memref<16x256x768xf32, #tpu.memory_space<vmem>>, vector<1x256x768xf32>
    %get3A_67 = vector.shape_cast %get3A_66 : vector<1x256x768xf32> to vector<256x768xf32>
    %dot_general3A_68 = arith.constant dense<0.000000e+00> : vector<512x256xf32>
    %dot_general3A_69 = tpu.matmul %get3A_1, %get3A_67, %dot_general3A_68 {dimension_numbers = #tpu.dot_dimension_numbers<[1], [1], [0], [0], [0, 0, 1, 0], [], []>, transpose_lhs_hint = false} : vector<512x768xf32>, vector<256x768xf32>, vector<512x256xf32> -> vector<512x256xf32>
    %logistic3A_70 = arith.negf %dot_general3A_62 : vector<512x256xf32>
    %logistic3A_71 = math.exp %logistic3A_70 : vector<512x256xf32>
    %logistic3A_72 = arith.constant 1.000000e+00 : f32
    %logistic3A_73 = vector.broadcast %logistic3A_72 : f32 to vector<512x256xf32>
    %logistic3A_74 = arith.addf %logistic3A_73, %logistic3A_71 : vector<512x256xf32>
    %logistic3A_75 = arith.divf %logistic3A_73, %logistic3A_74 : vector<512x256xf32>
    %mul3A_76 = arith.mulf %dot_general3A_62, %logistic3A_75 : vector<512x256xf32>
    %mul3A_77 = arith.mulf %mul3A_76, %dot_general3A_69 : vector<512x256xf32>
    %slice3A_78 = vector.extract_strided_slice %get3A_4 {offsets = [0, 1], sizes = [512, 1], strides = [1, 1]} : vector<512x16xf32> to vector<512x1xf32>
    %mul3A_79 = vector.broadcast %slice3A_78 : vector<512x1xf32> to vector<512x256xf32>
    %mul3A_80 = arith.mulf %mul3A_77, %mul3A_79 : vector<512x256xf32>
    %get3A_81 = arith.constant 1 : index
    %get3A_82 = arith.constant 0 : index
    %get3A_83 = arith.constant 0 : index
    %get3A_84 = vector.load %arg4[%get3A_81, %get3A_82, %get3A_83] : memref<16x768x256xf32, #tpu.memory_space<vmem>>, vector<1x768x256xf32>
    %get3A_85 = vector.shape_cast %get3A_84 : vector<1x768x256xf32> to vector<768x256xf32>
    %dot_general3A_86 = arith.constant dense<0.000000e+00> : vector<512x768xf32>
    %dot_general3A_87 = tpu.matmul %mul3A_80, %get3A_85, %dot_general3A_86 {dimension_numbers = #tpu.dot_dimension_numbers<[1], [1], [0], [0], [0, 0, 1, 0], [], []>, transpose_lhs_hint = false} : vector<512x256xf32>, vector<768x256xf32>, vector<512x768xf32> -> vector<512x768xf32>
    %add3A_88 = arith.addf %add3A, %dot_general3A_87 : vector<512x768xf32>
    %get3A_89 = arith.constant 2 : index
    %get3A_90 = arith.constant 0 : index
    %get3A_91 = arith.constant 0 : index
    %get3A_92 = vector.load %arg3[%get3A_89, %get3A_90, %get3A_91] : memref<16x256x768xf32, #tpu.memory_space<vmem>>, vector<1x256x768xf32>
    %get3A_93 = vector.shape_cast %get3A_92 : vector<1x256x768xf32> to vector<256x768xf32>
    %dot_general3A_94 = arith.constant dense<0.000000e+00> : vector<512x256xf32>
    %dot_general3A_95 = tpu.matmul %get3A_1, %get3A_93, %dot_general3A_94 {dimension_numbers = #tpu.dot_dimension_numbers<[1], [1], [0], [0], [0, 0, 1, 0], [], []>, transpose_lhs_hint = false} : vector<512x768xf32>, vector<256x768xf32>, vector<512x256xf32> -> vector<512x256xf32>
    %get3A_96 = arith.constant 2 : index
    %get3A_97 = arith.constant 0 : index
    %get3A_98 = arith.constant 0 : index
    %get3A_99 = vector.load %arg5[%get3A_96, %get3A_97, %get3A_98] : memref<16x256x768xf32, #tpu.memory_space<vmem>>, vector<1x256x768xf32>
    %get3A_100 = vector.shape_cast %get3A_99 : vector<1x256x768xf32> to vector<256x768xf32>
    %dot_general3A_101 = arith.constant dense<0.000000e+00> : vector<512x256xf32>
    %dot_general3A_102 = tpu.matmul %get3A_1, %get3A_100, %dot_general3A_101 {dimension_numbers = #tpu.dot_dimension_numbers<[1], [1], [0], [0], [0, 0, 1, 0], [], []>, transpose_lhs_hint = false} : vector<512x768xf32>, vector<256x768xf32>, vector<512x256xf32> -> vector<512x256xf32>
    %logistic3A_103 = arith.negf %dot_general3A_95 : vector<512x256xf32>
    %logistic3A_104 = math.exp %logistic3A_103 : vector<512x256xf32>
    %logistic3A_105 = arith.constant 1.000000e+00 : f32
    %logistic3A_106 = vector.broadcast %logistic3A_105 : f32 to vector<512x256xf32>
    %logistic3A_107 = arith.addf %logistic3A_106, %logistic3A_104 : vector<512x256xf32>
    %logistic3A_108 = arith.divf %logistic3A_106, %logistic3A_107 : vector<512x256xf32>
    %mul3A_109 = arith.mulf %dot_general3A_95, %logistic3A_108 : vector<512x256xf32>
    %mul3A_110 = arith.mulf %mul3A_109, %dot_general3A_102 : vector<512x256xf32>
    %slice3A_111 = vector.extract_strided_slice %get3A_4 {offsets = [0, 2], sizes = [512, 1], strides = [1, 1]} : vector<512x16xf32> to vector<512x1xf32>
    %mul3A_112 = vector.broadcast %slice3A_111 : vector<512x1xf32> to vector<512x256xf32>
    %mul3A_113 = arith.mulf %mul3A_110, %mul3A_112 : vector<512x256xf32>
    %get3A_114 = arith.constant 2 : index
    %get3A_115 = arith.constant 0 : index
    %get3A_116 = arith.constant 0 : index
    %get3A_117 = vector.load %arg4[%get3A_114, %get3A_115, %get3A_116] : memref<16x768x256xf32, #tpu.memory_space<vmem>>, vector<1x768x256xf32>
    %get3A_118 = vector.shape_cast %get3A_117 : vector<1x768x256xf32> to vector<768x256xf32>
    %dot_general3A_119 = arith.constant dense<0.000000e+00> : vector<512x768xf32>
    %dot_general3A_120 = tpu.matmul %mul3A_113, %get3A_118, %dot_general3A_119 {dimension_numbers = #tpu.dot_dimension_numbers<[1], [1], [0], [0], [0, 0, 1, 0], [], []>, transpose_lhs_hint = false} : vector<512x256xf32>, vector<768x256xf32>, vector<512x768xf32> -> vector<512x768xf32>
    %add3A_121 = arith.addf %add3A_88, %dot_general3A_120 : vector<512x768xf32>
    %get3A_122 = arith.constant 3 : index
    %get3A_123 = arith.constant 0 : index
    %get3A_124 = arith.constant 0 : index
    %get3A_125 = vector.load %arg3[%get3A_122, %get3A_123, %get3A_124] : memref<16x256x768xf32, #tpu.memory_space<vmem>>, vector<1x256x768xf32>
    %get3A_126 = vector.shape_cast %get3A_125 : vector<1x256x768xf32> to vector<256x768xf32>
    %dot_general3A_127 = arith.constant dense<0.000000e+00> : vector<512x256xf32>
    %dot_general3A_128 = tpu.matmul %get3A_1, %get3A_126, %dot_general3A_127 {dimension_numbers = #tpu.dot_dimension_numbers<[1], [1], [0], [0], [0, 0, 1, 0], [], []>, transpose_lhs_hint = false} : vector<512x768xf32>, vector<256x768xf32>, vector<512x256xf32> -> vector<512x256xf32>
    %get3A_129 = arith.constant 3 : index
    %get3A_130 = arith.constant 0 : index
    %get3A_131 = arith.constant 0 : index
    %get3A_132 = vector.load %arg5[%get3A_129, %get3A_130, %get3A_131] : memref<16x256x768xf32, #tpu.memory_space<vmem>>, vector<1x256x768xf32>
    %get3A_133 = vector.shape_cast %get3A_132 : vector<1x256x768xf32> to vector<256x768xf32>
    %dot_general3A_134 = arith.constant dense<0.000000e+00> : vector<512x256xf32>
    %dot_general3A_135 = tpu.matmul %get3A_1, %get3A_133, %dot_general3A_134 {dimension_numbers = #tpu.dot_dimension_numbers<[1], [1], [0], [0], [0, 0, 1, 0], [], []>, transpose_lhs_hint = false} : vector<512x768xf32>, vector<256x768xf32>, vector<512x256xf32> -> vector<512x256xf32>
    %logistic3A_136 = arith.negf %dot_general3A_128 : vector<512x256xf32>
    %logistic3A_137 = math.exp %logistic3A_136 : vector<512x256xf32>
    %logistic3A_138 = arith.constant 1.000000e+00 : f32
    %logistic3A_139 = vector.broadcast %logistic3A_138 : f32 to vector<512x256xf32>
    %logistic3A_140 = arith.addf %logistic3A_139, %logistic3A_137 : vector<512x256xf32>
    %logistic3A_141 = arith.divf %logistic3A_139, %logistic3A_140 : vector<512x256xf32>
    %mul3A_142 = arith.mulf %dot_general3A_128, %logistic3A_141 : vector<512x256xf32>
    %mul3A_143 = arith.mulf %mul3A_142, %dot_general3A_135 : vector<512x256xf32>
    %slice3A_144 = vector.extract_strided_slice %get3A_4 {offsets = [0, 3], sizes = [512, 1], strides = [1, 1]} : vector<512x16xf32> to vector<512x1xf32>
    %mul3A_145 = vector.broadcast %slice3A_144 : vector<512x1xf32> to vector<512x256xf32>
    %mul3A_146 = arith.mulf %mul3A_143, %mul3A_145 : vector<512x256xf32>
    %get3A_147 = arith.constant 3 : index
    %get3A_148 = arith.constant 0 : index
    %get3A_149 = arith.constant 0 : index
    %get3A_150 = vector.load %arg4[%get3A_147, %get3A_148, %get3A_149] : memref<16x768x256xf32, #tpu.memory_space<vmem>>, vector<1x768x256xf32>
    %get3A_151 = vector.shape_cast %get3A_150 : vector<1x768x256xf32> to vector<768x256xf32>
    %dot_general3A_152 = arith.constant dense<0.000000e+00> : vector<512x768xf32>
    %dot_general3A_153 = tpu.matmul %mul3A_146, %get3A_151, %dot_general3A_152 {dimension_numbers = #tpu.dot_dimension_numbers<[1], [1], [0], [0], [0, 0, 1, 0], [], []>, transpose_lhs_hint = false} : vector<512x256xf32>, vector<768x256xf32>, vector<512x768xf32> -> vector<512x768xf32>
    %add3A_154 = arith.addf %add3A_121, %dot_general3A_153 : vector<512x768xf32>
    %get3A_155 = arith.constant 4 : index
    %get3A_156 = arith.constant 0 : index
    %get3A_157 = arith.constant 0 : index
    %get3A_158 = vector.load %arg3[%get3A_155, %get3A_156, %get3A_157] : memref<16x256x768xf32, #tpu.memory_space<vmem>>, vector<1x256x768xf32>
    %get3A_159 = vector.shape_cast %get3A_158 : vector<1x256x768xf32> to vector<256x768xf32>
    %dot_general3A_160 = arith.constant dense<0.000000e+00> : vector<512x256xf32>
    %dot_general3A_161 = tpu.matmul %get3A_1, %get3A_159, %dot_general3A_160 {dimension_numbers = #tpu.dot_dimension_numbers<[1], [1], [0], [0], [0, 0, 1, 0], [], []>, transpose_lhs_hint = false} : vector<512x768xf32>, vector<256x768xf32>, vector<512x256xf32> -> vector<512x256xf32>
    %get3A_162 = arith.constant 4 : index
    %get3A_163 = arith.constant 0 : index
    %get3A_164 = arith.constant 0 : index
    %get3A_165 = vector.load %arg5[%get3A_162, %get3A_163, %get3A_164] : memref<16x256x768xf32, #tpu.memory_space<vmem>>, vector<1x256x768xf32>
    %get3A_166 = vector.shape_cast %get3A_165 : vector<1x256x768xf32> to vector<256x768xf32>
    %dot_general3A_167 = arith.constant dense<0.000000e+00> : vector<512x256xf32>
    %dot_general3A_168 = tpu.matmul %get3A_1, %get3A_166, %dot_general3A_167 {dimension_numbers = #tpu.dot_dimension_numbers<[1], [1], [0], [0], [0, 0, 1, 0], [], []>, transpose_lhs_hint = false} : vector<512x768xf32>, vector<256x768xf32>, vector<512x256xf32> -> vector<512x256xf32>
    %logistic3A_169 = arith.negf %dot_general3A_161 : vector<512x256xf32>
    %logistic3A_170 = math.exp %logistic3A_169 : vector<512x256xf32>
    %logistic3A_171 = arith.constant 1.000000e+00 : f32
    %logistic3A_172 = vector.broadcast %logistic3A_171 : f32 to vector<512x256xf32>
    %logistic3A_173 = arith.addf %logistic3A_172, %logistic3A_170 : vector<512x256xf32>
    %logistic3A_174 = arith.divf %logistic3A_172, %logistic3A_173 : vector<512x256xf32>
    %mul3A_175 = arith.mulf %dot_general3A_161, %logistic3A_174 : vector<512x256xf32>
    %mul3A_176 = arith.mulf %mul3A_175, %dot_general3A_168 : vector<512x256xf32>
    %slice3A_177 = vector.extract_strided_slice %get3A_4 {offsets = [0, 4], sizes = [512, 1], strides = [1, 1]} : vector<512x16xf32> to vector<512x1xf32>
    %mul3A_178 = vector.broadcast %slice3A_177 : vector<512x1xf32> to vector<512x256xf32>
    %mul3A_179 = arith.mulf %mul3A_176, %mul3A_178 : vector<512x256xf32>
    %get3A_180 = arith.constant 4 : index
    %get3A_181 = arith.constant 0 : index
    %get3A_182 = arith.constant 0 : index
    %get3A_183 = vector.load %arg4[%get3A_180, %get3A_181, %get3A_182] : memref<16x768x256xf32, #tpu.memory_space<vmem>>, vector<1x768x256xf32>
    %get3A_184 = vector.shape_cast %get3A_183 : vector<1x768x256xf32> to vector<768x256xf32>
    %dot_general3A_185 = arith.constant dense<0.000000e+00> : vector<512x768xf32>
    %dot_general3A_186 = tpu.matmul %mul3A_179, %get3A_184, %dot_general3A_185 {dimension_numbers = #tpu.dot_dimension_numbers<[1], [1], [0], [0], [0, 0, 1, 0], [], []>, transpose_lhs_hint = false} : vector<512x256xf32>, vector<768x256xf32>, vector<512x768xf32> -> vector<512x768xf32>
    %add3A_187 = arith.addf %add3A_154, %dot_general3A_186 : vector<512x768xf32>
    %get3A_188 = arith.constant 5 : index
    %get3A_189 = arith.constant 0 : index
    %get3A_190 = arith.constant 0 : index
    %get3A_191 = vector.load %arg3[%get3A_188, %get3A_189, %get3A_190] : memref<16x256x768xf32, #tpu.memory_space<vmem>>, vector<1x256x768xf32>
    %get3A_192 = vector.shape_cast %get3A_191 : vector<1x256x768xf32> to vector<256x768xf32>
    %dot_general3A_193 = arith.constant dense<0.000000e+00> : vector<512x256xf32>
    %dot_general3A_194 = tpu.matmul %get3A_1, %get3A_192, %dot_general3A_193 {dimension_numbers = #tpu.dot_dimension_numbers<[1], [1], [0], [0], [0, 0, 1, 0], [], []>, transpose_lhs_hint = false} : vector<512x768xf32>, vector<256x768xf32>, vector<512x256xf32> -> vector<512x256xf32>
    %get3A_195 = arith.constant 5 : index
    %get3A_196 = arith.constant 0 : index
    %get3A_197 = arith.constant 0 : index
    %get3A_198 = vector.load %arg5[%get3A_195, %get3A_196, %get3A_197] : memref<16x256x768xf32, #tpu.memory_space<vmem>>, vector<1x256x768xf32>
    %get3A_199 = vector.shape_cast %get3A_198 : vector<1x256x768xf32> to vector<256x768xf32>
    %dot_general3A_200 = arith.constant dense<0.000000e+00> : vector<512x256xf32>
    %dot_general3A_201 = tpu.matmul %get3A_1, %get3A_199, %dot_general3A_200 {dimension_numbers = #tpu.dot_dimension_numbers<[1], [1], [0], [0], [0, 0, 1, 0], [], []>, transpose_lhs_hint = false} : vector<512x768xf32>, vector<256x768xf32>, vector<512x256xf32> -> vector<512x256xf32>
    %logistic3A_202 = arith.negf %dot_general3A_194 : vector<512x256xf32>
    %logistic3A_203 = math.exp %logistic3A_202 : vector<512x256xf32>
    %logistic3A_204 = arith.constant 1.000000e+00 : f32
    %logistic3A_205 = vector.broadcast %logistic3A_204 : f32 to vector<512x256xf32>
    %logistic3A_206 = arith.addf %logistic3A_205, %logistic3A_203 : vector<512x256xf32>
    %logistic3A_207 = arith.divf %logistic3A_205, %logistic3A_206 : vector<512x256xf32>
    %mul3A_208 = arith.mulf %dot_general3A_194, %logistic3A_207 : vector<512x256xf32>
    %mul3A_209 = arith.mulf %mul3A_208, %dot_general3A_201 : vector<512x256xf32>
    %slice3A_210 = vector.extract_strided_slice %get3A_4 {offsets = [0, 5], sizes = [512, 1], strides = [1, 1]} : vector<512x16xf32> to vector<512x1xf32>
    %mul3A_211 = vector.broadcast %slice3A_210 : vector<512x1xf32> to vector<512x256xf32>
    %mul3A_212 = arith.mulf %mul3A_209, %mul3A_211 : vector<512x256xf32>
    %get3A_213 = arith.constant 5 : index
    %get3A_214 = arith.constant 0 : index
    %get3A_215 = arith.constant 0 : index
    %get3A_216 = vector.load %arg4[%get3A_213, %get3A_214, %get3A_215] : memref<16x768x256xf32, #tpu.memory_space<vmem>>, vector<1x768x256xf32>
    %get3A_217 = vector.shape_cast %get3A_216 : vector<1x768x256xf32> to vector<768x256xf32>
    %dot_general3A_218 = arith.constant dense<0.000000e+00> : vector<512x768xf32>
    %dot_general3A_219 = tpu.matmul %mul3A_212, %get3A_217, %dot_general3A_218 {dimension_numbers = #tpu.dot_dimension_numbers<[1], [1], [0], [0], [0, 0, 1, 0], [], []>, transpose_lhs_hint = false} : vector<512x256xf32>, vector<768x256xf32>, vector<512x768xf32> -> vector<512x768xf32>
    %add3A_220 = arith.addf %add3A_187, %dot_general3A_219 : vector<512x768xf32>
    %get3A_221 = arith.constant 6 : index
    %get3A_222 = arith.constant 0 : index
    %get3A_223 = arith.constant 0 : index
    %get3A_224 = vector.load %arg3[%get3A_221, %get3A_222, %get3A_223] : memref<16x256x768xf32, #tpu.memory_space<vmem>>, vector<1x256x768xf32>
    %get3A_225 = vector.shape_cast %get3A_224 : vector<1x256x768xf32> to vector<256x768xf32>
    %dot_general3A_226 = arith.constant dense<0.000000e+00> : vector<512x256xf32>
    %dot_general3A_227 = tpu.matmul %get3A_1, %get3A_225, %dot_general3A_226 {dimension_numbers = #tpu.dot_dimension_numbers<[1], [1], [0], [0], [0, 0, 1, 0], [], []>, transpose_lhs_hint = false} : vector<512x768xf32>, vector<256x768xf32>, vector<512x256xf32> -> vector<512x256xf32>
    %get3A_228 = arith.constant 6 : index
    %get3A_229 = arith.constant 0 : index
    %get3A_230 = arith.constant 0 : index
    %get3A_231 = vector.load %arg5[%get3A_228, %get3A_229, %get3A_230] : memref<16x256x768xf32, #tpu.memory_space<vmem>>, vector<1x256x768xf32>
    %get3A_232 = vector.shape_cast %get3A_231 : vector<1x256x768xf32> to vector<256x768xf32>
    %dot_general3A_233 = arith.constant dense<0.000000e+00> : vector<512x256xf32>
    %dot_general3A_234 = tpu.matmul %get3A_1, %get3A_232, %dot_general3A_233 {dimension_numbers = #tpu.dot_dimension_numbers<[1], [1], [0], [0], [0, 0, 1, 0], [], []>, transpose_lhs_hint = false} : vector<512x768xf32>, vector<256x768xf32>, vector<512x256xf32> -> vector<512x256xf32>
    %logistic3A_235 = arith.negf %dot_general3A_227 : vector<512x256xf32>
    %logistic3A_236 = math.exp %logistic3A_235 : vector<512x256xf32>
    %logistic3A_237 = arith.constant 1.000000e+00 : f32
    %logistic3A_238 = vector.broadcast %logistic3A_237 : f32 to vector<512x256xf32>
    %logistic3A_239 = arith.addf %logistic3A_238, %logistic3A_236 : vector<512x256xf32>
    %logistic3A_240 = arith.divf %logistic3A_238, %logistic3A_239 : vector<512x256xf32>
    %mul3A_241 = arith.mulf %dot_general3A_227, %logistic3A_240 : vector<512x256xf32>
    %mul3A_242 = arith.mulf %mul3A_241, %dot_general3A_234 : vector<512x256xf32>
    %slice3A_243 = vector.extract_strided_slice %get3A_4 {offsets = [0, 6], sizes = [512, 1], strides = [1, 1]} : vector<512x16xf32> to vector<512x1xf32>
    %mul3A_244 = vector.broadcast %slice3A_243 : vector<512x1xf32> to vector<512x256xf32>
    %mul3A_245 = arith.mulf %mul3A_242, %mul3A_244 : vector<512x256xf32>
    %get3A_246 = arith.constant 6 : index
    %get3A_247 = arith.constant 0 : index
    %get3A_248 = arith.constant 0 : index
    %get3A_249 = vector.load %arg4[%get3A_246, %get3A_247, %get3A_248] : memref<16x768x256xf32, #tpu.memory_space<vmem>>, vector<1x768x256xf32>
    %get3A_250 = vector.shape_cast %get3A_249 : vector<1x768x256xf32> to vector<768x256xf32>
    %dot_general3A_251 = arith.constant dense<0.000000e+00> : vector<512x768xf32>
    %dot_general3A_252 = tpu.matmul %mul3A_245, %get3A_250, %dot_general3A_251 {dimension_numbers = #tpu.dot_dimension_numbers<[1], [1], [0], [0], [0, 0, 1, 0], [], []>, transpose_lhs_hint = false} : vector<512x256xf32>, vector<768x256xf32>, vector<512x768xf32> -> vector<512x768xf32>
    %add3A_253 = arith.addf %add3A_220, %dot_general3A_252 : vector<512x768xf32>
    %get3A_254 = arith.constant 7 : index
    %get3A_255 = arith.constant 0 : index
    %get3A_256 = arith.constant 0 : index
    %get3A_257 = vector.load %arg3[%get3A_254, %get3A_255, %get3A_256] : memref<16x256x768xf32, #tpu.memory_space<vmem>>, vector<1x256x768xf32>
    %get3A_258 = vector.shape_cast %get3A_257 : vector<1x256x768xf32> to vector<256x768xf32>
    %dot_general3A_259 = arith.constant dense<0.000000e+00> : vector<512x256xf32>
    %dot_general3A_260 = tpu.matmul %get3A_1, %get3A_258, %dot_general3A_259 {dimension_numbers = #tpu.dot_dimension_numbers<[1], [1], [0], [0], [0, 0, 1, 0], [], []>, transpose_lhs_hint = false} : vector<512x768xf32>, vector<256x768xf32>, vector<512x256xf32> -> vector<512x256xf32>
    %get3A_261 = arith.constant 7 : index
    %get3A_262 = arith.constant 0 : index
    %get3A_263 = arith.constant 0 : index
    %get3A_264 = vector.load %arg5[%get3A_261, %get3A_262, %get3A_263] : memref<16x256x768xf32, #tpu.memory_space<vmem>>, vector<1x256x768xf32>
    %get3A_265 = vector.shape_cast %get3A_264 : vector<1x256x768xf32> to vector<256x768xf32>
    %dot_general3A_266 = arith.constant dense<0.000000e+00> : vector<512x256xf32>
    %dot_general3A_267 = tpu.matmul %get3A_1, %get3A_265, %dot_general3A_266 {dimension_numbers = #tpu.dot_dimension_numbers<[1], [1], [0], [0], [0, 0, 1, 0], [], []>, transpose_lhs_hint = false} : vector<512x768xf32>, vector<256x768xf32>, vector<512x256xf32> -> vector<512x256xf32>
    %logistic3A_268 = arith.negf %dot_general3A_260 : vector<512x256xf32>
    %logistic3A_269 = math.exp %logistic3A_268 : vector<512x256xf32>
    %logistic3A_270 = arith.constant 1.000000e+00 : f32
    %logistic3A_271 = vector.broadcast %logistic3A_270 : f32 to vector<512x256xf32>
    %logistic3A_272 = arith.addf %logistic3A_271, %logistic3A_269 : vector<512x256xf32>
    %logistic3A_273 = arith.divf %logistic3A_271, %logistic3A_272 : vector<512x256xf32>
    %mul3A_274 = arith.mulf %dot_general3A_260, %logistic3A_273 : vector<512x256xf32>
    %mul3A_275 = arith.mulf %mul3A_274, %dot_general3A_267 : vector<512x256xf32>
    %slice3A_276 = vector.extract_strided_slice %get3A_4 {offsets = [0, 7], sizes = [512, 1], strides = [1, 1]} : vector<512x16xf32> to vector<512x1xf32>
    %mul3A_277 = vector.broadcast %slice3A_276 : vector<512x1xf32> to vector<512x256xf32>
    %mul3A_278 = arith.mulf %mul3A_275, %mul3A_277 : vector<512x256xf32>
    %get3A_279 = arith.constant 7 : index
    %get3A_280 = arith.constant 0 : index
    %get3A_281 = arith.constant 0 : index
    %get3A_282 = vector.load %arg4[%get3A_279, %get3A_280, %get3A_281] : memref<16x768x256xf32, #tpu.memory_space<vmem>>, vector<1x768x256xf32>
    %get3A_283 = vector.shape_cast %get3A_282 : vector<1x768x256xf32> to vector<768x256xf32>
    %dot_general3A_284 = arith.constant dense<0.000000e+00> : vector<512x768xf32>
    %dot_general3A_285 = tpu.matmul %mul3A_278, %get3A_283, %dot_general3A_284 {dimension_numbers = #tpu.dot_dimension_numbers<[1], [1], [0], [0], [0, 0, 1, 0], [], []>, transpose_lhs_hint = false} : vector<512x256xf32>, vector<768x256xf32>, vector<512x768xf32> -> vector<512x768xf32>
    %add3A_286 = arith.addf %add3A_253, %dot_general3A_285 : vector<512x768xf32>
    %get3A_287 = arith.constant 8 : index
    %get3A_288 = arith.constant 0 : index
    %get3A_289 = arith.constant 0 : index
    %get3A_290 = vector.load %arg3[%get3A_287, %get3A_288, %get3A_289] : memref<16x256x768xf32, #tpu.memory_space<vmem>>, vector<1x256x768xf32>
    %get3A_291 = vector.shape_cast %get3A_290 : vector<1x256x768xf32> to vector<256x768xf32>
    %dot_general3A_292 = arith.constant dense<0.000000e+00> : vector<512x256xf32>
    %dot_general3A_293 = tpu.matmul %get3A_1, %get3A_291, %dot_general3A_292 {dimension_numbers = #tpu.dot_dimension_numbers<[1], [1], [0], [0], [0, 0, 1, 0], [], []>, transpose_lhs_hint = false} : vector<512x768xf32>, vector<256x768xf32>, vector<512x256xf32> -> vector<512x256xf32>
    %get3A_294 = arith.constant 8 : index
    %get3A_295 = arith.constant 0 : index
    %get3A_296 = arith.constant 0 : index
    %get3A_297 = vector.load %arg5[%get3A_294, %get3A_295, %get3A_296] : memref<16x256x768xf32, #tpu.memory_space<vmem>>, vector<1x256x768xf32>
    %get3A_298 = vector.shape_cast %get3A_297 : vector<1x256x768xf32> to vector<256x768xf32>
    %dot_general3A_299 = arith.constant dense<0.000000e+00> : vector<512x256xf32>
    %dot_general3A_300 = tpu.matmul %get3A_1, %get3A_298, %dot_general3A_299 {dimension_numbers = #tpu.dot_dimension_numbers<[1], [1], [0], [0], [0, 0, 1, 0], [], []>, transpose_lhs_hint = false} : vector<512x768xf32>, vector<256x768xf32>, vector<512x256xf32> -> vector<512x256xf32>
    %logistic3A_301 = arith.negf %dot_general3A_293 : vector<512x256xf32>
    %logistic3A_302 = math.exp %logistic3A_301 : vector<512x256xf32>
    %logistic3A_303 = arith.constant 1.000000e+00 : f32
    %logistic3A_304 = vector.broadcast %logistic3A_303 : f32 to vector<512x256xf32>
    %logistic3A_305 = arith.addf %logistic3A_304, %logistic3A_302 : vector<512x256xf32>
    %logistic3A_306 = arith.divf %logistic3A_304, %logistic3A_305 : vector<512x256xf32>
    %mul3A_307 = arith.mulf %dot_general3A_293, %logistic3A_306 : vector<512x256xf32>
    %mul3A_308 = arith.mulf %mul3A_307, %dot_general3A_300 : vector<512x256xf32>
    %slice3A_309 = vector.extract_strided_slice %get3A_4 {offsets = [0, 8], sizes = [512, 1], strides = [1, 1]} : vector<512x16xf32> to vector<512x1xf32>
    %mul3A_310 = vector.broadcast %slice3A_309 : vector<512x1xf32> to vector<512x256xf32>
    %mul3A_311 = arith.mulf %mul3A_308, %mul3A_310 : vector<512x256xf32>
    %get3A_312 = arith.constant 8 : index
    %get3A_313 = arith.constant 0 : index
    %get3A_314 = arith.constant 0 : index
    %get3A_315 = vector.load %arg4[%get3A_312, %get3A_313, %get3A_314] : memref<16x768x256xf32, #tpu.memory_space<vmem>>, vector<1x768x256xf32>
    %get3A_316 = vector.shape_cast %get3A_315 : vector<1x768x256xf32> to vector<768x256xf32>
    %dot_general3A_317 = arith.constant dense<0.000000e+00> : vector<512x768xf32>
    %dot_general3A_318 = tpu.matmul %mul3A_311, %get3A_316, %dot_general3A_317 {dimension_numbers = #tpu.dot_dimension_numbers<[1], [1], [0], [0], [0, 0, 1, 0], [], []>, transpose_lhs_hint = false} : vector<512x256xf32>, vector<768x256xf32>, vector<512x768xf32> -> vector<512x768xf32>
    %add3A_319 = arith.addf %add3A_286, %dot_general3A_318 : vector<512x768xf32>
    %get3A_320 = arith.constant 9 : index
    %get3A_321 = arith.constant 0 : index
    %get3A_322 = arith.constant 0 : index
    %get3A_323 = vector.load %arg3[%get3A_320, %get3A_321, %get3A_322] : memref<16x256x768xf32, #tpu.memory_space<vmem>>, vector<1x256x768xf32>
    %get3A_324 = vector.shape_cast %get3A_323 : vector<1x256x768xf32> to vector<256x768xf32>
    %dot_general3A_325 = arith.constant dense<0.000000e+00> : vector<512x256xf32>
    %dot_general3A_326 = tpu.matmul %get3A_1, %get3A_324, %dot_general3A_325 {dimension_numbers = #tpu.dot_dimension_numbers<[1], [1], [0], [0], [0, 0, 1, 0], [], []>, transpose_lhs_hint = false} : vector<512x768xf32>, vector<256x768xf32>, vector<512x256xf32> -> vector<512x256xf32>
    %get3A_327 = arith.constant 9 : index
    %get3A_328 = arith.constant 0 : index
    %get3A_329 = arith.constant 0 : index
    %get3A_330 = vector.load %arg5[%get3A_327, %get3A_328, %get3A_329] : memref<16x256x768xf32, #tpu.memory_space<vmem>>, vector<1x256x768xf32>
    %get3A_331 = vector.shape_cast %get3A_330 : vector<1x256x768xf32> to vector<256x768xf32>
    %dot_general3A_332 = arith.constant dense<0.000000e+00> : vector<512x256xf32>
    %dot_general3A_333 = tpu.matmul %get3A_1, %get3A_331, %dot_general3A_332 {dimension_numbers = #tpu.dot_dimension_numbers<[1], [1], [0], [0], [0, 0, 1, 0], [], []>, transpose_lhs_hint = false} : vector<512x768xf32>, vector<256x768xf32>, vector<512x256xf32> -> vector<512x256xf32>
    %logistic3A_334 = arith.negf %dot_general3A_326 : vector<512x256xf32>
    %logistic3A_335 = math.exp %logistic3A_334 : vector<512x256xf32>
    %logistic3A_336 = arith.constant 1.000000e+00 : f32
    %logistic3A_337 = vector.broadcast %logistic3A_336 : f32 to vector<512x256xf32>
    %logistic3A_338 = arith.addf %logistic3A_337, %logistic3A_335 : vector<512x256xf32>
    %logistic3A_339 = arith.divf %logistic3A_337, %logistic3A_338 : vector<512x256xf32>
    %mul3A_340 = arith.mulf %dot_general3A_326, %logistic3A_339 : vector<512x256xf32>
    %mul3A_341 = arith.mulf %mul3A_340, %dot_general3A_333 : vector<512x256xf32>
    %slice3A_342 = vector.extract_strided_slice %get3A_4 {offsets = [0, 9], sizes = [512, 1], strides = [1, 1]} : vector<512x16xf32> to vector<512x1xf32>
    %mul3A_343 = vector.broadcast %slice3A_342 : vector<512x1xf32> to vector<512x256xf32>
    %mul3A_344 = arith.mulf %mul3A_341, %mul3A_343 : vector<512x256xf32>
    %get3A_345 = arith.constant 9 : index
    %get3A_346 = arith.constant 0 : index
    %get3A_347 = arith.constant 0 : index
    %get3A_348 = vector.load %arg4[%get3A_345, %get3A_346, %get3A_347] : memref<16x768x256xf32, #tpu.memory_space<vmem>>, vector<1x768x256xf32>
    %get3A_349 = vector.shape_cast %get3A_348 : vector<1x768x256xf32> to vector<768x256xf32>
    %dot_general3A_350 = arith.constant dense<0.000000e+00> : vector<512x768xf32>
    %dot_general3A_351 = tpu.matmul %mul3A_344, %get3A_349, %dot_general3A_350 {dimension_numbers = #tpu.dot_dimension_numbers<[1], [1], [0], [0], [0, 0, 1, 0], [], []>, transpose_lhs_hint = false} : vector<512x256xf32>, vector<768x256xf32>, vector<512x768xf32> -> vector<512x768xf32>
    %add3A_352 = arith.addf %add3A_319, %dot_general3A_351 : vector<512x768xf32>
    %get3A_353 = arith.constant 10 : index
    %get3A_354 = arith.constant 0 : index
    %get3A_355 = arith.constant 0 : index
    %get3A_356 = vector.load %arg3[%get3A_353, %get3A_354, %get3A_355] : memref<16x256x768xf32, #tpu.memory_space<vmem>>, vector<1x256x768xf32>
    %get3A_357 = vector.shape_cast %get3A_356 : vector<1x256x768xf32> to vector<256x768xf32>
    %dot_general3A_358 = arith.constant dense<0.000000e+00> : vector<512x256xf32>
    %dot_general3A_359 = tpu.matmul %get3A_1, %get3A_357, %dot_general3A_358 {dimension_numbers = #tpu.dot_dimension_numbers<[1], [1], [0], [0], [0, 0, 1, 0], [], []>, transpose_lhs_hint = false} : vector<512x768xf32>, vector<256x768xf32>, vector<512x256xf32> -> vector<512x256xf32>
    %get3A_360 = arith.constant 10 : index
    %get3A_361 = arith.constant 0 : index
    %get3A_362 = arith.constant 0 : index
    %get3A_363 = vector.load %arg5[%get3A_360, %get3A_361, %get3A_362] : memref<16x256x768xf32, #tpu.memory_space<vmem>>, vector<1x256x768xf32>
    %get3A_364 = vector.shape_cast %get3A_363 : vector<1x256x768xf32> to vector<256x768xf32>
    %dot_general3A_365 = arith.constant dense<0.000000e+00> : vector<512x256xf32>
    %dot_general3A_366 = tpu.matmul %get3A_1, %get3A_364, %dot_general3A_365 {dimension_numbers = #tpu.dot_dimension_numbers<[1], [1], [0], [0], [0, 0, 1, 0], [], []>, transpose_lhs_hint = false} : vector<512x768xf32>, vector<256x768xf32>, vector<512x256xf32> -> vector<512x256xf32>
    %logistic3A_367 = arith.negf %dot_general3A_359 : vector<512x256xf32>
    %logistic3A_368 = math.exp %logistic3A_367 : vector<512x256xf32>
    %logistic3A_369 = arith.constant 1.000000e+00 : f32
    %logistic3A_370 = vector.broadcast %logistic3A_369 : f32 to vector<512x256xf32>
    %logistic3A_371 = arith.addf %logistic3A_370, %logistic3A_368 : vector<512x256xf32>
    %logistic3A_372 = arith.divf %logistic3A_370, %logistic3A_371 : vector<512x256xf32>
    %mul3A_373 = arith.mulf %dot_general3A_359, %logistic3A_372 : vector<512x256xf32>
    %mul3A_374 = arith.mulf %mul3A_373, %dot_general3A_366 : vector<512x256xf32>
    %slice3A_375 = vector.extract_strided_slice %get3A_4 {offsets = [0, 10], sizes = [512, 1], strides = [1, 1]} : vector<512x16xf32> to vector<512x1xf32>
    %mul3A_376 = vector.broadcast %slice3A_375 : vector<512x1xf32> to vector<512x256xf32>
    %mul3A_377 = arith.mulf %mul3A_374, %mul3A_376 : vector<512x256xf32>
    %get3A_378 = arith.constant 10 : index
    %get3A_379 = arith.constant 0 : index
    %get3A_380 = arith.constant 0 : index
    %get3A_381 = vector.load %arg4[%get3A_378, %get3A_379, %get3A_380] : memref<16x768x256xf32, #tpu.memory_space<vmem>>, vector<1x768x256xf32>
    %get3A_382 = vector.shape_cast %get3A_381 : vector<1x768x256xf32> to vector<768x256xf32>
    %dot_general3A_383 = arith.constant dense<0.000000e+00> : vector<512x768xf32>
    %dot_general3A_384 = tpu.matmul %mul3A_377, %get3A_382, %dot_general3A_383 {dimension_numbers = #tpu.dot_dimension_numbers<[1], [1], [0], [0], [0, 0, 1, 0], [], []>, transpose_lhs_hint = false} : vector<512x256xf32>, vector<768x256xf32>, vector<512x768xf32> -> vector<512x768xf32>
    %add3A_385 = arith.addf %add3A_352, %dot_general3A_384 : vector<512x768xf32>
    %get3A_386 = arith.constant 11 : index
    %get3A_387 = arith.constant 0 : index
    %get3A_388 = arith.constant 0 : index
    %get3A_389 = vector.load %arg3[%get3A_386, %get3A_387, %get3A_388] : memref<16x256x768xf32, #tpu.memory_space<vmem>>, vector<1x256x768xf32>
    %get3A_390 = vector.shape_cast %get3A_389 : vector<1x256x768xf32> to vector<256x768xf32>
    %dot_general3A_391 = arith.constant dense<0.000000e+00> : vector<512x256xf32>
    %dot_general3A_392 = tpu.matmul %get3A_1, %get3A_390, %dot_general3A_391 {dimension_numbers = #tpu.dot_dimension_numbers<[1], [1], [0], [0], [0, 0, 1, 0], [], []>, transpose_lhs_hint = false} : vector<512x768xf32>, vector<256x768xf32>, vector<512x256xf32> -> vector<512x256xf32>
    %get3A_393 = arith.constant 11 : index
    %get3A_394 = arith.constant 0 : index
    %get3A_395 = arith.constant 0 : index
    %get3A_396 = vector.load %arg5[%get3A_393, %get3A_394, %get3A_395] : memref<16x256x768xf32, #tpu.memory_space<vmem>>, vector<1x256x768xf32>
    %get3A_397 = vector.shape_cast %get3A_396 : vector<1x256x768xf32> to vector<256x768xf32>
    %dot_general3A_398 = arith.constant dense<0.000000e+00> : vector<512x256xf32>
    %dot_general3A_399 = tpu.matmul %get3A_1, %get3A_397, %dot_general3A_398 {dimension_numbers = #tpu.dot_dimension_numbers<[1], [1], [0], [0], [0, 0, 1, 0], [], []>, transpose_lhs_hint = false} : vector<512x768xf32>, vector<256x768xf32>, vector<512x256xf32> -> vector<512x256xf32>
    %logistic3A_400 = arith.negf %dot_general3A_392 : vector<512x256xf32>
    %logistic3A_401 = math.exp %logistic3A_400 : vector<512x256xf32>
    %logistic3A_402 = arith.constant 1.000000e+00 : f32
    %logistic3A_403 = vector.broadcast %logistic3A_402 : f32 to vector<512x256xf32>
    %logistic3A_404 = arith.addf %logistic3A_403, %logistic3A_401 : vector<512x256xf32>
    %logistic3A_405 = arith.divf %logistic3A_403, %logistic3A_404 : vector<512x256xf32>
    %mul3A_406 = arith.mulf %dot_general3A_392, %logistic3A_405 : vector<512x256xf32>
    %mul3A_407 = arith.mulf %mul3A_406, %dot_general3A_399 : vector<512x256xf32>
    %slice3A_408 = vector.extract_strided_slice %get3A_4 {offsets = [0, 11], sizes = [512, 1], strides = [1, 1]} : vector<512x16xf32> to vector<512x1xf32>
    %mul3A_409 = vector.broadcast %slice3A_408 : vector<512x1xf32> to vector<512x256xf32>
    %mul3A_410 = arith.mulf %mul3A_407, %mul3A_409 : vector<512x256xf32>
    %get3A_411 = arith.constant 11 : index
    %get3A_412 = arith.constant 0 : index
    %get3A_413 = arith.constant 0 : index
    %get3A_414 = vector.load %arg4[%get3A_411, %get3A_412, %get3A_413] : memref<16x768x256xf32, #tpu.memory_space<vmem>>, vector<1x768x256xf32>
    %get3A_415 = vector.shape_cast %get3A_414 : vector<1x768x256xf32> to vector<768x256xf32>
    %dot_general3A_416 = arith.constant dense<0.000000e+00> : vector<512x768xf32>
    %dot_general3A_417 = tpu.matmul %mul3A_410, %get3A_415, %dot_general3A_416 {dimension_numbers = #tpu.dot_dimension_numbers<[1], [1], [0], [0], [0, 0, 1, 0], [], []>, transpose_lhs_hint = false} : vector<512x256xf32>, vector<768x256xf32>, vector<512x768xf32> -> vector<512x768xf32>
    %add3A_418 = arith.addf %add3A_385, %dot_general3A_417 : vector<512x768xf32>
    %get3A_419 = arith.constant 12 : index
    %get3A_420 = arith.constant 0 : index
    %get3A_421 = arith.constant 0 : index
    %get3A_422 = vector.load %arg3[%get3A_419, %get3A_420, %get3A_421] : memref<16x256x768xf32, #tpu.memory_space<vmem>>, vector<1x256x768xf32>
    %get3A_423 = vector.shape_cast %get3A_422 : vector<1x256x768xf32> to vector<256x768xf32>
    %dot_general3A_424 = arith.constant dense<0.000000e+00> : vector<512x256xf32>
    %dot_general3A_425 = tpu.matmul %get3A_1, %get3A_423, %dot_general3A_424 {dimension_numbers = #tpu.dot_dimension_numbers<[1], [1], [0], [0], [0, 0, 1, 0], [], []>, transpose_lhs_hint = false} : vector<512x768xf32>, vector<256x768xf32>, vector<512x256xf32> -> vector<512x256xf32>
    %get3A_426 = arith.constant 12 : index
    %get3A_427 = arith.constant 0 : index
    %get3A_428 = arith.constant 0 : index
    %get3A_429 = vector.load %arg5[%get3A_426, %get3A_427, %get3A_428] : memref<16x256x768xf32, #tpu.memory_space<vmem>>, vector<1x256x768xf32>
    %get3A_430 = vector.shape_cast %get3A_429 : vector<1x256x768xf32> to vector<256x768xf32>
    %dot_general3A_431 = arith.constant dense<0.000000e+00> : vector<512x256xf32>
    %dot_general3A_432 = tpu.matmul %get3A_1, %get3A_430, %dot_general3A_431 {dimension_numbers = #tpu.dot_dimension_numbers<[1], [1], [0], [0], [0, 0, 1, 0], [], []>, transpose_lhs_hint = false} : vector<512x768xf32>, vector<256x768xf32>, vector<512x256xf32> -> vector<512x256xf32>
    %logistic3A_433 = arith.negf %dot_general3A_425 : vector<512x256xf32>
    %logistic3A_434 = math.exp %logistic3A_433 : vector<512x256xf32>
    %logistic3A_435 = arith.constant 1.000000e+00 : f32
    %logistic3A_436 = vector.broadcast %logistic3A_435 : f32 to vector<512x256xf32>
    %logistic3A_437 = arith.addf %logistic3A_436, %logistic3A_434 : vector<512x256xf32>
    %logistic3A_438 = arith.divf %logistic3A_436, %logistic3A_437 : vector<512x256xf32>
    %mul3A_439 = arith.mulf %dot_general3A_425, %logistic3A_438 : vector<512x256xf32>
    %mul3A_440 = arith.mulf %mul3A_439, %dot_general3A_432 : vector<512x256xf32>
    %slice3A_441 = vector.extract_strided_slice %get3A_4 {offsets = [0, 12], sizes = [512, 1], strides = [1, 1]} : vector<512x16xf32> to vector<512x1xf32>
    %mul3A_442 = vector.broadcast %slice3A_441 : vector<512x1xf32> to vector<512x256xf32>
    %mul3A_443 = arith.mulf %mul3A_440, %mul3A_442 : vector<512x256xf32>
    %get3A_444 = arith.constant 12 : index
    %get3A_445 = arith.constant 0 : index
    %get3A_446 = arith.constant 0 : index
    %get3A_447 = vector.load %arg4[%get3A_444, %get3A_445, %get3A_446] : memref<16x768x256xf32, #tpu.memory_space<vmem>>, vector<1x768x256xf32>
    %get3A_448 = vector.shape_cast %get3A_447 : vector<1x768x256xf32> to vector<768x256xf32>
    %dot_general3A_449 = arith.constant dense<0.000000e+00> : vector<512x768xf32>
    %dot_general3A_450 = tpu.matmul %mul3A_443, %get3A_448, %dot_general3A_449 {dimension_numbers = #tpu.dot_dimension_numbers<[1], [1], [0], [0], [0, 0, 1, 0], [], []>, transpose_lhs_hint = false} : vector<512x256xf32>, vector<768x256xf32>, vector<512x768xf32> -> vector<512x768xf32>
    %add3A_451 = arith.addf %add3A_418, %dot_general3A_450 : vector<512x768xf32>
    %get3A_452 = arith.constant 13 : index
    %get3A_453 = arith.constant 0 : index
    %get3A_454 = arith.constant 0 : index
    %get3A_455 = vector.load %arg3[%get3A_452, %get3A_453, %get3A_454] : memref<16x256x768xf32, #tpu.memory_space<vmem>>, vector<1x256x768xf32>
    %get3A_456 = vector.shape_cast %get3A_455 : vector<1x256x768xf32> to vector<256x768xf32>
    %dot_general3A_457 = arith.constant dense<0.000000e+00> : vector<512x256xf32>
    %dot_general3A_458 = tpu.matmul %get3A_1, %get3A_456, %dot_general3A_457 {dimension_numbers = #tpu.dot_dimension_numbers<[1], [1], [0], [0], [0, 0, 1, 0], [], []>, transpose_lhs_hint = false} : vector<512x768xf32>, vector<256x768xf32>, vector<512x256xf32> -> vector<512x256xf32>
    %get3A_459 = arith.constant 13 : index
    %get3A_460 = arith.constant 0 : index
    %get3A_461 = arith.constant 0 : index
    %get3A_462 = vector.load %arg5[%get3A_459, %get3A_460, %get3A_461] : memref<16x256x768xf32, #tpu.memory_space<vmem>>, vector<1x256x768xf32>
    %get3A_463 = vector.shape_cast %get3A_462 : vector<1x256x768xf32> to vector<256x768xf32>
    %dot_general3A_464 = arith.constant dense<0.000000e+00> : vector<512x256xf32>
    %dot_general3A_465 = tpu.matmul %get3A_1, %get3A_463, %dot_general3A_464 {dimension_numbers = #tpu.dot_dimension_numbers<[1], [1], [0], [0], [0, 0, 1, 0], [], []>, transpose_lhs_hint = false} : vector<512x768xf32>, vector<256x768xf32>, vector<512x256xf32> -> vector<512x256xf32>
    %logistic3A_466 = arith.negf %dot_general3A_458 : vector<512x256xf32>
    %logistic3A_467 = math.exp %logistic3A_466 : vector<512x256xf32>
    %logistic3A_468 = arith.constant 1.000000e+00 : f32
    %logistic3A_469 = vector.broadcast %logistic3A_468 : f32 to vector<512x256xf32>
    %logistic3A_470 = arith.addf %logistic3A_469, %logistic3A_467 : vector<512x256xf32>
    %logistic3A_471 = arith.divf %logistic3A_469, %logistic3A_470 : vector<512x256xf32>
    %mul3A_472 = arith.mulf %dot_general3A_458, %logistic3A_471 : vector<512x256xf32>
    %mul3A_473 = arith.mulf %mul3A_472, %dot_general3A_465 : vector<512x256xf32>
    %slice3A_474 = vector.extract_strided_slice %get3A_4 {offsets = [0, 13], sizes = [512, 1], strides = [1, 1]} : vector<512x16xf32> to vector<512x1xf32>
    %mul3A_475 = vector.broadcast %slice3A_474 : vector<512x1xf32> to vector<512x256xf32>
    %mul3A_476 = arith.mulf %mul3A_473, %mul3A_475 : vector<512x256xf32>
    %get3A_477 = arith.constant 13 : index
    %get3A_478 = arith.constant 0 : index
    %get3A_479 = arith.constant 0 : index
    %get3A_480 = vector.load %arg4[%get3A_477, %get3A_478, %get3A_479] : memref<16x768x256xf32, #tpu.memory_space<vmem>>, vector<1x768x256xf32>
    %get3A_481 = vector.shape_cast %get3A_480 : vector<1x768x256xf32> to vector<768x256xf32>
    %dot_general3A_482 = arith.constant dense<0.000000e+00> : vector<512x768xf32>
    %dot_general3A_483 = tpu.matmul %mul3A_476, %get3A_481, %dot_general3A_482 {dimension_numbers = #tpu.dot_dimension_numbers<[1], [1], [0], [0], [0, 0, 1, 0], [], []>, transpose_lhs_hint = false} : vector<512x256xf32>, vector<768x256xf32>, vector<512x768xf32> -> vector<512x768xf32>
    %add3A_484 = arith.addf %add3A_451, %dot_general3A_483 : vector<512x768xf32>
    %get3A_485 = arith.constant 14 : index
    %get3A_486 = arith.constant 0 : index
    %get3A_487 = arith.constant 0 : index
    %get3A_488 = vector.load %arg3[%get3A_485, %get3A_486, %get3A_487] : memref<16x256x768xf32, #tpu.memory_space<vmem>>, vector<1x256x768xf32>
    %get3A_489 = vector.shape_cast %get3A_488 : vector<1x256x768xf32> to vector<256x768xf32>
    %dot_general3A_490 = arith.constant dense<0.000000e+00> : vector<512x256xf32>
    %dot_general3A_491 = tpu.matmul %get3A_1, %get3A_489, %dot_general3A_490 {dimension_numbers = #tpu.dot_dimension_numbers<[1], [1], [0], [0], [0, 0, 1, 0], [], []>, transpose_lhs_hint = false} : vector<512x768xf32>, vector<256x768xf32>, vector<512x256xf32> -> vector<512x256xf32>
    %get3A_492 = arith.constant 14 : index
    %get3A_493 = arith.constant 0 : index
    %get3A_494 = arith.constant 0 : index
    %get3A_495 = vector.load %arg5[%get3A_492, %get3A_493, %get3A_494] : memref<16x256x768xf32, #tpu.memory_space<vmem>>, vector<1x256x768xf32>
    %get3A_496 = vector.shape_cast %get3A_495 : vector<1x256x768xf32> to vector<256x768xf32>
    %dot_general3A_497 = arith.constant dense<0.000000e+00> : vector<512x256xf32>
    %dot_general3A_498 = tpu.matmul %get3A_1, %get3A_496, %dot_general3A_497 {dimension_numbers = #tpu.dot_dimension_numbers<[1], [1], [0], [0], [0, 0, 1, 0], [], []>, transpose_lhs_hint = false} : vector<512x768xf32>, vector<256x768xf32>, vector<512x256xf32> -> vector<512x256xf32>
    %logistic3A_499 = arith.negf %dot_general3A_491 : vector<512x256xf32>
    %logistic3A_500 = math.exp %logistic3A_499 : vector<512x256xf32>
    %logistic3A_501 = arith.constant 1.000000e+00 : f32
    %logistic3A_502 = vector.broadcast %logistic3A_501 : f32 to vector<512x256xf32>
    %logistic3A_503 = arith.addf %logistic3A_502, %logistic3A_500 : vector<512x256xf32>
    %logistic3A_504 = arith.divf %logistic3A_502, %logistic3A_503 : vector<512x256xf32>
    %mul3A_505 = arith.mulf %dot_general3A_491, %logistic3A_504 : vector<512x256xf32>
    %mul3A_506 = arith.mulf %mul3A_505, %dot_general3A_498 : vector<512x256xf32>
    %slice3A_507 = vector.extract_strided_slice %get3A_4 {offsets = [0, 14], sizes = [512, 1], strides = [1, 1]} : vector<512x16xf32> to vector<512x1xf32>
    %mul3A_508 = vector.broadcast %slice3A_507 : vector<512x1xf32> to vector<512x256xf32>
    %mul3A_509 = arith.mulf %mul3A_506, %mul3A_508 : vector<512x256xf32>
    %get3A_510 = arith.constant 14 : index
    %get3A_511 = arith.constant 0 : index
    %get3A_512 = arith.constant 0 : index
    %get3A_513 = vector.load %arg4[%get3A_510, %get3A_511, %get3A_512] : memref<16x768x256xf32, #tpu.memory_space<vmem>>, vector<1x768x256xf32>
    %get3A_514 = vector.shape_cast %get3A_513 : vector<1x768x256xf32> to vector<768x256xf32>
    %dot_general3A_515 = arith.constant dense<0.000000e+00> : vector<512x768xf32>
    %dot_general3A_516 = tpu.matmul %mul3A_509, %get3A_514, %dot_general3A_515 {dimension_numbers = #tpu.dot_dimension_numbers<[1], [1], [0], [0], [0, 0, 1, 0], [], []>, transpose_lhs_hint = false} : vector<512x256xf32>, vector<768x256xf32>, vector<512x768xf32> -> vector<512x768xf32>
    %add3A_517 = arith.addf %add3A_484, %dot_general3A_516 : vector<512x768xf32>
    %get3A_518 = arith.constant 15 : index
    %get3A_519 = arith.constant 0 : index
    %get3A_520 = arith.constant 0 : index
    %get3A_521 = vector.load %arg3[%get3A_518, %get3A_519, %get3A_520] : memref<16x256x768xf32, #tpu.memory_space<vmem>>, vector<1x256x768xf32>
    %get3A_522 = vector.shape_cast %get3A_521 : vector<1x256x768xf32> to vector<256x768xf32>
    %dot_general3A_523 = arith.constant dense<0.000000e+00> : vector<512x256xf32>
    %dot_general3A_524 = tpu.matmul %get3A_1, %get3A_522, %dot_general3A_523 {dimension_numbers = #tpu.dot_dimension_numbers<[1], [1], [0], [0], [0, 0, 1, 0], [], []>, transpose_lhs_hint = false} : vector<512x768xf32>, vector<256x768xf32>, vector<512x256xf32> -> vector<512x256xf32>
    %get3A_525 = arith.constant 15 : index
    %get3A_526 = arith.constant 0 : index
    %get3A_527 = arith.constant 0 : index
    %get3A_528 = vector.load %arg5[%get3A_525, %get3A_526, %get3A_527] : memref<16x256x768xf32, #tpu.memory_space<vmem>>, vector<1x256x768xf32>
    %get3A_529 = vector.shape_cast %get3A_528 : vector<1x256x768xf32> to vector<256x768xf32>
    %dot_general3A_530 = arith.constant dense<0.000000e+00> : vector<512x256xf32>
    %dot_general3A_531 = tpu.matmul %get3A_1, %get3A_529, %dot_general3A_530 {dimension_numbers = #tpu.dot_dimension_numbers<[1], [1], [0], [0], [0, 0, 1, 0], [], []>, transpose_lhs_hint = false} : vector<512x768xf32>, vector<256x768xf32>, vector<512x256xf32> -> vector<512x256xf32>
    %logistic3A_532 = arith.negf %dot_general3A_524 : vector<512x256xf32>
    %logistic3A_533 = math.exp %logistic3A_532 : vector<512x256xf32>
    %logistic3A_534 = arith.constant 1.000000e+00 : f32
    %logistic3A_535 = vector.broadcast %logistic3A_534 : f32 to vector<512x256xf32>
    %logistic3A_536 = arith.addf %logistic3A_535, %logistic3A_533 : vector<512x256xf32>
    %logistic3A_537 = arith.divf %logistic3A_535, %logistic3A_536 : vector<512x256xf32>
    %mul3A_538 = arith.mulf %dot_general3A_524, %logistic3A_537 : vector<512x256xf32>
    %mul3A_539 = arith.mulf %mul3A_538, %dot_general3A_531 : vector<512x256xf32>
    %slice3A_540 = vector.extract_strided_slice %get3A_4 {offsets = [0, 15], sizes = [512, 1], strides = [1, 1]} : vector<512x16xf32> to vector<512x1xf32>
    %mul3A_541 = vector.broadcast %slice3A_540 : vector<512x1xf32> to vector<512x256xf32>
    %mul3A_542 = arith.mulf %mul3A_539, %mul3A_541 : vector<512x256xf32>
    %get3A_543 = arith.constant 15 : index
    %get3A_544 = arith.constant 0 : index
    %get3A_545 = arith.constant 0 : index
    %get3A_546 = vector.load %arg4[%get3A_543, %get3A_544, %get3A_545] : memref<16x768x256xf32, #tpu.memory_space<vmem>>, vector<1x768x256xf32>
    %get3A_547 = vector.shape_cast %get3A_546 : vector<1x768x256xf32> to vector<768x256xf32>
    %dot_general3A_548 = arith.constant dense<0.000000e+00> : vector<512x768xf32>
    %dot_general3A_549 = tpu.matmul %mul3A_542, %get3A_547, %dot_general3A_548 {dimension_numbers = #tpu.dot_dimension_numbers<[1], [1], [0], [0], [0, 0, 1, 0], [], []>, transpose_lhs_hint = false} : vector<512x256xf32>, vector<768x256xf32>, vector<512x768xf32> -> vector<512x768xf32>
    %add3A_550 = arith.addf %add3A_517, %dot_general3A_549 : vector<512x768xf32>
    %swap3A = arith.constant 0 : index
    %swap3A_551 = arith.constant 0 : index
    %swap3A_552 = vector.load %arg9[%swap3A, %swap3A_551] : memref<512x768xf32, #tpu.memory_space<vmem>>, vector<512x768xf32>
    tpu.vector_store %arg9[%swap3A, %swap3A_551], %add3A_550 {strides = array<i32>} : memref<512x768xf32, #tpu.memory_space<vmem>>, vector<512x768xf32>,
    return
  }
  func.func @transform_0(%arg0: i32) -> (i32, i32) {
    %c0_i32 = arith.constant 0 : i32
    %c0_i32_0 = arith.constant 0 : i32
    return %arg0, %c0_i32 : i32, i32
  }
  func.func @transform_1(%arg0: i32) -> (i32, i32) {
    %c0_i32 = arith.constant 0 : i32
    %c0_i32_0 = arith.constant 0 : i32
    return %arg0, %c0_i32 : i32, i32
  }
  func.func @transform_2(%arg0: i32) -> (i32, i32, i32) {
    %c0_i32 = arith.constant 0 : i32
    %c0_i32_0 = arith.constant 0 : i32
    %c0_i32_1 = arith.constant 0 : i32
    %c0_i32_2 = arith.constant 0 : i32
    return %c0_i32, %c0_i32_0, %c0_i32_1 : i32, i32, i32
  }
  func.func @transform_3(%arg0: i32) -> (i32, i32, i32) {
    %c0_i32 = arith.constant 0 : i32
    %c0_i32_0 = arith.constant 0 : i32
    %c0_i32_1 = arith.constant 0 : i32
    %c0_i32_2 = arith.constant 0 : i32
    return %c0_i32, %c0_i32_0, %c0_i32_1 : i32, i32, i32
  }
  func.func @transform_4(%arg0: i32) -> (i32, i32, i32) {
    %c0_i32 = arith.constant 0 : i32
    %c0_i32_0 = arith.constant 0 : i32
    %c0_i32_1 = arith.constant 0 : i32
    %c0_i32_2 = arith.constant 0 : i32
    return %c0_i32, %c0_i32_0, %c0_i32_1 : i32, i32, i32
  }
  func.func @transform_5(%arg0: i32) -> (i32, i32) {
    %c0_i32 = arith.constant 0 : i32
    %c0_i32_0 = arith.constant 0 : i32
    %c0_i32_1 = arith.constant 0 : i32
    return %c0_i32, %c0_i32_0 : i32, i32
  }
  func.func @transform_6(%arg0: i32) -> (i32, i32) {
    %c0_i32 = arith.constant 0 : i32
    %c0_i32_0 = arith.constant 0 : i32
    %c0_i32_1 = arith.constant 0 : i32
    return %c0_i32, %c0_i32_0 : i32, i32
  }
  func.func @transform_7(%arg0: i32) -> (i32, i32) {
    %c0_i32 = arith.constant 0 : i32
    %c0_i32_0 = arith.constant 0 : i32
    %c0_i32_1 = arith.constant 0 : i32
    return %c0_i32, %c0_i32_0 : i32, i32
  }
  func.func @transform_8(%arg0: i32) -> (i32, i32) {
    %c0_i32 = arith.constant 0 : i32
    %c0_i32_0 = arith.constant 0 : i32
    return %arg0, %c0_i32 : i32, i32
  }
}

module attributes {stable_mosaic.version = 14 : i64} {
  func.func @_score_kernel(%arg0: i32, %arg1: memref<512x768xf32, #tpu.memory_space<vmem>>, %arg2: memref<16x768xf32, #tpu.memory_space<vmem>>, %arg3: memref<16x1xf32, #tpu.memory_space<vmem>>, %arg4: memref<16x512xf32, #tpu.memory_space<vmem>>, %arg5: memref<8x512xf32, #tpu.memory_space<vmem>>) attributes {dimension_semantics = [#tpu.dimension_semantics<arbitrary>], iteration_bounds = array<i64: 4>, scalar_prefetch = 0 : i64, scratch_operands = 0 : i64, tpu.core_type = #tpu.core_type<tc>, window_params = [{transform_indices = @transform_0, window_bounds = array<i64: 512, 768>}, {pipeline_mode = #tpu.pipeline_mode<synchronous>, transform_indices = @transform_1, window_bounds = array<i64: 16, 768>}, {pipeline_mode = #tpu.pipeline_mode<synchronous>, transform_indices = @transform_2, window_bounds = array<i64: 16, 1>}, {transform_indices = @transform_3, window_bounds = array<i64: 16, 512>}, {transform_indices = @transform_4, window_bounds = array<i64: 8, 512>}]} {
    %get3A = arith.constant 0 : index
    %get3A_0 = arith.constant 0 : index
    %get3A_1 = vector.load %arg2[%get3A, %get3A_0] : memref<16x768xf32, #tpu.memory_space<vmem>>, vector<16x768xf32>
    %get3A_2 = arith.constant 0 : index
    %get3A_3 = arith.constant 0 : index
    %get3A_4 = vector.load %arg1[%get3A_2, %get3A_3] : memref<512x768xf32, #tpu.memory_space<vmem>>, vector<512x768xf32>
    %dot_general3A = arith.constant dense<0.000000e+00> : vector<16x512xf32>
    %dot_general3A_5 = tpu.matmul %get3A_1, %get3A_4, %dot_general3A {dimension_numbers = #tpu.dot_dimension_numbers<[1], [1], [0], [0], [0, 0, 1, 0], [], []>, transpose_lhs_hint = false} : vector<16x768xf32>, vector<512x768xf32>, vector<16x512xf32> -> vector<16x512xf32>
    %logistic3A = arith.negf %dot_general3A_5 : vector<16x512xf32>
    %logistic3A_6 = math.exp %logistic3A : vector<16x512xf32>
    %logistic3A_7 = arith.constant 1.000000e+00 : f32
    %logistic3A_8 = vector.broadcast %logistic3A_7 : f32 to vector<16x512xf32>
    %logistic3A_9 = arith.addf %logistic3A_8, %logistic3A_6 : vector<16x512xf32>
    %logistic3A_10 = arith.divf %logistic3A_8, %logistic3A_9 : vector<16x512xf32>
    %swap3A = arith.constant 0 : index
    %swap3A_11 = arith.constant 0 : index
    %swap3A_12 = vector.load %arg4[%swap3A, %swap3A_11] : memref<16x512xf32, #tpu.memory_space<vmem>>, vector<16x512xf32>
    tpu.vector_store %arg4[%swap3A, %swap3A_11], %logistic3A_10 {strides = array<i32>} : memref<16x512xf32, #tpu.memory_space<vmem>>, vector<16x512xf32>,
    %get3A_13 = arith.constant 0 : index
    %get3A_14 = arith.constant 0 : index
    %get3A_15 = vector.load %arg3[%get3A_13, %get3A_14] : memref<16x1xf32, #tpu.memory_space<vmem>>, vector<16x1xf32>
    %add3A = vector.broadcast %get3A_15 : vector<16x1xf32> to vector<16x512xf32>
    %add3A_16 = arith.addf %logistic3A_10, %add3A : vector<16x512xf32>
    %reshape3A = vector.shape_cast %add3A_16 : vector<16x512xf32> to vector<8x2x512xf32>
    %reduce_sum3A = arith.constant dense<0.000000e+00> : vector<8x512xf32>
    %reduce_sum3A_17 = vector.multi_reduction <add>, %reshape3A, %reduce_sum3A [1] : vector<8x2x512xf32> to vector<8x512xf32>
    %swap3A_18 = arith.constant 0 : index
    %swap3A_19 = arith.constant 0 : index
    %swap3A_20 = vector.load %arg5[%swap3A_18, %swap3A_19] : memref<8x512xf32, #tpu.memory_space<vmem>>, vector<8x512xf32>
    tpu.vector_store %arg5[%swap3A_18, %swap3A_19], %reduce_sum3A_17 {strides = array<i32>} : memref<8x512xf32, #tpu.memory_space<vmem>>, vector<8x512xf32>,
    return
  }
  func.func @transform_0(%arg0: i32) -> (i32, i32) {
    %c0_i32 = arith.constant 0 : i32
    %c0_i32_0 = arith.constant 0 : i32
    return %arg0, %c0_i32 : i32, i32
  }
  func.func @transform_1(%arg0: i32) -> (i32, i32) {
    %c0_i32 = arith.constant 0 : i32
    %c0_i32_0 = arith.constant 0 : i32
    %c0_i32_1 = arith.constant 0 : i32
    return %c0_i32, %c0_i32_0 : i32, i32
  }
  func.func @transform_2(%arg0: i32) -> (i32, i32) {
    %c0_i32 = arith.constant 0 : i32
    %c0_i32_0 = arith.constant 0 : i32
    %c0_i32_1 = arith.constant 0 : i32
    return %c0_i32, %c0_i32_0 : i32, i32
  }
  func.func @transform_3(%arg0: i32) -> (i32, i32) {
    %c0_i32 = arith.constant 0 : i32
    %c0_i32_0 = arith.constant 0 : i32
    return %c0_i32, %arg0 : i32, i32
  }
  func.func @transform_4(%arg0: i32) -> (i32, i32) {
    %c0_i32 = arith.constant 0 : i32
    %c0_i32_0 = arith.constant 0 : i32
    return %c0_i32, %arg0 : i32, i32
  }
}

</mosaic_0001>

<sc_bundles>
// kernel: kernel.5.cloned.1.call-start
scs
__scs_entry_jumppad:
0x0: {  	(pc) =	sbr.rel $0x88, $3  }
0x1: {  	(tag) =	ssettag $0x0;
	lr =	simm.s32 $0x1  }
0x2: {  	[smem:$0x3F98] =	sst lr;
	_ =	strace $0xD0000000  }
0x3: {  	_ = 	snop  }
0x4: {  	_ = 	snop  }
0x5: {  	_ = 	snop  }
0x6: {  	_ = 	snop  }
0x7: {  	_ = 	snop  }
__scs_overlays_trampoline_lowered:
0x8: {  	[smem:$0x3FA7] =	sst s0  }
0x9: {  	[smem:$0x3FA8] =	sst s1  }
0xa: {  	[smem:$0x3FA9] =	sst s2  }
0xb: {  	[smem:$0x3FAA] =	sst s3  }
0xc: {  	[smem:$0x3FAB] =	sst s4  }
0xd: {  	[smem:$0x3FAC] =	sst s5  }
0xe: {  	[smem:$0x3FAD] =	sst s6  }
0xf: {  	[smem:$0x3FAE] =	sst s7  }
0x10: {  	[smem:$0x3FAF] =	sst s8  }
0x11: {  	[smem:$0x3FB0] =	sst s9;
	s0 =	simm.s32 @!p0 $0x0  }
0x12: {  	s1 =	sld [smem:$0x3F96];
	s0 =	simm.s32 @p0 $0x1  }
0x13: {  	[smem:$0x3FB1] =	sst s0;
	s0 =	simm.s32 @!p1 $0x0  }
0x14: {  	s2 =	sld [smem:$0x3F95];
	s0 =	simm.s32 @p1 $0x1  }
0x15: {  	[smem:$0x3FB2] =	sst s0;
	s0 =	simm.s32 @!p2 $0x0  }
0x16: {  	s3 =	sld [smem:$0x3FDB];
	s0 =	simm.s32 @p2 $0x1  }
0x17: {  	s4 =	simm.s32 $0x1BF5;
	[smem:$0x3FB4] =	sst s0  }
0x18: {  	s0 =	sld [smem:$0x3F97];
	_ =	swait.ge [sflag:s4], $0x0  }
0x19: {  	s7 =	sld [smem:$0x3F98]  }
0x1a: {  	s8 =	sadd.s32 $0xFFFFE003, lr  }
0x1b: {  	s9 =	sadd.s32 $0xFFFFFEF7, lr;
	s5 =	simm.s32 $0xFFFFFFFF;
	p2 =	slt.u32 s8, $0xFFFFF086  }
0x1c: {  	p1 =	slt.u32 s9, $0xF7A;
	s5 =	simm.s32 @!p2 $0x0  }
0x1d: {  	s5 =	simm.s32 @p1 $0x1;
	p0 =	seq.s32 s7, s2  }
0x1e: {  	s7 =	smul.u32 @!p0 $0xF7A, s2;
	p2 =	seq.s32 @!p0 s5, $0x0  }
0x1f: {  	s9 =	smul.u32 $0xF7A, s1;
	s8 =	simm.s32 @!p0 $0x1BF5;
	p2 =	por !p2, p0  }
0x20: {  	[sflag:s8] =	ssyncset.s32 @!p0 $0xFFFFF086;
	s6 =	sadd.s32 @!p0 s3, s7;
	s7 =	simm.s32 @!p0 $0x108  }
0x21: {  	s3 =	sadd.s32 s3, s9;
	s6 =	sadd.s32 @!p0 $0x88, s6;
	s7 =	simm.s32 @p2 $0x1082  }
0x22: {  	[simem:s7], [sflag:s8] =	dma.local @!p0 [hbm:s6], $0xF7A  }
0x23: {  	s9 =	sor.u32 $0xD0000000, s2;
	s6 =	simm.s32 $0x108;
	_ =	swait.ge @!p0 [sflag:s8], $0x0  }
0x24: {  	s3 =	sadd.s32 $0x88, s3;
	s6 =	simm.s32 @!p1 $0x1082;
	[sflag:s4] =	ssyncset.s32 $0xFFFFF086  }
0x25: {  	[simem:s6], [sflag:s4] =	dma.local [hbm:s3], $0xF7A  }
0x26: {  	[smem:$0x3F98] =	sst s1;
	(tag) =	ssettag s2;
	_ =	strace s9  }
0x27: {  	s1 =	sld [smem:$0x3FA8]  }
0x28: {  	s2 =	sld [smem:$0x3FA9]  }
0x29: {  	s4 =	sld [smem:$0x3FAB]  }
0x2a: {  	p0 =	seq.s32 s5, $0x0;
	s5 =	sld [smem:$0x3FAC]  }
0x2b: {  	s6 =	sld [smem:$0x3FAD]  }
0x2c: {  	s7 =	sld [smem:$0x3FAE]  }
0x2d: {  	s3 =	simm.s32 $0x108;
	s8 =	sld [smem:$0x3FAF]  }
0x2e: {  	s3 =	simm.s32 @!p0 $0x1082;
	s9 =	sld [smem:$0x3FB0]  }
0x2f: {  	lr =	sadd.s32 s0, s3;
	s0 =	sld [smem:$0x3FA7]  }
0x30: {  	s3 =	sld [smem:$0x3FAA]  }
0x31: {  	[smem:$0x3FB3] =	sst s10  }
0x32: {  	s10 =	sld [smem:$0x3FB1];
	_ =	sdelay $0x3  }
0x33: {  	p0 =	seq.s32 s10, $0x1;
	s10 =	sld [smem:$0x3FB3];
	_ =	sdelay $0x3  }
0x34: {  	[smem:$0x3FB3] =	sst s10  }
0x35: {  	s10 =	sld [smem:$0x3FB2];
	_ =	sdelay $0x3  }
0x36: {  	p1 =	seq.s32 s10, $0x1;
	s10 =	sld [smem:$0x3FB3];
	_ =	sdelay $0x3  }
0x37: {  	[smem:$0x3FB3] =	sst s10  }
0x38: {  	s10 =	sld [smem:$0x3FB4]  }
0x39: {  	_ = 	snop;
	(pc) =	sbr.ind lr, $3  }
0x3a: {  	_ = 	snop  }
0x3b: {  	_ = 	snop  }
0x3c: {  	p2 =	seq.s32 s10, $0x1;
	s10 =	sld [smem:$0x3FB3]  }
0x3d: {  	_ =	shalt  }
0x3e: {  	_ =	shalt  }
0x3f: {  	_ =	shalt  }
0x40: {  	_ =	shalt  }
0x41: {  	_ =	shalt  }
0x42: {  	_ =	shalt  }
0x43: {  	_ =	shalt  }
0x44: {  	_ =	shalt  }
0x45: {  	_ =	shalt  }
0x46: {  	_ =	shalt  }
0x47: {  	_ =	shalt  }
0x48: {  	_ =	shalt  }
0x49: {  	_ =	shalt  }
0x4a: {  	_ =	shalt  }
0x4b: {  	_ =	shalt  }
0x4c: {  	_ =	shalt  }
0x4d: {  	_ =	shalt  }
0x4e: {  	_ =	shalt  }
0x4f: {  	_ =	shalt  }
0x50: {  	_ =	shalt  }
0x51: {  	_ =	shalt  }
0x52: {  	_ =	shalt  }
0x53: {  	_ =	shalt  }
0x54: {  	_ =	shalt  }
0x55: {  	_ =	shalt  }
0x56: {  	_ =	shalt  }
0x57: {  	_ =	shalt  }
0x58: {  	_ =	shalt  }
0x59: {  	_ =	shalt  }
0x5a: {  	_ =	shalt  }
0x5b: {  	_ =	shalt  }
0x5c: {  	_ =	shalt  }
0x5d: {  	_ =	shalt  }
0x5e: {  	_ =	shalt  }
0x5f: {  	_ =	shalt  }
0x60: {  	_ =	shalt  }
0x61: {  	_ =	shalt  }
0x62: {  	_ =	shalt  }
0x63: {  	_ =	shalt  }
0x64: {  	_ =	shalt  }
0x65: {  	_ =	shalt  }
0x66: {  	_ =	shalt  }
0x67: {  	_ =	shalt  }
0x68: {  	_ =	shalt  }
0x69: {  	_ =	shalt  }
0x6a: {  	_ =	shalt  }
0x6b: {  	_ =	shalt  }
0x6c: {  	_ =	shalt  }
0x6d: {  	_ =	shalt  }
0x6e: {  	_ =	shalt  }
0x6f: {  	_ =	shalt  }
0x70: {  	_ =	shalt  }
0x71: {  	_ =	shalt  }
0x72: {  	_ =	shalt  }
0x73: {  	_ =	shalt  }
0x74: {  	_ =	shalt  }
0x75: {  	_ =	shalt  }
0x76: {  	_ =	shalt  }
0x77: {  	_ =	shalt  }
0x78: {  	_ =	shalt  }
0x79: {  	_ =	shalt  }
0x7a: {  	_ =	shalt  }
0x7b: {  	_ =	shalt  }
0x7c: {  	_ =	shalt  }
0x7d: {  	_ =	shalt  }
0x7e: {  	_ =	shalt  }
0x7f: {  	_ =	shalt  }
0x80: {  	_ =	shalt  }
0x81: {  	_ =	shalt  }
0x82: {  	_ =	shalt  }
0x83: {  	_ =	shalt  }
0x84: {  	_ =	shalt  }
0x85: {  	_ =	shalt  }
0x86: {  	_ =	shalt  }
0x87: {  	_ =	shalt  }
.Lfunc_end0:
.L_simem_size_0:
called_computation_lowered:
.L_overlay_start_0:
0x88: {  	s2 =	sld [smem:$0x3FD9]  }
0x89: {  	s3 =	sld [smem:$0x3FFE];
	_ =	sdelay $0x1  }
0x8a: {  	s1 =	srdreg.scid  }
0x8b: {  	s0 =	sand.u32 $0x1, s1  }
0x8c: {  	s17 =	sshll.u32 s0, $0xA;
	s2 =	sadd.s32 s3, s2  }
0x8d: {  	s2 =	sadd.s32 s2, s17  }
0x8e: {  	[smem:$0x3FBF] =	sst s2  }
0x8f: {  	_ = 	snop  }
0x90: {  	s2 =	sld [smem:$0x3FD0];
	(tm) =	ssettm $0x1  }
0x91: {  	s18 =	sld [smem:$0x3FFB];
	_ =	sdelay $0x3  }
0x92: {  	_ =	strace s18  }
0x93: {  	s3 =	sld [smem:$0x3FFC];
	_ =	sdelay $0x3  }
0x94: {  	_ =	strace s3  }
0x95: {  	s3 =	sld [smem:$0x3FFD];
	_ =	sdelay $0x3  }
0x96: {  	_ =	strace s3  }
0x97: {  	_ =	strace $0x8FFFFFFF  }
0x98: {  	s19 =	sld [smem:$0x3FDB];
	_ =	sdelay $0x1  }
0x99: {  	s4 =	simm.s32 $_scs_section_size  }
0x9a: {  	s5 =	simm.s32 $_size__tile_overlayer_lowered;
	s6 =	simm.s32 $_tile_overlayer_lowered  }
0x9b: {  	s22 =	simm.s32 $0x1BFF;
	s21 =	sshll.u32 s6, $0x1;
	s3 =	sadd.s32 s4, s19  }
0x9c: {  	s7 =	simm.s32 $0x0;
	s20 =	sshll.u32 s5, $0x1;
	s5 =	sadd.s32 s21, s3  }
0x9d: {  	[timem:s7], [sflag:s22] =	dma.local [hbm:s5], s20  }
0x9e: {  	_ =	swait.ge [sflag:s22], s20  }
0x9f: {  	s4 =	ssub.s32 $0x0, s20;
	[sflag:s22] =	ssyncset.done $0x0  }
0xa0: {  	[sflag:s22] =	ssyncadd.s32 s4;
	_ =	sdelay $0x1  }
0xa1: {  	s23 =	simm.s32 $0x1B8B  }
0xa2: {  	_ =	swait.ge [sflag:s23], $0x1  }
0xa3: {  	[sflag:s23] =	ssyncset.done $0x0  }
0xa4: {  	s25 =	simm.s32 $0x1B8E;
	s24 =	sld [smem:$0x3FFE];
	[sflag:s23] =	ssyncadd.s32 $0xFFFFFFFF  }
0xa5: {  	s26 =	simm.s32 $execute0_lowered;
	[smem:$0x3FD2] =	sst s25  }
0xa6: {  	s5 =	sshll.u32 s26, $0x1;
	_ =	strace $0x80000046;
	[dreg:$0x1] =	wrdreg $0xFFFFFFFF  }
0xa7: {  	s28 =	simm.s32 $_size_execute0_lowered;
	s3 =	sadd.s32 s3, s5;
	[dreg:$0x0] =	wrdreg $0x0  }
0xa8: {  	s5 =	sshll.u32 s28, $0x1;
	[dreg:$0x2] =	wrdreg s3  }
0xa9: {  	[dreg:$0x3] =	wrdreg s5  }
0xaa: {  	[dreg:$0x4] =	wrdreg $0xC0  }
0xab: {  	_ =	task [dreg:s7], $0x5FFFF  }
0xac: {  	[dreg:$0x1] =	wrdreg $0xFFFFFFFF  }
0xad: {  	[dreg:$0x0] =	wrdreg $0x60  }
0xae: {  	[dreg:$0x2] =	wrdreg s24  }
0xaf: {  	[dreg:$0x3] =	wrdreg s2  }
0xb0: {  	[dreg:$0x4] =	wrdreg $0x9  }
0xb1: {  	_ =	task.clear_ibuf [dreg:s7], $0x5FFFF;
	_ =	strace $0x90000046  }
0xb2: {  	s29 =	simm.s32 $0x9;
	_ =	strace $0x80000048  }
0xb3: {  	_ =	swait.ge [sflag:s29], $0x1  }
0xb4: {  	[sflag:s29] =	ssyncadd.s32 $0xFFFFFFFF  }
0xb5: {  	_ =	strace $0x90000048  }
0xb6: {  	_ =	sfence  }
0xb7: {  	s30 =	sld [smem:$0x0];
	_ =	sdelay $0x2  }
0xb8: {  	s31 =	sshll.u32 s1, $0xD;
	s1 =	sshrl.u32 s1, $0x2  }
0xb9: {  	s3 =	sand.u32 $0x4000, s31;
	s1 =	sadd.s32 s1, s30  }
0xba: {  	s0 =	sor.u32 s3, s0;
	s1 =	sshll.u32 s1, $0x11  }
0xbb: {  	s0 =	sor.u32 s1, s0  }
0xbc: {  	s0 =	sadd.s32 $0x8F2B, s0  }
0xbd: {  	[sflag:s0] =	ssyncadd.remote.s32 $0x1  }
0xbe: {  	_ =	sfence.sel $0xFFFF  }
0xbf: {  	[dreg:$0x0] =	wrdreg $0xFFFFFFFF;
	(pc) =	sbr.abs _section_cstart, $3  }
0xc0: {  	[dreg:$0x1] =	wrdreg $0xFFFFFFFF  }
0xc1: {  	_ =	task.clear_ibuf [dreg:s7], $0x2FFFF;
	_ =	strace $0x9FFFFFFF  }
0xc2: {  	(tm) =	ssettm $0x7FFFFFFF  }
0xc3: {  	_ =	shalt  }
tec
execute0_lowered:
.L_overlay_start_1:
0x0: {  	(tag) =	ssettag $0x1  }
0x1: {  	s3 =	rddreg [dreg:$0x0]  }
0x2: {  	s0 =	rddreg [dreg:$0x1]  }
0x3: {  	s1 =	srdreg.scid;
	s2 =	stileid.u32;
	s4 =	simm.s32 $0x0  }
0x4: {  	s9 =	sand.u32 $0x1, s1;
	s22 =	sshll.u32 s2, $0x1;
	[smem:$0x7FF] =	sst s4  }
0x5: {  	s23 =	sadd.s32 $0x1800, s3;
	s3 =	sadd.s32 $0x2800, s3;
	s1 =	sor.u32 s9, s22  }
0x6: {  	_ =	strace $0x80000047;
	[dreg:$0x3] =	wrdreg s23;
	s2 =	sshll.u32 s1, $0x9  }
0x7: {  	s7 =	sshll.u32 s9, $0x6;
	s1 =	sshll.u32 s1, $0x8;
	s4 =	sand.u32 $0x3C00, s2  }
0x8: {  	[dreg:$0x4] =	wrdreg s3;
	s0 =	sadd.s32 s0, s1;
	s8 =	sor.u32 $0x4000, s4  }
0x9: {  	s6 =	sor.u32 $0x4080, s4;
	[smem:$0x7FB] =	sst s0;
	s24 =	sor.u32 s7, s8  }
0xa: {  	s12 =	sor.u32 $0x4100, s4;
	s25 =	sor.u32 s7, s6;
	[dreg:$0x5] =	wrdreg s24  }
0xb: {  	s13 =	sor.u32 $0x4180, s4;
	s26 =	sor.u32 s7, s12;
	[dreg:$0x6] =	wrdreg s25  }
0xc: {  	s14 =	sor.u32 $0x4200, s4;
	s5 =	sor.u32 s7, s13;
	[dreg:$0x7] =	wrdreg s26  }
0xd: {  	s15 =	sor.u32 $0x4280, s4;
	s10 =	sor.u32 s7, s14;
	[dreg:$0x8] =	wrdreg s5  }
0xe: {  	s16 =	sor.u32 $0x4300, s4;
	s11 =	sor.u32 s7, s15;
	[dreg:$0x9] =	wrdreg s10  }
0xf: {  	s17 =	sor.u32 s7, s16;
	[dreg:$0xa] =	wrdreg s11;
	s5 =	sor.u32 $0x4380, s4  }
0x10: {  	[dreg:$0xb] =	wrdreg s17;
	s11 =	sor.u32 $0x10, s7;
	s18 =	sor.u32 s7, s5  }
0x11: {  	s19 =	sor.u32 s11, s8;
	[dreg:$0xc] =	wrdreg s18  }
0x12: {  	s20 =	sor.u32 s11, s6;
	[dreg:$0xd] =	wrdreg s19  }
0x13: {  	s21 =	sor.u32 s11, s12;
	[dreg:$0xe] =	wrdreg s20  }
0x14: {  	s22 =	sor.u32 s11, s13;
	[dreg:$0xf] =	wrdreg s21  }
0x15: {  	s23 =	sor.u32 s11, s14;
	[dreg:$0x10] =	wrdreg s22  }
0x16: {  	s24 =	sor.u32 s11, s15;
	[dreg:$0x11] =	wrdreg s23  }
0x17: {  	s25 =	sor.u32 s11, s16;
	[dreg:$0x12] =	wrdreg s24  }
0x18: {  	s17 =	sor.u32 $0x20, s7;
	s26 =	sor.u32 s11, s5;
	[dreg:$0x13] =	wrdreg s25  }
0x19: {  	[dreg:$0x14] =	wrdreg s26;
	s18 =	sor.u32 s17, s8  }
0x1a: {  	s3 =	sor.u32 s7, s4;
	s19 =	sor.u32 s17, s6;
	[dreg:$0x15] =	wrdreg s18  }
0x1b: {  	s21 =	sor.u32 $0x80, s3;
	[dreg:$0x16] =	wrdreg s19  }
0x1c: {  	s20 =	sor.u32 s17, s12;
	[smem:$0x7EC] =	sst s21  }
0x1d: {  	s23 =	sor.u32 $0x100, s3;
	[dreg:$0x17] =	wrdreg s20  }
0x1e: {  	s22 =	sor.u32 s17, s13;
	[smem:$0x7ED] =	sst s23  }
0x1f: {  	s24 =	sor.u32 s17, s14;
	s26 =	sor.u32 s7, s2;
	[dreg:$0x18] =	wrdreg s22  }
0x20: {  	[dreg:$0x19] =	wrdreg s24;
	s18 =	sor.u32 $0x200, s26  }
0x21: {  	s19 =	sor.u32 s17, s15;
	[smem:$0x7EE] =	sst s18  }
0x22: {  	s20 =	sor.u32 s17, s16;
	[dreg:$0x1a] =	wrdreg s19  }
0x23: {  	s22 =	sor.u32 $0x280, s26;
	[dreg:$0x1b] =	wrdreg s20  }
0x24: {  	s21 =	sor.u32 s17, s5;
	[smem:$0x7EF] =	sst s22  }
0x25: {  	s24 =	sor.u32 $0x300, s26;
	[dreg:$0x1c] =	wrdreg s21  }
0x26: {  	s26 =	sor.u32 $0x380, s26;
	[smem:$0x7F0] =	sst s24  }
0x27: {  	s9 =	ssub.s32 $0x2, s9;
	[smem:$0x7F1] =	sst s26;
	s24 =	simm.s32 $0x8000  }
0x28: {  	s19 =	sor.u32 $0x30, s7;
	s26 =	simm.s32 $0xC000;
	[smem:$0x7FC] =	sst s24  }
0x29: {  	s10 =	sshrl.u32 s9, $0x1;
	s23 =	sor.u32 s19, s8;
	[smem:$0x7FD] =	sst s26  }
0x2a: {  	s7 =	sor.u32 s11, s2;
	s6 =	sor.u32 s19, s6;
	[dreg:$0x1d] =	wrdreg s23  }
0x2b: {  	s25 =	ssub.s32 s9, s10;
	s8 =	sor.u32 $0x200, s7;
	[dreg:$0x1e] =	wrdreg s6  }
0x2c: {  	s10 =	sor.u32 s11, s4;
	s9 =	sor.u32 s19, s12;
	[smem:$0x7F2] =	sst s8  }
0x2d: {  	s25 =	smax.u32 s25, $0x1;
	s11 =	sor.u32 $0x280, s7;
	[dreg:$0x1f] =	wrdreg s9  }
0x2e: {  	s28 =	sor.u32 $0x80, s10;
	s12 =	sor.u32 s19, s13;
	[smem:$0x7F3] =	sst s11  }
0x2f: {  	s29 =	sor.u32 $0x100, s10;
	s13 =	sor.u32 $0x300, s7;
	[smem:$0x7F4] =	sst s12  }
0x30: {  	s30 =	sor.u32 $0x180, s10;
	s20 =	sor.u32 $0x380, s7;
	[smem:$0x7F5] =	sst s13  }
0x31: {  	s14 =	sor.u32 s19, s14;
	s21 =	sor.u32 s19, s15;
	[smem:$0x7F6] =	sst s20  }
0x32: {  	s22 =	sor.u32 s19, s16;
	s15 =	sor.u32 s17, s4;
	[smem:$0x7F7] =	sst s14  }
0x33: {  	s18 =	sor.u32 s19, s4;
	s26 =	sor.u32 $0x180, s3;
	[smem:$0x7F8] =	sst s21  }
0x34: {  	s20 =	sor.u32 s17, s2;
	[smem:$0x7F9] =	sst s22;
	s2 =	sor.u32 s19, s2  }
0x35: {  	s23 =	sor.u32 s19, s5;
	s31 =	sor.u32 $0x80, s15;
	s0 =	sor.u32 $0x100, s15  }
0x36: {  	s1 =	sor.u32 $0x180, s15;
	s4 =	sor.u32 $0x100, s18;
	s5 =	sor.u32 $0x180, s18  }
0x37: {  	s6 =	simm.s32 $0x1;
	s9 =	simm.s32 $0x0;
	s16 =	sor.u32 $0x200, s20  }
0x38: {  	s17 =	sor.u32 $0x280, s20;
	s19 =	sor.u32 $0x300, s20;
	s20 =	sor.u32 $0x380, s20  }
0x39: {  	[smem:$0x7FA] =	sst s23;
	s21 =	sor.u32 $0x200, s2;
	s22 =	sor.u32 $0x280, s2  }
0x3a: {  	v0 =	vimm.f32 $0.0e+00;
	s23 =	sor.u32 $0x300, s2;
	s24 =	sor.u32 $0x380, s2;
	s2 =	sor.u32 $0x80, s18  }
.LBB2_1:
0x3b: {  	s7 =	rddreg [dreg:$0x3]  }
0x3c: {  	[tilespmem:s9], [sflag:$0x1] =	stream.linear.gather [hbm4b:s7+s9], $0x8000, $0x38;
	[tilespmem:$0xC800] =	vst v63  }
0x3d: {  	_ =	swait.ge [sflag:s6], $0x8000  }
0x3e: {  	s8 =	sld [smem:$0x7FC]  }
0x3f: {  	[sflag:s6] =	ssyncset.done $0x0  }
0x40: {  	s14 =	rddreg [dreg:$0x4];
	[sflag:s6] =	ssyncadd.s32 $0xFFFF8000  }
0x41: {  	[tilespmem:s8], [sflag:$0x1] =	stream.linear.gather [hbm4b:s14+s9], $0x4000, $0x38;
	[tilespmem:$0xC800] =	vst v63  }
0x42: {  	_ =	swait.ge [sflag:s6], $0x4000  }
0x43: {  	[sflag:s6] =	ssyncset.done $0x0  }
0x44: {  	s7 =	sld [smem:$0x7EC];
	[sflag:s6] =	ssyncadd.s32 $0xFFFFC000  }
0x45: {  	s8 =	sld [smem:$0x7ED];
	v7 =	vld [tilespmem:s3+$0x8000]  }
0x46: {  	s11 =	sld [smem:$0x7EE];
	v5 =	vld [tilespmem:s26+$0x8000]  }
0x47: {  	s12 =	sld [smem:$0x7EF];
	v8 =	vld [tilespmem:s7+$0x8000]  }
0x48: {  	v6 =	vld [tilespmem:s8+$0x8000]  }
0x49: {  	v4 =	vld [tilespmem:s11+$0x8000]  }
0x4a: {  	v2 =	vld [tilespmem:s12+$0x8000];
	_ =	sdelay $0x2  }
0x4b: {  	vm11 =	vgt.f32 v5, v7;
	vm0 =	vgt.f32 v8, v7  }
0x4c: {  	vm1 =	vgt.f32 v6, v7;
	v9 =	vsel vm11, $0x3F800000, v0;
	vm12 =	vgt.f32 v4, v7  }
0x4d: {  	vm13 =	vgt.f32 v2, v7;
	vm15 =	vge.f32 v7, v8;
	vm4 =	vgt.f32 v6, v8  }
0x4e: {  	vm5 =	vgt.f32 v5, v8;
	vm6 =	vge.f32 v7, v6;
	vm7 =	vge.f32 v8, v6  }
0x4f: {  	vm8 =	vgt.f32 v4, v8;
	vm9 =	vgt.f32 v5, v6;
	vm10 =	vgt.f32 v2, v8  }
0x50: {  	vm11 =	vgt.f32 v4, v6;
	v1 =	vsel vm0, $0x3F800000, v0;
	v3 =	vsel vm1, $0x3F800000, v0  }
0x51: {  	v10 =	vsel vm12, $0x3F800000, v0;
	v15 =	vsel vm13, $0x3F800000, v0;
	v17 =	vsel vm15, $0x3F800000, v0  }
0x52: {  	v11 =	vsel vm4, $0x3F800000, v0;
	v18 =	vsel vm5, $0x3F800000, v0;
	v19 =	vsel vm6, $0x3F800000, v0  }
0x53: {  	v20 =	vsel vm7, $0x3F800000, v0;
	v13 =	vsel vm8, $0x3F800000, v0;
	v21 =	vsel vm9, $0x3F800000, v0  }
0x54: {  	v22 =	vsel vm10, $0x3F800000, v0;
	v23 =	vsel vm11, $0x3F800000, v0;
	vm13 =	vgt.f32 v2, v6  }
0x55: {  	vm15 =	vge.f32 v7, v5;
	vm6 =	vge.f32 v8, v5;
	vm7 =	vge.f32 v6, v5  }
0x56: {  	vm9 =	vgt.f32 v4, v5;
	vm10 =	vgt.f32 v2, v5;
	vm4 =	vge.f32 v7, v4  }
0x57: {  	s13 =	sld [smem:$0x7F0];
	vm5 =	vge.f32 v8, v4;
	v3 =	vadd.f32 v3, v1;
	v25 =	vsel vm13, $0x3F800000, v0  }
0x58: {  	v26 =	vsel vm15, $0x3F800000, v0;
	v27 =	vsel vm6, $0x3F800000, v0;
	v29 =	vsel vm7, $0x3F800000, v0  }
0x59: {  	v31 =	vsel vm9, $0x3F800000, v0;
	v32 =	vsel vm10, $0x3F800000, v0;
	v34 =	vsel vm4, $0x3F800000, v0  }
0x5a: {  	v1 =	vld [tilespmem:s13+$0x8000];
	v35 =	vsel vm5, $0x3F800000, v0;
	vm13 =	vge.f32 v6, v4;
	vm15 =	vge.f32 v8, v2  }
0x5b: {  	vm9 =	vge.f32 v6, v2;
	vm10 =	vgt.f32 v2, v4;
	v9 =	vadd.f32 v9, v3  }
0x5c: {  	v37 =	vsel vm13, $0x3F800000, v0;
	v39 =	vsel vm15, $0x3F800000, v0;
	v41 =	vsel vm9, $0x3F800000, v0  }
0x5d: {  	s14 =	sld [smem:$0x7F1];
	v42 =	vsel vm10, $0x3F800000, v0;
	vm13 =	vge.f32 v4, v2;
	v9 =	vadd.f32 v10, v9  }
0x5e: {  	v47 =	vsel vm13, $0x3F800000, v0;
	v10 =	vadd.f32 v11, v17;
	v11 =	vadd.f32 v20, v19  }
0x5f: {  	vm14 =	vgt.f32 v1, v7;
	vm12 =	vgt.f32 v1, v8;
	vm3 =	vgt.f32 v1, v6  }
0x60: {  	v3 =	vld [tilespmem:s14+$0x8000];
	vm11 =	vgt.f32 v1, v5;
	vm15 =	vgt.f32 v1, v2;
	vm9 =	vge.f32 v8, v1  }
0x61: {  	vm10 =	vge.f32 v6, v1;
	vm13 =	vge.f32 v4, v1;
	v9 =	vadd.f32 v15, v9  }
0x62: {  	v16 =	vsel vm14, $0x3F800000, v0;
	v10 =	vadd.f32 v18, v10;
	v11 =	vadd.f32 v21, v11  }
0x63: {  	v24 =	vsel vm12, $0x3F800000, v0;
	v14 =	vsel vm3, $0x3F800000, v0;
	v33 =	vsel vm11, $0x3F800000, v0  }
0x64: {  	vm11 =	vge.f32 v5, v2;
	v50 =	vsel vm15, $0x3F800000, v0;
	v54 =	vsel vm10, $0x3F800000, v0  }
0x65: {  	v56 =	vsel vm13, $0x3F800000, v0;
	vm2 =	vgt.f32 v3, v7;
	vm14 =	vgt.f32 v3, v8  }
0x66: {  	vm8 =	vgt.f32 v3, v6;
	vm12 =	vgt.f32 v3, v5;
	v11 =	vadd.f32 v23, v11  }
0x67: {  	v43 =	vsel vm11, $0x3F800000, v0;
	vm11 =	vgt.f32 v3, v2;
	v9 =	vadd.f32 v16, v9  }
0x68: {  	vm10 =	vge.f32 v6, v3;
	v12 =	vsel vm2, $0x3F800000, v0;
	v11 =	vadd.f32 v25, v11  }
0x69: {  	vm13 =	vge.f32 v4, v3;
	v9 =	vadd.f32 v12, v9;
	v12 =	vadd.f32 v27, v26  }
0x6a: {  	v10 =	vadd.f32 v13, v10;
	v28 =	vsel vm14, $0x3F800000, v0;
	v11 =	vadd.f32 v14, v11  }
0x6b: {  	v30 =	vsel vm8, $0x3F800000, v0;
	v36 =	vsel vm12, $0x3F800000, v0;
	v12 =	vadd.f32 v12, v29  }
0x6c: {  	vm14 =	vge.f32 v7, v2;
	vm8 =	vge.f32 v5, v4;
	v11 =	vadd.f32 v30, v11  }
0x6d: {  	vm12 =	vgt.f32 v1, v4;
	v16 =	vsel vm9, $0x3F800000, v0;
	v12 =	vadd.f32 v12, v31  }
0x6e: {  	v44 =	vld [tilespmem:s3+$0x0];
	v38 =	vsel vm14, $0x3F800000, v0;
	vm0 =	vlt.f32 v11, $4.000000000e+00;
	v11 =	vadd.f32 v35, v34  }
0x6f: {  	v45 =	vld [tilespmem:s7+$0x0];
	v10 =	vadd.f32 v22, v10;
	vm2 =	vlt.f32 v9, $4.000000000e+00;
	v9 =	vadd.f32 v12, v32  }
0x70: {  	v55 =	vsel vm11, $0x3F800000, v0;
	v12 =	vadd.f32 v39, v38;
	v11 =	vadd.f32 v11, v37  }
0x71: {  	v48 =	vld [tilespmem:s8+$0x0];
	vm9 =	vge.f32 v8, v3;
	v40 =	vsel vm8, $0x3F800000, v0;
	v10 =	vadd.f32 v24, v10  }
0x72: {  	v15 =	vsel vm12, $0x3F800000, v0;
	v12 =	vadd.f32 v12, v41;
	v11 =	vadd.f32 v11, v40  }
0x73: {  	v52 =	vld [tilespmem:s26+$0x0];
	vm14 =	vgt.f32 v3, v4;
	v14 =	vnsel vm2, $0x0, v44;
	v10 =	vadd.f32 v28, v10  }
0x74: {  	v13 =	vnsel vm2, $0x0, v45;
	v12 =	vadd.f32 v12, v43;
	v11 =	vadd.f32 v11, v42  }
0x75: {  	v17 =	vld [tilespmem:s11+$0x0];
	vm8 =	vge.f32 v7, v1;
	v18 =	vadd.f32 v13, v14;
	vm1 =	vlt.f32 v10, $4.000000000e+00  }
0x76: {  	v46 =	vadd.f32 v11, v15;
	v11 =	vadd.f32 v12, v47;
	v12 =	vnsel vm1, $0x0, v48  }
0x77: {  	v19 =	vld [tilespmem:s12+$0x0];
	vm12 =	vge.f32 v5, v1;
	v53 =	vsel vm8, $0x3F800000, v0;
	v18 =	vadd.f32 v18, v12  }
0x78: {  	v15 =	vadd.f32 v16, v53;
	v51 =	vadd.f32 v11, v50;
	v11 =	vnsel vm1, $0x0, v52  }
0x79: {  	v21 =	vld [tilespmem:s13+$0x0];
	v49 =	vsel vm14, $0x3F800000, v0;
	v9 =	vadd.f32 v9, v33;
	v18 =	vadd.f32 v18, v11  }
0x7a: {  	v20 =	vsel vm12, $0x3F800000, v0;
	v17 =	vnsel vm0, $0x0, v17;
	v15 =	vadd.f32 v15, v54  }
0x7b: {  	v57 =	vld [tilespmem:s14+$0x0];
	vm14 =	vge.f32 v2, v1;
	v9 =	vadd.f32 v9, v36;
	v18 =	vadd.f32 v18, v17  }
0x7c: {  	s11 =	rddreg [dreg:$0x5];
	vm8 =	vge.f32 v7, v3;
	v58 =	vnsel vm0, $0x0, v19;
	v15 =	vadd.f32 v15, v20  }
0x7d: {  	v60 =	vld [tilespmem:s11+$0x0];
	v25 =	vsel vm9, $0x3F800000, v0;
	vm3 =	vlt.f32 v9, $4.000000000e+00;
	v18 =	vadd.f32 v18, v58  }
0x7e: {  	s12 =	rddreg [dreg:$0x6];
	v61 =	vnsel vm3, $0x0, v21;
	v9 =	vadd.f32 v46, v49;
	v15 =	vadd.f32 v15, v56  }
0x7f: {  	v62 =	vld [tilespmem:s12+$0x0];
	v59 =	vsel vm14, $0x3F800000, v0;
	v24 =	vsel vm8, $0x3F800000, v0;
	v63 =	vadd.f32 v18, v61  }
0x80: {  	s13 =	rddreg [dreg:$0x7];
	vm15 =	vlt.f32 v9, $4.000000000e+00;
	v20 =	vnsel vm3, $0x0, v57;
	v9 =	vadd.f32 v15, v59  }
0x81: {  	vm11 =	vgt.f32 v3, v1;
	v26 =	vld [tilespmem:s13+$0x0];
	v15 =	vadd.f32 v25, v24;
	v8 =	vadd.f32 v63, v20  }
0x82: {  	s14 =	rddreg [dreg:$0x8];
	v27 =	vsel vm10, $0x3F800000, v0;
	v10 =	vadd.f32 v51, v55;
	v19 =	vnsel vm15, $0x0, v60  }
0x83: {  	vm12 =	vge.f32 v5, v3;
	v28 =	vld [tilespmem:s14+$0x0];
	v15 =	vadd.f32 v15, v27;
	v8 =	vadd.f32 v8, v19  }
0x84: {  	s11 =	rddreg [dreg:$0x9];
	v29 =	vsel vm11, $0x3F800000, v0;
	v30 =	vsel vm12, $0x3F800000, v0;
	v7 =	vnsel vm15, $0x0, v62  }
0x85: {  	v31 =	vld [tilespmem:s11+$0x0];
	vm0 =	vlt.f32 v10, $4.000000000e+00;
	v15 =	vadd.f32 v15, v30;
	v8 =	vadd.f32 v8, v7  }
0x86: {  	s12 =	rddreg [dreg:$0xa];
	v32 =	vsel vm13, $0x3F800000, v0;
	v6 =	vnsel vm0, $0x0, v26;
	v9 =	vadd.f32 v9, v29  }
0x87: {  	vm14 =	vge.f32 v2, v3;
	v2 =	vld [tilespmem:s12+$0x0];
	v15 =	vadd.f32 v15, v32;
	v8 =	vadd.f32 v8, v6  }
0x88: {  	vm4 =	vge.f32 v1, v3;
	s13 =	rddreg [dreg:$0xb];
	v33 =	vsel vm14, $0x3F800000, v0;
	v5 =	vnsel vm0, $0x0, v28  }
0x89: {  	v1 =	vld [tilespmem:s13+$0x0];
	vm15 =	vlt.f32 v9, $4.000000000e+00;
	v9 =	vadd.f32 v15, v33;
	v3 =	vadd.f32 v8, v5  }
0x8a: {  	s14 =	rddreg [dreg:$0xc];
	v34 =	vsel vm4, $0x3F800000, v0;
	v4 =	vnsel vm15, $0x0, v31  }
0x8b: {  	v35 =	vld [tilespmem:s14+$0x0];
	v8 =	vadd.f32 v9, v34;
	v3 =	vadd.f32 v3, v4  }
0x8c: {  	v2 =	vnsel vm15, $0x0, v2  }
0x8d: {  	vm5 =	vlt.f32 v8, $4.000000000e+00;
	v3 =	vadd.f32 v3, v2  }
0x8e: {  	v1 =	vnsel vm5, $0x0, v1  }
0x8f: {  	v3 =	vadd.f32 v3, v1  }
0x90: {  	v8 =	vnsel vm5, $0x0, v35  }
0x91: {  	v3 =	vadd.f32 v3, v8;
	_ =	sdelay $0x1  }
0x92: {  	(erf) = vrcp.f32 v3;
	_ =	sdelay $0x8  }
0x93: {  	v3 =	vpop (erf)  }
0x94: {  	v3 =	vmul.f32 $2.500000000e+00, v3;
	_ =	sdelay $0x1  }
0x95: {  	v36 =	vmul.f32 v3, v14  }
0x96: {  	v13 =	vmul.f32 v3, v13  }
0x97: {  	v37 =	vmul.f32 v3, v12;
	[tilespmem:$0xC000] =	vst v36  }
0x98: {  	v11 =	vmul.f32 v3, v11;
	[tilespmem:$0xC080] =	vst v13  }
0x99: {  	v38 =	vmul.f32 v3, v17;
	[tilespmem:$0xC100] =	vst v37  }
0x9a: {  	v39 =	vmul.f32 v3, v58;
	[tilespmem:$0xC180] =	vst v11  }
0x9b: {  	v40 =	vmul.f32 v3, v61;
	[tilespmem:$0xC200] =	vst v38  }
0x9c: {  	v41 =	vmul.f32 v3, v20;
	[tilespmem:$0xC280] =	vst v39  }
0x9d: {  	v42 =	vmul.f32 v3, v19;
	[tilespmem:$0xC300] =	vst v40  }
0x9e: {  	v7 =	vmul.f32 v3, v7;
	[tilespmem:$0xC380] =	vst v41  }
0x9f: {  	v6 =	vmul.f32 v3, v6;
	[tilespmem:$0xC400] =	vst v42  }
0xa0: {  	v5 =	vmul.f32 v3, v5;
	[tilespmem:$0xC480] =	vst v7  }
0xa1: {  	v4 =	vmul.f32 v3, v4;
	[tilespmem:$0xC500] =	vst v6  }
0xa2: {  	v2 =	vmul.f32 v3, v2;
	[tilespmem:$0xC580] =	vst v5  }
0xa3: {  	v1 =	vmul.f32 v3, v1;
	[tilespmem:$0xC600] =	vst v4  }
0xa4: {  	[tilespmem:$0xC680] =	vst v2;
	v2 =	vmul.f32 v3, v8  }
0xa5: {  	[tilespmem:$0xC700] =	vst v1  }
0xa6: {  	[tilespmem:$0xC780] =	vst v2  }
0xa7: {  	v7 =	vld [tilespmem:s10+$0x8000]  }
0xa8: {  	s11 =	sld [smem:$0x7F2];
	v8 =	vld [tilespmem:s28+$0x8000]  }
0xa9: {  	s12 =	sld [smem:$0x7F3];
	v6 =	vld [tilespmem:s29+$0x8000]  }
0xaa: {  	v5 =	vld [tilespmem:s30+$0x8000]  }
0xab: {  	v4 =	vld [tilespmem:s11+$0x8000]  }
0xac: {  	v2 =	vld [tilespmem:s12+$0x8000];
	_ =	sdelay $0x3  }
0xad: {  	vm6 =	vgt.f32 v8, v7;
	vm7 =	vgt.f32 v6, v7  }
0xae: {  	vm8 =	vgt.f32 v5, v7;
	vm9 =	vgt.f32 v4, v7;
	vm10 =	vgt.f32 v2, v7  }
0xaf: {  	vm12 =	vge.f32 v7, v8;
	vm13 =	vgt.f32 v6, v8;
	vm15 =	vgt.f32 v5, v8  }
0xb0: {  	vm4 =	vge.f32 v7, v6;
	vm5 =	vge.f32 v8, v6;
	v1 =	vsel vm6, $0x3F800000, v0  }
0xb1: {  	v3 =	vsel vm7, $0x3F800000, v0;
	v43 =	vsel vm8, $0x3F800000, v0;
	v44 =	vsel vm9, $0x3F800000, v0  }
0xb2: {  	v45 =	vsel vm10, $0x3F800000, v0;
	v47 =	vsel vm12, $0x3F800000, v0;
	v48 =	vsel vm13, $0x3F800000, v0  }
0xb3: {  	v50 =	vsel vm15, $0x3F800000, v0;
	vm6 =	vgt.f32 v4, v8;
	v51 =	vsel vm4, $0x3F800000, v0  }
0xb4: {  	v52 =	vsel vm5, $0x3F800000, v0;
	vm7 =	vgt.f32 v5, v6;
	vm8 =	vgt.f32 v2, v8  }
0xb5: {  	vm9 =	vgt.f32 v4, v6;
	vm13 =	vge.f32 v7, v5;
	vm5 =	vge.f32 v6, v5  }
0xb6: {  	s13 =	sld [smem:$0x7F5];
	v3 =	vadd.f32 v3, v1;
	v10 =	vadd.f32 v48, v47;
	v53 =	vsel vm6, $0x3F800000, v0  }
0xb7: {  	v11 =	vadd.f32 v52, v51;
	v54 =	vsel vm7, $0x3F800000, v0;
	v55 =	vsel vm8, $0x3F800000, v0  }
0xb8: {  	v56 =	vsel vm9, $0x3F800000, v0;
	v59 =	vsel vm13, $0x3F800000, v0;
	v63 =	vsel vm5, $0x3F800000, v0  }
0xb9: {  	v1 =	vld [tilespmem:s13+$0x8000];
	vm7 =	vgt.f32 v4, v5;
	vm8 =	vgt.f32 v2, v5;
	vm13 =	vge.f32 v6, v4  }
0xba: {  	v17 =	vsel vm7, $0x3F800000, v0;
	v18 =	vsel vm8, $0x3F800000, v0;
	v23 =	vsel vm13, $0x3F800000, v0  }
0xbb: {  	vm8 =	vge.f32 v5, v4;
	v9 =	vadd.f32 v43, v3;
	v10 =	vadd.f32 v50, v10  }
0xbc: {  	s14 =	sld [smem:$0x7F6];
	vm13 =	vge.f32 v4, v2;
	v11 =	vadd.f32 v54, v11;
	v26 =	vsel vm8, $0x3F800000, v0  }
0xbd: {  	v34 =	vsel vm13, $0x3F800000, v0;
	v9 =	vadd.f32 v44, v9;
	v10 =	vadd.f32 v53, v10  }
0xbe: {  	v11 =	vadd.f32 v56, v11;
	vm11 =	vgt.f32 v1, v7;
	vm10 =	vgt.f32 v1, v8  }
0xbf: {  	v3 =	vld [tilespmem:s14+$0x8000];
	vm15 =	vgt.f32 v1, v6;
	vm9 =	vgt.f32 v1, v5;
	vm8 =	vge.f32 v7, v1  }
0xc0: {  	vm13 =	vge.f32 v4, v1;
	v9 =	vadd.f32 v45, v9;
	v46 =	vsel vm11, $0x3F800000, v0  }
0xc1: {  	v10 =	vadd.f32 v55, v10;
	v57 =	vsel vm10, $0x3F800000, v0;
	vm11 =	vgt.f32 v2, v6  }
0xc2: {  	v61 =	vsel vm15, $0x3F800000, v0;
	vm10 =	vge.f32 v7, v4;
	v19 =	vsel vm9, $0x3F800000, v0  }
0xc3: {  	vm15 =	vge.f32 v8, v2;
	vm9 =	vge.f32 v6, v2;
	v40 =	vsel vm8, $0x3F800000, v0  }
0xc4: {  	vm14 =	vgt.f32 v3, v7;
	vm12 =	vgt.f32 v3, v8;
	v58 =	vsel vm11, $0x3F800000, v0  }
0xc5: {  	vm6 =	vgt.f32 v3, v6;
	vm11 =	vge.f32 v8, v4;
	v20 =	vsel vm10, $0x3F800000, v0  }
0xc6: {  	v25 =	vsel vm15, $0x3F800000, v0;
	vm10 =	vgt.f32 v2, v4;
	v27 =	vsel vm9, $0x3F800000, v0  }
0xc7: {  	vm15 =	vgt.f32 v1, v2;
	vm9 =	vge.f32 v8, v1;
	vm8 =	vge.f32 v7, v3  }
0xc8: {  	v9 =	vadd.f32 v46, v9;
	v49 =	vsel vm14, $0x3F800000, v0;
	v10 =	vadd.f32 v57, v10  }
0xc9: {  	v11 =	vadd.f32 v58, v11;
	vm14 =	vge.f32 v8, v5;
	v62 =	vsel vm12, $0x3F800000, v0  }
0xca: {  	v16 =	vsel vm6, $0x3F800000, v0;
	v21 =	vsel vm11, $0x3F800000, v0;
	v60 =	vsel vm14, $0x3F800000, v0  }
0xcb: {  	vm12 =	vgt.f32 v3, v5;
	v28 =	vsel vm10, $0x3F800000, v0;
	v12 =	vadd.f32 v60, v59  }
0xcc: {  	vm11 =	vge.f32 v5, v2;
	v37 =	vsel vm15, $0x3F800000, v0;
	v11 =	vadd.f32 v61, v11  }
0xcd: {  	v41 =	vsel vm9, $0x3F800000, v0;
	vm10 =	vge.f32 v6, v1;
	v12 =	vadd.f32 v12, v63  }
0xce: {  	vm9 =	vge.f32 v8, v3;
	v57 =	vsel vm8, $0x3F800000, v0;
	v11 =	vadd.f32 v16, v11  }
0xcf: {  	v22 =	vsel vm12, $0x3F800000, v0;
	v9 =	vadd.f32 v49, v9;
	v12 =	vadd.f32 v12, v17  }
0xd0: {  	v30 =	vld [tilespmem:s10+$0x0];
	vm14 =	vge.f32 v7, v2;
	vm0 =	vlt.f32 v11, $4.000000000e+00;
	v11 =	vadd.f32 v21, v20  }
0xd1: {  	v32 =	vld [tilespmem:s28+$0x0];
	v24 =	vsel vm14, $0x3F800000, v0;
	vm2 =	vlt.f32 v9, $4.000000000e+00;
	v9 =	vadd.f32 v12, v18  }
0xd2: {  	vm12 =	vgt.f32 v1, v4;
	v11 =	vadd.f32 v11, v23;
	v12 =	vadd.f32 v25, v24  }
0xd3: {  	v35 =	vld [tilespmem:s29+$0x0];
	v29 =	vsel vm11, $0x3F800000, v0;
	v15 =	vadd.f32 v41, v40;
	vm11 =	vgt.f32 v3, v2  }
0xd4: {  	v44 =	vsel vm10, $0x3F800000, v0;
	v11 =	vadd.f32 v11, v26;
	v12 =	vadd.f32 v12, v27  }
0xd5: {  	v39 =	vld [tilespmem:s30+$0x0];
	v58 =	vsel vm9, $0x3F800000, v0;
	v10 =	vadd.f32 v62, v10;
	v14 =	vnsel vm2, $0x0, v30  }
0xd6: {  	v13 =	vnsel vm2, $0x0, v32;
	v11 =	vadd.f32 v11, v28;
	v12 =	vadd.f32 v12, v29  }
0xd7: {  	v42 =	vld [tilespmem:s11+$0x0];
	v31 =	vsel vm12, $0x3F800000, v0;
	vm1 =	vlt.f32 v10, $4.000000000e+00;
	v43 =	vadd.f32 v13, v14  }
0xd8: {  	v33 =	vadd.f32 v11, v31;
	v11 =	vadd.f32 v12, v34;
	v12 =	vnsel vm1, $0x0, v35  }
0xd9: {  	v45 =	vld [tilespmem:s12+$0x0];
	vm10 =	vge.f32 v6, v3;
	vm14 =	vgt.f32 v3, v4;
	v18 =	vadd.f32 v43, v12  }
0xda: {  	vm12 =	vge.f32 v5, v1;
	v38 =	vadd.f32 v11, v37;
	v11 =	vnsel vm1, $0x0, v39  }
0xdb: {  	v48 =	vld [tilespmem:s13+$0x0];
	v46 =	vsel vm11, $0x3F800000, v0;
	v9 =	vadd.f32 v9, v19;
	v18 =	vadd.f32 v18, v11  }
0xdc: {  	v49 =	vsel vm13, $0x3F800000, v0;
	v15 =	vadd.f32 v15, v44;
	v17 =	vnsel vm0, $0x0, v42  }
0xdd: {  	v50 =	vld [tilespmem:s14+$0x0];
	v47 =	vsel vm12, $0x3F800000, v0;
	v9 =	vadd.f32 v9, v22;
	v18 =	vadd.f32 v18, v17  }
0xde: {  	s13 =	rddreg [dreg:$0xd];
	v36 =	vsel vm14, $0x3F800000, v0;
	v15 =	vadd.f32 v15, v47;
	v51 =	vnsel vm0, $0x0, v45  }
0xdf: {  	v53 =	vld [tilespmem:s13+$0x0];
	vm14 =	vge.f32 v2, v1;
	vm3 =	vlt.f32 v9, $4.000000000e+00;
	v18 =	vadd.f32 v18, v51  }
0xe0: {  	s14 =	rddreg [dreg:$0xe];
	v15 =	vadd.f32 v15, v49;
	v54 =	vnsel vm3, $0x0, v48;
	v9 =	vadd.f32 v33, v36  }
0xe1: {  	v55 =	vld [tilespmem:s14+$0x0];
	vm11 =	vgt.f32 v3, v1;
	v52 =	vsel vm14, $0x3F800000, v0;
	v56 =	vadd.f32 v18, v54  }
0xe2: {  	s11 =	rddreg [dreg:$0xf];
	v20 =	vnsel vm3, $0x0, v50;
	vm15 =	vlt.f32 v9, $4.000000000e+00;
	v9 =	vadd.f32 v15, v52  }
0xe3: {  	v59 =	vld [tilespmem:s11+$0x0];
	v60 =	vsel vm10, $0x3F800000, v0;
	v15 =	vadd.f32 v58, v57;
	v8 =	vadd.f32 v56, v20  }
0xe4: {  	s12 =	rddreg [dreg:$0x10];
	vm13 =	vge.f32 v4, v3;
	v10 =	vadd.f32 v38, v46;
	v19 =	vnsel vm15, $0x0, v53  }
0xe5: {  	v61 =	vld [tilespmem:s12+$0x0];
	vm12 =	vge.f32 v5, v3;
	v15 =	vadd.f32 v15, v60;
	v8 =	vadd.f32 v8, v19  }
0xe6: {  	s13 =	rddreg [dreg:$0x11];
	v62 =	vsel vm11, $0x3F800000, v0;
	v63 =	vsel vm12, $0x3F800000, v0;
	v7 =	vnsel vm15, $0x0, v55  }
0xe7: {  	v24 =	vld [tilespmem:s13+$0x0];
	vm0 =	vlt.f32 v10, $4.000000000e+00;
	v15 =	vadd.f32 v15, v63;
	v8 =	vadd.f32 v8, v7  }
0xe8: {  	s14 =	rddreg [dreg:$0x12];
	v25 =	vsel vm13, $0x3F800000, v0;
	v9 =	vadd.f32 v9, v62;
	v6 =	vnsel vm0, $0x0, v59  }
0xe9: {  	vm14 =	vge.f32 v2, v3;
	v2 =	vld [tilespmem:s14+$0x0];
	v15 =	vadd.f32 v15, v25;
	v8 =	vadd.f32 v8, v6  }
0xea: {  	vm4 =	vge.f32 v1, v3;
	s11 =	rddreg [dreg:$0x13];
	v26 =	vsel vm14, $0x3F800000, v0;
	v5 =	vnsel vm0, $0x0, v61  }
0xeb: {  	v1 =	vld [tilespmem:s11+$0x0];
	vm15 =	vlt.f32 v9, $4.000000000e+00;
	v9 =	vadd.f32 v15, v26;
	v3 =	vadd.f32 v8, v5  }
0xec: {  	s12 =	rddreg [dreg:$0x14];
	v27 =	vsel vm4, $0x3F800000, v0;
	v4 =	vnsel vm15, $0x0, v24  }
0xed: {  	v28 =	vld [tilespmem:s12+$0x0];
	v8 =	vadd.f32 v9, v27;
	v3 =	vadd.f32 v3, v4  }
0xee: {  	v2 =	vnsel vm15, $0x0, v2  }
0xef: {  	vm5 =	vlt.f32 v8, $4.000000000e+00;
	v3 =	vadd.f32 v3, v2  }
0xf0: {  	v1 =	vnsel vm5, $0x0, v1  }
0xf1: {  	v3 =	vadd.f32 v3, v1  }
0xf2: {  	v8 =	vnsel vm5, $0x0, v28  }
0xf3: {  	v3 =	vadd.f32 v3, v8;
	_ =	sdelay $0x1  }
0xf4: {  	(erf) = vrcp.f32 v3;
	_ =	sdelay $0x8  }
0xf5: {  	v3 =	vpop (erf)  }
0xf6: {  	v3 =	vmul.f32 $2.500000000e+00, v3;
	_ =	sdelay $0x1  }
0xf7: {  	v29 =	vmul.f32 v3, v14  }
0xf8: {  	v13 =	vmul.f32 v3, v13  }
0xf9: {  	v30 =	vmul.f32 v3, v12;
	[tilespmem:$0xC010] =	vst v29  }
0xfa: {  	v11 =	vmul.f32 v3, v11;
	[tilespmem:$0xC090] =	vst v13  }
0xfb: {  	v31 =	vmul.f32 v3, v17;
	[tilespmem:$0xC110] =	vst v30  }
0xfc: {  	v32 =	vmul.f32 v3, v51;
	[tilespmem:$0xC190] =	vst v11  }
0xfd: {  	v33 =	vmul.f32 v3, v54;
	[tilespmem:$0xC210] =	vst v31  }
0xfe: {  	v34 =	vmul.f32 v3, v20;
	[tilespmem:$0xC290] =	vst v32  }
0xff: {  	v35 =	vmul.f32 v3, v19;
	[tilespmem:$0xC310] =	vst v33  }
0x100: {  	v7 =	vmul.f32 v3, v7;
	[tilespmem:$0xC390] =	vst v34  }
0x101: {  	v6 =	vmul.f32 v3, v6;
	[tilespmem:$0xC410] =	vst v35  }
0x102: {  	v5 =	vmul.f32 v3, v5;
	[tilespmem:$0xC490] =	vst v7  }
0x103: {  	v4 =	vmul.f32 v3, v4;
	[tilespmem:$0xC510] =	vst v6  }
0x104: {  	v2 =	vmul.f32 v3, v2;
	[tilespmem:$0xC590] =	vst v5  }
0x105: {  	v1 =	vmul.f32 v3, v1;
	[tilespmem:$0xC610] =	vst v4  }
0x106: {  	[tilespmem:$0xC690] =	vst v2;
	v2 =	vmul.f32 v3, v8  }
0x107: {  	[tilespmem:$0xC710] =	vst v1  }
0x108: {  	[tilespmem:$0xC790] =	vst v2  }
0x109: {  	v7 =	vld [tilespmem:s15+$0x8000]  }
0x10a: {  	v8 =	vld [tilespmem:s31+$0x8000]  }
0x10b: {  	v6 =	vld [tilespmem:s0+$0x8000]  }
0x10c: {  	v5 =	vld [tilespmem:s1+$0x8000]  }
0x10d: {  	v4 =	vld [tilespmem:s16+$0x8000]  }
0x10e: {  	v2 =	vld [tilespmem:s17+$0x8000];
	_ =	sdelay $0x3  }
0x10f: {  	vm6 =	vgt.f32 v8, v7;
	vm7 =	vgt.f32 v6, v7  }
0x110: {  	vm8 =	vgt.f32 v5, v7;
	vm9 =	vgt.f32 v4, v7;
	vm10 =	vgt.f32 v2, v7  }
0x111: {  	vm12 =	vge.f32 v7, v8;
	vm13 =	vgt.f32 v6, v8;
	vm15 =	vgt.f32 v5, v8  }
0x112: {  	vm4 =	vge.f32 v7, v6;
	vm5 =	vge.f32 v8, v6;
	v1 =	vsel vm6, $0x3F800000, v0  }
0x113: {  	v3 =	vsel vm7, $0x3F800000, v0;
	v36 =	vsel vm8, $0x3F800000, v0;
	v37 =	vsel vm9, $0x3F800000, v0  }
0x114: {  	v38 =	vsel vm10, $0x3F800000, v0;
	v40 =	vsel vm12, $0x3F800000, v0;
	v41 =	vsel vm13, $0x3F800000, v0  }
0x115: {  	v43 =	vsel vm15, $0x3F800000, v0;
	vm6 =	vgt.f32 v4, v8;
	v44 =	vsel vm4, $0x3F800000, v0  }
0x116: {  	v45 =	vsel vm5, $0x3F800000, v0;
	vm7 =	vgt.f32 v5, v6;
	vm8 =	vgt.f32 v2, v8  }
0x117: {  	vm9 =	vgt.f32 v4, v6;
	vm13 =	vge.f32 v7, v5;
	vm5 =	vge.f32 v6, v5  }
0x118: {  	v3 =	vadd.f32 v3, v1;
	v10 =	vadd.f32 v41, v40;
	v46 =	vsel vm6, $0x3F800000, v0  }
0x119: {  	v11 =	vadd.f32 v45, v44;
	v47 =	vsel vm7, $0x3F800000, v0;
	v48 =	vsel vm8, $0x3F800000, v0  }
0x11a: {  	v49 =	vsel vm9, $0x3F800000, v0;
	v52 =	vsel vm13, $0x3F800000, v0;
	v56 =	vsel vm5, $0x3F800000, v0  }
0x11b: {  	v1 =	vld [tilespmem:s19+$0x8000];
	vm7 =	vgt.f32 v4, v5;
	vm8 =	vgt.f32 v2, v5;
	vm13 =	vge.f32 v6, v4  }
0x11c: {  	v58 =	vsel vm7, $0x3F800000, v0;
	v59 =	vsel vm8, $0x3F800000, v0;
	v17 =	vsel vm13, $0x3F800000, v0  }
0x11d: {  	vm8 =	vge.f32 v5, v4;
	v9 =	vadd.f32 v36, v3;
	v10 =	vadd.f32 v43, v10  }
0x11e: {  	vm13 =	vge.f32 v4, v2;
	v11 =	vadd.f32 v47, v11;
	v20 =	vsel vm8, $0x3F800000, v0  }
0x11f: {  	v28 =	vsel vm13, $0x3F800000, v0;
	v9 =	vadd.f32 v37, v9;
	v10 =	vadd.f32 v46, v10  }
0x120: {  	v11 =	vadd.f32 v49, v11;
	vm11 =	vgt.f32 v1, v7;
	vm10 =	vgt.f32 v1, v8  }
0x121: {  	v3 =	vld [tilespmem:s20+$0x8000];
	vm15 =	vgt.f32 v1, v6;
	vm9 =	vgt.f32 v1, v5;
	vm8 =	vge.f32 v7, v1  }
0x122: {  	vm13 =	vge.f32 v4, v1;
	v9 =	vadd.f32 v38, v9;
	v39 =	vsel vm11, $0x3F800000, v0  }
0x123: {  	v10 =	vadd.f32 v48, v10;
	v50 =	vsel vm10, $0x3F800000, v0;
	vm11 =	vgt.f32 v2, v6  }
0x124: {  	v54 =	vsel vm15, $0x3F800000, v0;
	vm10 =	vge.f32 v7, v4;
	v60 =	vsel vm9, $0x3F800000, v0  }
0x125: {  	vm15 =	vge.f32 v8, v2;
	vm9 =	vge.f32 v6, v2;
	v34 =	vsel vm8, $0x3F800000, v0  }
0x126: {  	v43 =	vsel vm13, $0x3F800000, v0;
	vm14 =	vgt.f32 v3, v7;
	vm12 =	vgt.f32 v3, v8  }
0x127: {  	v51 =	vsel vm11, $0x3F800000, v0;
	vm6 =	vgt.f32 v3, v6;
	vm11 =	vge.f32 v8, v4  }
0x128: {  	v61 =	vsel vm10, $0x3F800000, v0;
	v19 =	vsel vm15, $0x3F800000, v0;
	vm10 =	vgt.f32 v2, v4  }
0x129: {  	v21 =	vsel vm9, $0x3F800000, v0;
	vm15 =	vgt.f32 v1, v2;
	vm9 =	vge.f32 v8, v1  }
0x12a: {  	vm8 =	vge.f32 v7, v3;
	vm13 =	vge.f32 v4, v3;
	v9 =	vadd.f32 v39, v9  }
0x12b: {  	v42 =	vsel vm14, $0x3F800000, v0;
	v10 =	vadd.f32 v50, v10;
	vm14 =	vge.f32 v8, v5  }
0x12c: {  	v11 =	vadd.f32 v51, v11;
	v55 =	vsel vm12, $0x3F800000, v0;
	v53 =	vsel vm14, $0x3F800000, v0  }
0x12d: {  	v57 =	vsel vm6, $0x3F800000, v0;
	v62 =	vsel vm11, $0x3F800000, v0;
	v12 =	vadd.f32 v53, v52  }
0x12e: {  	vm12 =	vgt.f32 v3, v5;
	v22 =	vsel vm10, $0x3F800000, v0;
	v11 =	vadd.f32 v54, v11  }
0x12f: {  	vm11 =	vge.f32 v5, v2;
	v31 =	vsel vm15, $0x3F800000, v0;
	v12 =	vadd.f32 v12, v56  }
0x130: {  	v35 =	vsel vm9, $0x3F800000, v0;
	vm10 =	vge.f32 v6, v1;
	v11 =	vadd.f32 v57, v11  }
0x131: {  	vm9 =	vge.f32 v8, v3;
	v9 =	vadd.f32 v42, v9;
	v12 =	vadd.f32 v12, v58  }
0x132: {  	v24 =	vld [tilespmem:s15+$0x0];
	vm14 =	vge.f32 v7, v2;
	vm0 =	vlt.f32 v11, $4.000000000e+00;
	v11 =	vadd.f32 v62, v61  }
0x133: {  	v26 =	vld [tilespmem:s31+$0x0];
	v18 =	vsel vm14, $0x3F800000, v0;
	vm2 =	vlt.f32 v9, $4.000000000e+00;
	v9 =	vadd.f32 v12, v59  }
0x134: {  	v51 =	vsel vm8, $0x3F800000, v0;
	v11 =	vadd.f32 v11, v17;
	v12 =	vadd.f32 v19, v18  }
0x135: {  	v29 =	vld [tilespmem:s0+$0x0];
	v63 =	vsel vm12, $0x3F800000, v0;
	vm12 =	vgt.f32 v1, v4;
	v15 =	vadd.f32 v35, v34  }
0x136: {  	v23 =	vsel vm11, $0x3F800000, v0;
	v11 =	vadd.f32 v11, v20;
	v12 =	vadd.f32 v12, v21  }
0x137: {  	v33 =	vld [tilespmem:s1+$0x0];
	vm11 =	vgt.f32 v3, v2;
	v10 =	vadd.f32 v55, v10;
	v14 =	vnsel vm2, $0x0, v24  }
0x138: {  	v13 =	vnsel vm2, $0x0, v26;
	v11 =	vadd.f32 v11, v22;
	v12 =	vadd.f32 v12, v23  }
0x139: {  	v36 =	vld [tilespmem:s16+$0x0];
	v25 =	vsel vm12, $0x3F800000, v0;
	vm1 =	vlt.f32 v10, $4.000000000e+00;
	v37 =	vadd.f32 v13, v14  }
0x13a: {  	v27 =	vadd.f32 v11, v25;
	v11 =	vadd.f32 v12, v28;
	v12 =	vnsel vm1, $0x0, v29  }
0x13b: {  	v39 =	vld [tilespmem:s17+$0x0];
	v38 =	vsel vm10, $0x3F800000, v0;
	vm10 =	vge.f32 v6, v3;
	v18 =	vadd.f32 v37, v12  }
0x13c: {  	vm14 =	vgt.f32 v3, v4;
	v32 =	vadd.f32 v11, v31;
	v11 =	vnsel vm1, $0x0, v33  }
0x13d: {  	vm12 =	vge.f32 v5, v1;
	v42 =	vld [tilespmem:s19+$0x0];
	v9 =	vadd.f32 v9, v60;
	v18 =	vadd.f32 v18, v11  }
0x13e: {  	v40 =	vsel vm11, $0x3F800000, v0;
	v15 =	vadd.f32 v15, v38;
	v17 =	vnsel vm0, $0x0, v36  }
0x13f: {  	v44 =	vld [tilespmem:s20+$0x0];
	v41 =	vsel vm12, $0x3F800000, v0;
	v9 =	vadd.f32 v9, v63;
	v18 =	vadd.f32 v18, v17  }
0x140: {  	s13 =	rddreg [dreg:$0x15];
	v30 =	vsel vm14, $0x3F800000, v0;
	v15 =	vadd.f32 v15, v41;
	v45 =	vnsel vm0, $0x0, v39  }
0x141: {  	v47 =	vld [tilespmem:s13+$0x0];
	vm14 =	vge.f32 v2, v1;
	vm3 =	vlt.f32 v9, $4.000000000e+00;
	v18 =	vadd.f32 v18, v45  }
0x142: {  	s14 =	rddreg [dreg:$0x16];
	v15 =	vadd.f32 v15, v43;
	v48 =	vnsel vm3, $0x0, v42;
	v9 =	vadd.f32 v27, v30  }
0x143: {  	v49 =	vld [tilespmem:s14+$0x0];
	v52 =	vsel vm9, $0x3F800000, v0;
	v46 =	vsel vm14, $0x3F800000, v0;
	v50 =	vadd.f32 v18, v48  }
0x144: {  	s11 =	rddreg [dreg:$0x17];
	v20 =	vnsel vm3, $0x0, v44;
	vm15 =	vlt.f32 v9, $4.000000000e+00;
	v9 =	vadd.f32 v15, v46  }
0x145: {  	v53 =	vld [tilespmem:s11+$0x0];
	vm11 =	vgt.f32 v3, v1;
	v15 =	vadd.f32 v52, v51;
	v8 =	vadd.f32 v50, v20  }
0x146: {  	s12 =	rddreg [dreg:$0x18];
	v54 =	vsel vm10, $0x3F800000, v0;
	v10 =	vadd.f32 v32, v40;
	v19 =	vnsel vm15, $0x0, v47  }
0x147: {  	v55 =	vld [tilespmem:s12+$0x0];
	vm12 =	vge.f32 v5, v3;
	v15 =	vadd.f32 v15, v54;
	v8 =	vadd.f32 v8, v19  }
0x148: {  	s13 =	rddreg [dreg:$0x19];
	v56 =	vsel vm11, $0x3F800000, v0;
	v57 =	vsel vm12, $0x3F800000, v0;
	v7 =	vnsel vm15, $0x0, v49  }
0x149: {  	v58 =	vld [tilespmem:s13+$0x0];
	vm0 =	vlt.f32 v10, $4.000000000e+00;
	v15 =	vadd.f32 v15, v57;
	v8 =	vadd.f32 v8, v7  }
0x14a: {  	s14 =	rddreg [dreg:$0x1a];
	v59 =	vsel vm13, $0x3F800000, v0;
	v9 =	vadd.f32 v9, v56;
	v6 =	vnsel vm0, $0x0, v53  }
0x14b: {  	vm14 =	vge.f32 v2, v3;
	v2 =	vld [tilespmem:s14+$0x0];
	v15 =	vadd.f32 v15, v59;
	v8 =	vadd.f32 v8, v6  }
0x14c: {  	vm4 =	vge.f32 v1, v3;
	s11 =	rddreg [dreg:$0x1b];
	v60 =	vsel vm14, $0x3F800000, v0;
	v5 =	vnsel vm0, $0x0, v55  }
0x14d: {  	v1 =	vld [tilespmem:s11+$0x0];
	vm15 =	vlt.f32 v9, $4.000000000e+00;
	v9 =	vadd.f32 v15, v60;
	v3 =	vadd.f32 v8, v5  }
0x14e: {  	s12 =	rddreg [dreg:$0x1c];
	v61 =	vsel vm4, $0x3F800000, v0;
	v4 =	vnsel vm15, $0x0, v58  }
0x14f: {  	v62 =	vld [tilespmem:s12+$0x0];
	v8 =	vadd.f32 v9, v61;
	v3 =	vadd.f32 v3, v4  }
0x150: {  	v2 =	vnsel vm15, $0x0, v2  }
0x151: {  	vm5 =	vlt.f32 v8, $4.000000000e+00;
	v3 =	vadd.f32 v3, v2  }
0x152: {  	v1 =	vnsel vm5, $0x0, v1  }
0x153: {  	v3 =	vadd.f32 v3, v1  }
0x154: {  	v8 =	vnsel vm5, $0x0, v62  }
0x155: {  	v3 =	vadd.f32 v3, v8;
	_ =	sdelay $0x1  }
0x156: {  	(erf) = vrcp.f32 v3;
	_ =	sdelay $0x8  }
0x157: {  	v3 =	vpop (erf)  }
0x158: {  	v3 =	vmul.f32 $2.500000000e+00, v3;
	_ =	sdelay $0x1  }
0x159: {  	v63 =	vmul.f32 v3, v14  }
0x15a: {  	v13 =	vmul.f32 v3, v13  }
0x15b: {  	v14 =	vmul.f32 v3, v12;
	[tilespmem:$0xC020] =	vst v63  }
0x15c: {  	v11 =	vmul.f32 v3, v11;
	[tilespmem:$0xC0A0] =	vst v13  }
0x15d: {  	v15 =	vmul.f32 v3, v17;
	[tilespmem:$0xC120] =	vst v14  }
0x15e: {  	v16 =	vmul.f32 v3, v45;
	[tilespmem:$0xC1A0] =	vst v11  }
0x15f: {  	v17 =	vmul.f32 v3, v48;
	[tilespmem:$0xC220] =	vst v15  }
0x160: {  	v18 =	vmul.f32 v3, v20;
	[tilespmem:$0xC2A0] =	vst v16  }
0x161: {  	v19 =	vmul.f32 v3, v19;
	[tilespmem:$0xC320] =	vst v17  }
0x162: {  	v7 =	vmul.f32 v3, v7;
	[tilespmem:$0xC3A0] =	vst v18  }
0x163: {  	v6 =	vmul.f32 v3, v6;
	[tilespmem:$0xC420] =	vst v19  }
0x164: {  	v5 =	vmul.f32 v3, v5;
	[tilespmem:$0xC4A0] =	vst v7  }
0x165: {  	v4 =	vmul.f32 v3, v4;
	[tilespmem:$0xC520] =	vst v6  }
0x166: {  	v2 =	vmul.f32 v3, v2;
	[tilespmem:$0xC5A0] =	vst v5  }
0x167: {  	v1 =	vmul.f32 v3, v1;
	[tilespmem:$0xC620] =	vst v4  }
0x168: {  	[tilespmem:$0xC6A0] =	vst v2;
	v2 =	vmul.f32 v3, v8  }
0x169: {  	[tilespmem:$0xC720] =	vst v1  }
0x16a: {  	[tilespmem:$0xC7A0] =	vst v2  }
0x16b: {  	v7 =	vld [tilespmem:s18+$0x8000]  }
0x16c: {  	v8 =	vld [tilespmem:s2+$0x8000]  }
0x16d: {  	v6 =	vld [tilespmem:s4+$0x8000]  }
0x16e: {  	v5 =	vld [tilespmem:s5+$0x8000]  }
0x16f: {  	v4 =	vld [tilespmem:s21+$0x8000]  }
0x170: {  	v2 =	vld [tilespmem:s22+$0x8000];
	_ =	sdelay $0x3  }
0x171: {  	vm6 =	vgt.f32 v8, v7;
	vm7 =	vgt.f32 v6, v7  }
0x172: {  	vm8 =	vgt.f32 v5, v7;
	vm9 =	vgt.f32 v4, v7;
	vm10 =	vgt.f32 v2, v7  }
0x173: {  	vm12 =	vge.f32 v7, v8;
	vm13 =	vgt.f32 v6, v8;
	vm15 =	vgt.f32 v5, v8  }
0x174: {  	vm4 =	vge.f32 v7, v6;
	vm5 =	vge.f32 v8, v6;
	v1 =	vsel vm6, $0x3F800000, v0  }
0x175: {  	v3 =	vsel vm7, $0x3F800000, v0;
	v20 =	vsel vm8, $0x3F800000, v0;
	v21 =	vsel vm9, $0x3F800000, v0  }
0x176: {  	v22 =	vsel vm10, $0x3F800000, v0;
	v24 =	vsel vm12, $0x3F800000, v0;
	v25 =	vsel vm13, $0x3F800000, v0  }
0x177: {  	v27 =	vsel vm15, $0x3F800000, v0;
	vm6 =	vgt.f32 v4, v8;
	v28 =	vsel vm4, $0x3F800000, v0  }
0x178: {  	v29 =	vsel vm5, $0x3F800000, v0;
	vm7 =	vgt.f32 v5, v6;
	vm8 =	vgt.f32 v2, v8  }
0x179: {  	vm9 =	vgt.f32 v4, v6;
	vm13 =	vge.f32 v7, v5;
	vm5 =	vge.f32 v6, v5  }
0x17a: {  	v3 =	vadd.f32 v3, v1;
	v10 =	vadd.f32 v25, v24;
	v30 =	vsel vm6, $0x3F800000, v0  }
0x17b: {  	v11 =	vadd.f32 v29, v28;
	v31 =	vsel vm7, $0x3F800000, v0;
	v32 =	vsel vm8, $0x3F800000, v0  }
0x17c: {  	v33 =	vsel vm9, $0x3F800000, v0;
	v36 =	vsel vm13, $0x3F800000, v0;
	v40 =	vsel vm5, $0x3F800000, v0  }
0x17d: {  	v1 =	vld [tilespmem:s23+$0x8000];
	vm7 =	vgt.f32 v4, v5;
	vm8 =	vgt.f32 v2, v5;
	vm13 =	vge.f32 v6, v4  }
0x17e: {  	v42 =	vsel vm7, $0x3F800000, v0;
	v43 =	vsel vm8, $0x3F800000, v0;
	v48 =	vsel vm13, $0x3F800000, v0  }
0x17f: {  	vm8 =	vge.f32 v5, v4;
	v9 =	vadd.f32 v20, v3;
	v10 =	vadd.f32 v27, v10  }
0x180: {  	vm13 =	vge.f32 v4, v2;
	v11 =	vadd.f32 v31, v11;
	v51 =	vsel vm8, $0x3F800000, v0  }
0x181: {  	v59 =	vsel vm13, $0x3F800000, v0;
	v9 =	vadd.f32 v21, v9;
	v10 =	vadd.f32 v30, v10  }
0x182: {  	v3 =	vld [tilespmem:s24+$0x8000];
	v11 =	vadd.f32 v33, v11;
	vm11 =	vgt.f32 v1, v7;
	vm10 =	vgt.f32 v1, v8  }
0x183: {  	vm15 =	vgt.f32 v1, v6;
	vm9 =	vgt.f32 v1, v5;
	vm13 =	vge.f32 v5, v1  }
0x184: {  	v9 =	vadd.f32 v22, v9;
	v23 =	vsel vm11, $0x3F800000, v0;
	v10 =	vadd.f32 v32, v10  }
0x185: {  	v34 =	vsel vm10, $0x3F800000, v0;
	vm11 =	vgt.f32 v2, v6;
	v38 =	vsel vm15, $0x3F800000, v0  }
0x186: {  	vm10 =	vge.f32 v7, v4;
	v44 =	vsel vm9, $0x3F800000, v0;
	vm15 =	vge.f32 v8, v2  }
0x187: {  	vm9 =	vge.f32 v6, v2;
	v29 =	vsel vm13, $0x3F800000, v0;
	vm14 =	vgt.f32 v3, v7  }
0x188: {  	vm12 =	vgt.f32 v3, v8;
	v35 =	vsel vm11, $0x3F800000, v0;
	vm6 =	vgt.f32 v3, v6  }
0x189: {  	vm11 =	vge.f32 v8, v4;
	v45 =	vsel vm10, $0x3F800000, v0;
	v50 =	vsel vm15, $0x3F800000, v0  }
0x18a: {  	vm10 =	vgt.f32 v2, v4;
	v52 =	vsel vm9, $0x3F800000, v0;
	vm15 =	vgt.f32 v1, v2  }
0x18b: {  	vm9 =	vge.f32 v7, v1;
	vm4 =	vge.f32 v7, v3;
	vm5 =	vge.f32 v8, v3  }
0x18c: {  	v9 =	vadd.f32 v23, v9;
	v26 =	vsel vm14, $0x3F800000, v0;
	v10 =	vadd.f32 v34, v10  }
0x18d: {  	v11 =	vadd.f32 v35, v11;
	vm14 =	vge.f32 v8, v5;
	v39 =	vsel vm12, $0x3F800000, v0  }
0x18e: {  	v41 =	vsel vm6, $0x3F800000, v0;
	v46 =	vsel vm11, $0x3F800000, v0;
	v37 =	vsel vm14, $0x3F800000, v0  }
0x18f: {  	vm12 =	vgt.f32 v3, v5;
	v53 =	vsel vm10, $0x3F800000, v0;
	v12 =	vadd.f32 v37, v36  }
0x190: {  	vm11 =	vge.f32 v5, v2;
	v62 =	vsel vm15, $0x3F800000, v0;
	v11 =	vadd.f32 v38, v11  }
0x191: {  	vm10 =	vge.f32 v8, v1;
	v22 =	vsel vm9, $0x3F800000, v0;
	v12 =	vadd.f32 v12, v40  }
0x192: {  	vm6 =	vge.f32 v6, v3;
	vm9 =	vge.f32 v5, v3;
	v11 =	vadd.f32 v41, v11  }
0x193: {  	v47 =	vsel vm12, $0x3F800000, v0;
	v9 =	vadd.f32 v26, v9;
	v12 =	vadd.f32 v12, v42  }
0x194: {  	v55 =	vld [tilespmem:s18+$0x0];
	vm14 =	vge.f32 v7, v2;
	vm0 =	vlt.f32 v11, $4.000000000e+00;
	v11 =	vadd.f32 v46, v45  }
0x195: {  	v57 =	vld [tilespmem:s2+$0x0];
	v49 =	vsel vm14, $0x3F800000, v0;
	vm2 =	vlt.f32 v9, $4.000000000e+00;
	v9 =	vadd.f32 v12, v43  }
0x196: {  	vm12 =	vgt.f32 v1, v4;
	v11 =	vadd.f32 v11, v48;
	v12 =	vadd.f32 v50, v49  }
0x197: {  	v60 =	vld [tilespmem:s4+$0x0];
	v54 =	vsel vm11, $0x3F800000, v0;
	v23 =	vsel vm10, $0x3F800000, v0;
	vm11 =	vge.f32 v6, v1  }
0x198: {  	vm10 =	vgt.f32 v3, v1;
	v11 =	vadd.f32 v11, v51;
	v12 =	vadd.f32 v12, v52  }
0x199: {  	v21 =	vld [tilespmem:s5+$0x0];
	v10 =	vadd.f32 v39, v10;
	v56 =	vsel vm12, $0x3F800000, v0;
	v14 =	vnsel vm2, $0x0, v55  }
0x19a: {  	v13 =	vnsel vm2, $0x0, v57;
	v11 =	vadd.f32 v11, v53;
	v12 =	vadd.f32 v12, v54  }
0x19b: {  	v24 =	vld [tilespmem:s21+$0x0];
	vm14 =	vgt.f32 v3, v4;
	vm1 =	vlt.f32 v10, $4.000000000e+00;
	v25 =	vadd.f32 v13, v14  }
0x19c: {  	v58 =	vadd.f32 v11, v56;
	v11 =	vadd.f32 v12, v59;
	v12 =	vnsel vm1, $0x0, v60  }
0x19d: {  	v27 =	vld [tilespmem:s22+$0x0];
	v15 =	vadd.f32 v23, v22;
	vm12 =	vgt.f32 v3, v2;
	v18 =	vadd.f32 v25, v12  }
0x19e: {  	v26 =	vsel vm11, $0x3F800000, v0;
	v63 =	vadd.f32 v11, v62;
	v11 =	vnsel vm1, $0x0, v21  }
0x19f: {  	v30 =	vld [tilespmem:s23+$0x0];
	v36 =	vsel vm4, $0x3F800000, v0;
	v9 =	vadd.f32 v9, v44;
	v18 =	vadd.f32 v18, v11  }
0x1a0: {  	v37 =	vsel vm5, $0x3F800000, v0;
	vm11 =	vge.f32 v4, v3;
	v17 =	vnsel vm0, $0x0, v24  }
0x1a1: {  	v32 =	vld [tilespmem:s24+$0x0];
	v61 =	vsel vm14, $0x3F800000, v0;
	v9 =	vadd.f32 v9, v47;
	v18 =	vadd.f32 v18, v17  }
0x1a2: {  	s13 =	rddreg [dreg:$0x1d];
	v28 =	vsel vm12, $0x3F800000, v0;
	vm14 =	vge.f32 v4, v1;
	v33 =	vnsel vm0, $0x0, v27  }
0x1a3: {  	v34 =	vld [tilespmem:s13+$0x0];
	v16 =	vadd.f32 v37, v36;
	vm8 =	vlt.f32 v9, $4.000000000e+00;
	v35 =	vadd.f32 v18, v33  }
0x1a4: {  	s14 =	rddreg [dreg:$0x1e];
	v15 =	vadd.f32 v15, v26;
	v31 =	vsel vm14, $0x3F800000, v0;
	v38 =	vnsel vm8, $0x0, v30  }
0x1a5: {  	s11 =	rddreg [dreg:$0x1f];
	v39 =	vld [tilespmem:s14+$0x0];
	v40 =	vsel vm6, $0x3F800000, v0;
	v9 =	vadd.f32 v58, v61;
	v8 =	vadd.f32 v35, v38  }
0x1a6: {  	s12 =	sld [smem:$0x7F4];
	v15 =	vadd.f32 v15, v29;
	v41 =	vnsel vm8, $0x0, v32;
	vm8 =	vge.f32 v2, v1  }
0x1a7: {  	v42 =	vld [tilespmem:s11+$0x0];
	v10 =	vadd.f32 v63, v28;
	vm15 =	vlt.f32 v9, $4.000000000e+00;
	v8 =	vadd.f32 v8, v41  }
0x1a8: {  	s13 =	sld [smem:$0x7F7];
	v15 =	vadd.f32 v15, v31;
	v43 =	vsel vm8, $0x3F800000, v0;
	v44 =	vnsel vm15, $0x0, v34  }
0x1a9: {  	v47 =	vld [tilespmem:s12+$0x0];
	vm7 =	vlt.f32 v10, $4.000000000e+00;
	v10 =	vadd.f32 v16, v40;
	v8 =	vadd.f32 v8, v44  }
0x1aa: {  	s14 =	sld [smem:$0x7F8];
	v46 =	vsel vm9, $0x3F800000, v0;
	v45 =	vadd.f32 v15, v43;
	v6 =	vnsel vm15, $0x0, v39  }
0x1ab: {  	v48 =	vsel vm10, $0x3F800000, v0;
	v49 =	vld [tilespmem:s13+$0x0];
	v10 =	vadd.f32 v10, v46;
	v8 =	vadd.f32 v8, v6  }
0x1ac: {  	s11 =	sld [smem:$0x7F9];
	v50 =	vsel vm11, $0x3F800000, v0;
	v7 =	vadd.f32 v45, v48;
	v16 =	vnsel vm7, $0x0, v42  }
0x1ad: {  	vm12 =	vge.f32 v2, v3;
	v2 =	vld [tilespmem:s14+$0x0];
	v10 =	vadd.f32 v10, v50;
	v8 =	vadd.f32 v8, v16  }
0x1ae: {  	vm14 =	vge.f32 v1, v3;
	v52 =	vsel vm12, $0x3F800000, v0;
	s12 =	sld [smem:$0x7FA];
	v51 =	vnsel vm7, $0x0, v47  }
0x1af: {  	v1 =	vld [tilespmem:s11+$0x0];
	vm13 =	vlt.f32 v7, $4.000000000e+00;
	v7 =	vadd.f32 v10, v52;
	v3 =	vadd.f32 v8, v51  }
0x1b0: {  	v53 =	vsel vm14, $0x3F800000, v0;
	v4 =	vnsel vm13, $0x0, v49  }
0x1b1: {  	v54 =	vld [tilespmem:s12+$0x0];
	v7 =	vadd.f32 v7, v53;
	v3 =	vadd.f32 v3, v4  }
0x1b2: {  	v2 =	vnsel vm13, $0x0, v2  }
0x1b3: {  	vm15 =	vlt.f32 v7, $4.000000000e+00;
	v3 =	vadd.f32 v3, v2  }
0x1b4: {  	v1 =	vnsel vm15, $0x0, v1  }
0x1b5: {  	v3 =	vadd.f32 v3, v1  }
0x1b6: {  	v7 =	vnsel vm15, $0x0, v54  }
0x1b7: {  	v3 =	vadd.f32 v3, v7;
	_ =	sdelay $0x1  }
0x1b8: {  	(erf) = vrcp.f32 v3;
	_ =	sdelay $0x8  }
0x1b9: {  	v3 =	vpop (erf)  }
0x1ba: {  	v3 =	vmul.f32 $2.500000000e+00, v3;
	_ =	sdelay $0x1  }
0x1bb: {  	v55 =	vmul.f32 v3, v14  }
0x1bc: {  	v56 =	vmul.f32 v3, v13  }
0x1bd: {  	v57 =	vmul.f32 v3, v12;
	[tilespmem:$0xC030] =	vst v55  }
0x1be: {  	v58 =	vmul.f32 v3, v11;
	[tilespmem:$0xC0B0] =	vst v56  }
0x1bf: {  	v59 =	vmul.f32 v3, v17;
	[tilespmem:$0xC130] =	vst v57  }
0x1c0: {  	v9 =	vmul.f32 v3, v33;
	[tilespmem:$0xC1B0] =	vst v58  }
0x1c1: {  	v60 =	vmul.f32 v3, v38;
	[tilespmem:$0xC230] =	vst v59  }
0x1c2: {  	v61 =	vmul.f32 v3, v41;
	[tilespmem:$0xC2B0] =	vst v9  }
0x1c3: {  	v5 =	vmul.f32 v3, v44;
	[tilespmem:$0xC330] =	vst v60  }
0x1c4: {  	v6 =	vmul.f32 v3, v6;
	[tilespmem:$0xC3B0] =	vst v61  }
0x1c5: {  	v62 =	vmul.f32 v3, v16;
	[tilespmem:$0xC430] =	vst v5  }
0x1c6: {  	v63 =	vmul.f32 v3, v51;
	[tilespmem:$0xC4B0] =	vst v6  }
0x1c7: {  	v4 =	vmul.f32 v3, v4;
	[tilespmem:$0xC530] =	vst v62  }
0x1c8: {  	v2 =	vmul.f32 v3, v2;
	[tilespmem:$0xC5B0] =	vst v63  }
0x1c9: {  	s13 =	sld [smem:$0x7FB];
	v1 =	vmul.f32 v3, v1;
	[tilespmem:$0xC630] =	vst v4  }
0x1ca: {  	s14 =	sld [smem:$0x7FD];
	[tilespmem:$0xC6B0] =	vst v2;
	v2 =	vmul.f32 v3, v7  }
0x1cb: {  	p0 =	sne.s32 s25, $0x1;
	[tilespmem:$0xC730] =	vst v1  }
.Ltmp0:
0x1cc: {  	[tilespmem:$0xC7B0] =	vst v2;
	(pc) =	sbr.rel @p0 .LBB2_1-.Ltmp0, $4  }
0x1cd: {  	[hbm4b:s13+s9] =	stream.linear.scatter [tilespmem:s14], [sflag:$0x1], $0x800, $0x38;
	[tilespmem:$0xC800] =	vst v63  }
0x1ce: {  	_ =	swait.ge [sflag:s6], $0x800  }
0x1cf: {  	[sflag:s6] =	ssyncset.done $0x0  }
0x1d0: {  	s25 =	sadd.s32 $0xFFFFFFFF, s25;
	[sflag:s6] =	ssyncadd.s32 $0xFFFFF800  }
0x1d1: {  	_ =	sfence.sel $0x180000  }
0x1d2: {  	[bflag:$0x0] =	sbarrier.arrive $0xFFFF  }
0x1d3: {  	_ =	strace $0x90000047  }
0x1d4: {  	s0 =	stileid.u32;
	[bflag:$0x2] =	sbarrier.arrive $0xFFFF  }
0x1d5: {  	p0 =	sne.s32 s0, $0x0;
	s0 =	rddreg [dreg:$0x2]  }
0x1d6: {  	s0 =	sadd.s32 @!p0 $0x100000, s0  }
0x1d7: {  	[sflag:s0] =	ssyncadd.tile.s32 @!p0 $0x1;
	_ =	shalt  }
.Lfunc_end2:
_tile_overlayer_lowered:
.L_overlay_start_2:
0x1d8: {  	(tag) =	ssettag $0x2  }
0x1d9: {  	s0 =	rddreg [dreg:$0x0];
	s2 =	stileid.u32  }
0x1da: {  	s1 =	rddreg [dreg:$0x1];
	p0 =	sne.s32 s2, $0x0  }
0x1db: {  	s3 =	rddreg [dreg:$0x2];
	[bflag:$0x3] =	sbarrier.arrive $0xFFFF;
	s2 =	simm.s32 @!p0 $0x1C01  }
0x1dc: {  	[timem:s3], [sflag:s2] =	dma.local @!p0 [hbm:s0], s1  }
0x1dd: {  	s0 =	simm.s32 @!p0 $0x1  }
0x1de: {  	_ =	swait.ge @!p0 [sflag:s0], s1  }
0x1df: {  	s1 =	ssub.s32 @!p0 $0x0, s1;
	[sflag:s0] =	ssyncset.done @!p0 $0x0  }
0x1e0: {  	[sflag:s0] =	ssyncadd.s32 @!p0 s1  }
0x1e1: {  	[bflag:$0x3] =	sbarrier.arrive $0xFFFF  }
0x1e2: {  	_ =	shalt  }

</sc_bundles>
